<compile_context>
chip_gen: v7x
topology: tpu7x:2x2x1
jax: 0.10.2.dev20260603
libtpu: 0.0.44.dev20260713+nightly
codegen_flags: <defaults>
</compile_context>

<pallas_src>
import dataclasses
import functools

import jax
import jax.numpy as jnp
from jax import lax
from jax.experimental import pallas as pl
from jax.experimental.pallas import tpu as pltpu
from jax.experimental.pallas import tpu_sc as plsc

O = 10000
T = 160000
DIN = 128
H = 128
DOUT = 128

NC = 2
NS = 16
NW = NC * NS

CH = 128
RPT = 624
RPT_TAIL = O - NS * RPT

NSLICE = 2
TS = T // NSLICE

_f32 = jnp.float32


def _layout_cp():
    cp = pltpu.CompilerParams()
    if "needs_layout_passes" in pltpu.CompilerParams.__dataclass_fields__:
        cp = dataclasses.replace(cp, needs_layout_passes=False)
    return cp


def _nch(wid, n):
    nchunks = n // CH
    base = nchunks // NW
    rem = nchunks - base * NW
    return base + jnp.where(wid < rem, 1, 0)


def _sc_gather(obj_vecs, s_idx, o_idx):
    n = s_idx.shape[0]
    mesh = plsc.VectorSubcoreMesh(core_axis_name="c", subcore_axis_name="s")
    out_type = (jax.ShapeDtypeStruct((n, DIN), _f32),
                jax.ShapeDtypeStruct((n, DIN), _f32))

    @functools.partial(
        pl.kernel, mesh=mesh, out_type=out_type,
        scratch_types=[
            pltpu.VMEM((CH,), jnp.int32),
            pltpu.VMEM((CH,), jnp.int32),
            pltpu.VMEM((CH, DIN), _f32),
            pltpu.VMEM((CH, DIN), _f32),
            pltpu.SemaphoreType.DMA,
            pltpu.SemaphoreType.DMA,
        ],
    )
    def k(obj_hbm, sidx_hbm, oidx_hbm, sg_hbm, og_hbm,
          sidx_v, oidx_v, srows_v, orows_v, sem_s, sem_o):
        wid = lax.axis_index("s") * NC + lax.axis_index("c")

        @pl.loop(0, _nch(wid, n))
        def _(kk):
            cbase = (wid + NW * kk) * CH
            pltpu.sync_copy(sidx_hbm.at[pl.ds(cbase, CH)], sidx_v)
            pltpu.sync_copy(oidx_hbm.at[pl.ds(cbase, CH)], oidx_v)
            cs = pltpu.async_copy(obj_hbm.at[sidx_v], srows_v, sem_s)
            co = pltpu.async_copy(obj_hbm.at[oidx_v], orows_v, sem_o)
            cs.wait()
            co.wait()
            pltpu.sync_copy(srows_v, sg_hbm.at[pl.ds(cbase, CH)])
            pltpu.sync_copy(orows_v, og_hbm.at[pl.ds(cbase, CH)])

    return k(obj_vecs, s_idx, o_idx)


def _sc_scatter(s_out, o_out, s_idx, o_idx, zeros_p):
    n = s_idx.shape[0]
    mesh = plsc.VectorSubcoreMesh(core_axis_name="c", subcore_axis_name="s")
    out_type = (jax.ShapeDtypeStruct((NC, O, H), _f32),
                jax.ShapeDtypeStruct((NW, O), _f32))

    @functools.partial(
        pl.kernel, mesh=mesh, out_type=out_type, compiler_params=_layout_cp(),
        scratch_types=[
            pltpu.VMEM((CH,), jnp.int32),
            pltpu.VMEM((CH, H), _f32),
            pltpu.VMEM((O,), _f32),
            pltpu.VMEM_SHARED((O, H), _f32),
        ],
    )
    def k(sout_hbm, oout_hbm, sidx_hbm, oidx_hbm, zp_hbm,
          pooled_out, counts_out,
          idx_v, rows_v, cnt_v, pooled_sh):
        cid = lax.axis_index("c")
        sid = lax.axis_index("s")
        wid = sid * NC + cid
        base = sid * RPT
        zeros16 = jnp.zeros((16,), _f32)
        ones16 = jnp.ones((16,), _f32)

        @pl.loop(0, O, step=16)
        def _(i):
            cnt_v[pl.ds(i, 16)] = zeros16

        pltpu.sync_copy(zp_hbm, rows_v)
        for j in range(4):
            pltpu.sync_copy(rows_v, pooled_sh.at[pl.ds(base + j * CH, CH)])
        pltpu.sync_copy(rows_v.at[pl.ds(0, RPT - 4 * CH)],
                        pooled_sh.at[pl.ds(base + 4 * CH, RPT - 4 * CH)])

        @pl.when(sid == NS - 1)
        def _():
            pltpu.sync_copy(rows_v.at[pl.ds(0, RPT_TAIL)],
                            pooled_sh.at[pl.ds(NS * RPT, RPT_TAIL)])

        plsc.subcore_barrier()

        @pl.loop(0, _nch(wid, n))
        def _(kk):
            cbase = (wid + NW * kk) * CH
            pltpu.sync_copy(sidx_hbm.at[pl.ds(cbase, CH)], idx_v)
            pltpu.sync_copy(sout_hbm.at[pl.ds(cbase, CH)], rows_v)
            pltpu.sync_copy(rows_v, pooled_sh.at[idx_v], add=True)
            for j in range(CH // 16):
                plsc.addupdate_scatter(cnt_v, [idx_v[pl.ds(j * 16, 16)]], ones16)
            pltpu.sync_copy(oidx_hbm.at[pl.ds(cbase, CH)], idx_v)
            pltpu.sync_copy(oout_hbm.at[pl.ds(cbase, CH)], rows_v)
            pltpu.sync_copy(rows_v, pooled_sh.at[idx_v], add=True)
            for j in range(CH // 16):
                plsc.addupdate_scatter(cnt_v, [idx_v[pl.ds(j * 16, 16)]], ones16)

        pltpu.sync_copy(cnt_v, counts_out.at[wid])
        plsc.subcore_barrier()
        for j in range(4):
            pltpu.sync_copy(pooled_sh.at[pl.ds(base + j * CH, CH)], rows_v)
            pltpu.sync_copy(rows_v, pooled_out.at[cid, pl.ds(base + j * CH, CH)])
        pltpu.sync_copy(pooled_sh.at[pl.ds(base + 4 * CH, RPT - 4 * CH)],
                        rows_v.at[pl.ds(0, RPT - 4 * CH)])
        pltpu.sync_copy(rows_v.at[pl.ds(0, RPT - 4 * CH)],
                        pooled_out.at[cid, pl.ds(base + 4 * CH, RPT - 4 * CH)])

        @pl.when(sid == NS - 1)
        def _():
            pltpu.sync_copy(pooled_sh.at[pl.ds(NS * RPT, RPT_TAIL)],
                            rows_v.at[pl.ds(0, RPT_TAIL)])
            pltpu.sync_copy(rows_v.at[pl.ds(0, RPT_TAIL)],
                            pooled_out.at[cid, pl.ds(NS * RPT, RPT_TAIL)])

    return k(s_out, o_out, s_idx, o_idx, zeros_p)


BT = 2000


def _mlp_body(sg_ref, p_ref, og_ref, w1a_ref, b1a_ref, w1b_ref, b1b_ref,
              s_ref, p_out_ref, o_ref):
    x = jnp.concatenate([sg_ref[...], p_ref[...], og_ref[...]], axis=1)
    h = jnp.maximum(
        jnp.dot(x, w1a_ref[...], preferred_element_type=_f32,
                precision=lax.Precision.HIGHEST) + b1a_ref[...], 0.0)
    t = jnp.maximum(
        jnp.dot(h, w1b_ref[...], preferred_element_type=_f32,
                precision=lax.Precision.HIGHEST) + b1b_ref[...], 0.0)
    s_ref[...] = t[:, :H]
    p_out_ref[...] = t[:, H:H + DOUT]
    o_ref[...] = t[:, H + DOUT:]


def _tc_mlp(sg, p, og, W1a, b1a, W1b, b1b):
    n = sg.shape[0]
    row_spec = pl.BlockSpec((BT, DIN), lambda i: (i, 0))
    full = lambda shape: pl.BlockSpec(shape, lambda i: tuple(0 for _ in shape))
    return pl.pallas_call(
        _mlp_body,
        grid=(n // BT,),
        in_specs=[row_spec, row_spec, row_spec,
                  full((3 * DIN, H)), full((1, H)),
                  full((H, 2 * H + DOUT)), full((1, 2 * H + DOUT))],
        out_specs=[pl.BlockSpec((BT, H), lambda i: (i, 0))] * 3,
        out_shape=[jax.ShapeDtypeStruct((n, H), _f32)] * 3,
    )(sg, p, og, W1a, b1a, W1b, b1b)


BO = 2000


def _final_body(pp_ref, cc_ref, w2a_ref, b2a_ref, w2b_ref, b2b_ref, out_ref):
    pooled = jnp.sum(pp_ref[...], axis=0)
    cnt = jnp.sum(cc_ref[0], axis=0)[:, None]
    cnt = jnp.clip(cnt, 1.0, float(O))
    pooled = pooled / cnt
    h2 = jnp.maximum(
        jnp.dot(pooled, w2a_ref[...], preferred_element_type=_f32,
                precision=lax.Precision.HIGHEST) + b2a_ref[...], 0.0)
    out_ref[...] = jnp.maximum(
        jnp.dot(h2, w2b_ref[...], preferred_element_type=_f32,
                precision=lax.Precision.HIGHEST) + b2b_ref[...], 0.0)


def _tc_final(pp, cc, W2a, b2a, W2b, b2b):
    npart = pp.shape[0]
    ncnt = cc.shape[1]
    full = lambda shape: pl.BlockSpec(shape, lambda i: tuple(0 for _ in shape))
    return pl.pallas_call(
        _final_body,
        grid=(O // BO,),
        in_specs=[pl.BlockSpec((npart, BO, H), lambda i: (0, i, 0)),
                  pl.BlockSpec((1, ncnt, BO), lambda i: (i, 0, 0)),
                  full((H, H)), full((1, H)), full((H, DOUT)), full((1, DOUT))],
        out_specs=pl.BlockSpec((BO, DOUT), lambda i: (i, 0)),
        out_shape=jax.ShapeDtypeStruct((O, DOUT), _f32),
    )(pp, cc, W2a, b2a, W2b, b2b)


def kernel(obj_vecs, pred_vecs, edges, W1a, b1a, W1b, b1b, W2a, b2a, W2b, b2b):
    s_idx = edges[:, 0]
    o_idx = edges[:, 1]
    zeros_p = jnp.zeros((CH, H), _f32)

    pps, ccs, pouts = [], [], []
    for k in range(NSLICE):
        lo, hi = k * TS, (k + 1) * TS
        s_k, o_k = s_idx[lo:hi], o_idx[lo:hi]
        sg, og = _sc_gather(obj_vecs, s_k, o_k)
        s_out, p_out, o_out = _tc_mlp(sg, pred_vecs[lo:hi], og,
                                      W1a, b1a.reshape(1, -1),
                                      W1b, b1b.reshape(1, -1))
        pp, cc = _sc_scatter(s_out, o_out, s_k, o_k, zeros_p)
        pps.append(pp)
        ccs.append(cc)
        pouts.append(p_out)

    pp = jnp.concatenate(pps, axis=0)
    cc = jnp.concatenate(ccs, axis=0)
    cc = cc.reshape(NSLICE * NW, O // BO, BO).transpose(1, 0, 2)
    new_p_vecs = jnp.concatenate(pouts, axis=0)
    new_obj_vecs = _tc_final(pp, cc, W2a, b2a.reshape(1, -1),
                             W2b, b2b.reshape(1, -1))
    return new_obj_vecs, new_p_vecs

# --- scband reference (transcript-rebuilt; emitter-appended) ---
"""Pipeline reference for scband-graph-triple-conv-3530463117740 (READ-ONLY COPY).

The authoritative reference and input builder live on the scoring server;
editing this copy changes nothing except your own understanding.
"""

import jax, jax.numpy as jnp
import numpy as np

O = 10000
T = 160000
DIN = 128
H = 128
DOUT = 128


def _mlp_params(key, dims):
    params = []
    for i in range(len(dims) - 1):
        key, k1, k2 = jax.random.split(key, 3)
        W = jax.random.normal(k1, (dims[i], dims[i + 1]), jnp.float32) * (1.0 / np.sqrt(dims[i]))
        b = jnp.zeros((dims[i + 1],), jnp.float32)
        params.append((W, b))
    return params


def setup_inputs(seed: int = 0) -> dict:
    key = jax.random.key(seed)
    k0, k1, k2, k3, k4 = jax.random.split(key, 5)
    obj_vecs = jax.random.normal(k0, (O, DIN), jnp.float32)
    pred_vecs = jax.random.normal(k1, (T, DIN), jnp.float32)
    edges = jax.random.randint(k2, (T, 2), 0, O, dtype=jnp.int32)
    (W1a, b1a), (W1b, b1b) = _mlp_params(k3, [3 * DIN, H, 2 * H + DOUT])
    (W2a, b2a), (W2b, b2b) = _mlp_params(k4, [H, H, DOUT])
    return {"obj_vecs": obj_vecs, "pred_vecs": pred_vecs, "edges": edges,
            "W1a": W1a, "b1a": b1a, "W1b": W1b, "b1b": b1b,
            "W2a": W2a, "b2a": b2a, "W2b": W2b, "b2b": b2b}


def reference(obj_vecs, pred_vecs, edges, W1a, b1a, W1b, b1b, W2a, b2a, W2b, b2b):
    s_idx = edges[:, 0]
    o_idx = edges[:, 1]
    cur_s_vecs = jnp.take(obj_vecs, s_idx, axis=0)
    cur_o_vecs = jnp.take(obj_vecs, o_idx, axis=0)
    cur_t_vecs = jnp.concatenate([cur_s_vecs, pred_vecs, cur_o_vecs], axis=1)
    # net1: Linear-ReLU-Linear-ReLU (build_mlp with final_nonlinearity=True)
    h = jax.nn.relu(cur_t_vecs @ W1a + b1a)
    new_t_vecs = jax.nn.relu(h @ W1b + b1b)
    new_s_vecs = new_t_vecs[:, :H]
    new_p_vecs = new_t_vecs[:, H:H + DOUT]
    new_o_vecs = new_t_vecs[:, H + DOUT:2 * H + DOUT]
    pooled = jnp.zeros((O, H), jnp.float32)
    pooled = pooled.at[s_idx].add(new_s_vecs)
    pooled = pooled.at[o_idx].add(new_o_vecs)
    counts = jnp.zeros((O,), jnp.float32)
    ones = jnp.ones((T,), jnp.float32)
    counts = counts.at[s_idx].add(ones)
    counts = counts.at[o_idx].add(ones)
    counts = jnp.clip(counts, 1.0, float(O))
    pooled = pooled / counts[:, None]
    h2 = jax.nn.relu(pooled @ W2a + b2a)
    new_obj_vecs = jax.nn.relu(h2 @ W2b + b2b)
    return (new_obj_vecs, new_p_vecs)

if __name__ == "__main__":
    import jax
    _d = setup_inputs()
    print(jax.jit(kernel)(*tuple(_d.values())))

</pallas_src>

<mosaic_0001>
#map = affine_map<(d0, d1) -> (0, 0)>
#map1 = affine_map<(d0, d1) -> (0)>
#map2 = affine_map<(d0, d1) -> (0, 0, 0)>
module attributes {stable_mosaic.version = 14 : i64} {
  func.func @k(%arg0: i32, %arg1: i32, %arg2: memref<80000x128xf32, #tpu.memory_space<hbm>>, %arg3: memref<80000x128xf32, #tpu.memory_space<hbm>>, %arg4: memref<80000xi32, #tpu.memory_space<hbm>>, %arg5: memref<80000xi32, #tpu.memory_space<hbm>>, %arg6: memref<128x128xf32, #tpu.memory_space<hbm>>, %arg7: memref<2x10000x128xf32, #tpu.memory_space<hbm>>, %arg8: memref<32x10000xf32, #tpu.memory_space<hbm>>, %arg9: memref<128xi32, #tpu.memory_space<vmem>>, %arg10: memref<128x128xf32, #tpu.memory_space<vmem>>, %arg11: memref<10000xf32, #tpu.memory_space<vmem>>, %arg12: memref<10000x128xf32, #tpu.memory_space<vmem_shared>>) attributes {dimension_semantics = [#tpu.dimension_semantics<core_parallel>, #tpu.dimension_semantics<subcore_parallel>], iteration_bounds = array<i64: 2, 16>, scalar_prefetch = 0 : i64, scratch_operands = 4 : i64, tpu.core_type = #tpu.core_type<sc_vector_subcore>, window_params = [{transform_indices = #map}, {transform_indices = #map}, {transform_indices = #map1}, {transform_indices = #map1}, {transform_indices = #map}, {transform_indices = #map2}, {transform_indices = #map}]} {
    %mul3A = arith.constant 2 : i32
    %mul3A_0 = arith.muli %arg1, %mul3A : i32
    %add3A = arith.addi %mul3A_0, %arg0 : i32
    %mul3A_1 = arith.constant 624 : i32
    %mul3A_2 = arith.muli %arg1, %mul3A_1 : i32
    %broadcast_in_dim3A = arith.constant 0.000000e+00 : f32
    %broadcast_in_dim3A_3 = vector.broadcast %broadcast_in_dim3A : f32 to vector<16xf32>
    %broadcast_in_dim3A_4 = arith.constant 1.000000e+00 : f32
    %broadcast_in_dim3A_5 = vector.broadcast %broadcast_in_dim3A_4 : f32 to vector<16xf32>
    %scan3A = arith.constant 0 : i32
    %scan3A_6 = arith.constant 625 : i32
    %scan3A_7 = arith.addi %scan3A, %scan3A_6 : i32
    %scan3A_8 = arith.constant 1 : i32
    scf.for %scan3A_68 = %scan3A to %scan3A_7 step %scan3A_8  : i32 {
      %mul3A_69 = arith.constant 16 : i32
      %mul3A_70 = arith.muli %scan3A_68, %mul3A_69 : i32
      %add3A_71 = arith.constant 0 : i32
      %add3A_72 = arith.addi %add3A_71, %mul3A_70 : i32
      %swap3A = arith.index_cast %add3A_72 : i32 to index
      %swap3A_73 = tpu.vector_load %arg11[%swap3A] {strides = array<i32>} : memref<10000xf32, #tpu.memory_space<vmem>>, vector<16xf32>,
      tpu.vector_store %arg11[%swap3A], %broadcast_in_dim3A_3 {strides = array<i32>} : memref<10000xf32, #tpu.memory_space<vmem>>, vector<16xf32>,
    }
    %scan3A_9 = arith.constant 625 : i32
    "tpu.region"() ({
      %run_scoped3A = tpu.sem_alloc : memref<!tpu.dma_semaphore, #tpu.memory_space<semaphore_mem>>
      tpu.enqueue_dma source(%arg6 : memref<128x128xf32, #tpu.memory_space<hbm>>) target(%arg10 : memref<128x128xf32, #tpu.memory_space<vmem>>) target_semaphore(%run_scoped3A : memref<!tpu.dma_semaphore, #tpu.memory_space<semaphore_mem>>)
      tpu.wait_dma2 semaphore(%run_scoped3A : memref<!tpu.dma_semaphore, #tpu.memory_space<semaphore_mem>>) src(%arg6 : memref<128x128xf32, #tpu.memory_space<hbm>>) dst(%arg10 : memref<128x128xf32, #tpu.memory_space<vmem>>)
      tpu.yield
    }) : () -> ()
    %add3A_10 = arith.constant 0 : i32
    %add3A_11 = arith.addi %mul3A_2, %add3A_10 : i32
    "tpu.region"() ({
      %run_scoped3A = tpu.sem_alloc : memref<!tpu.dma_semaphore, #tpu.memory_space<semaphore_mem>>
      %dma_start3A = arith.constant 0 : i32
      %dma_start3A_68 = tpu.memref_slice %arg12[%add3A_11, %dma_start3A] : memref<10000x128xf32, #tpu.memory_space<vmem_shared>> -> memref<128x128xf32, #tpu.memory_space<vmem_shared>>
      %dma_start3A_69 = arith.constant 0 : i32
      %dma_start3A_70 = tpu.memref_slice %arg12[%add3A_11, %dma_start3A_69] : memref<10000x128xf32, #tpu.memory_space<vmem_shared>> -> memref<128x128xf32, #tpu.memory_space<vmem_shared>>
      tpu.enqueue_dma source(%arg10 : memref<128x128xf32, #tpu.memory_space<vmem>>) target(%dma_start3A_70 : memref<128x128xf32, #tpu.memory_space<vmem_shared>>) target_semaphore(%run_scoped3A : memref<!tpu.dma_semaphore, #tpu.memory_space<semaphore_mem>>)
      %dma_wait3A = arith.constant 0 : i32
      %dma_wait3A_71 = tpu.memref_slice %arg12[%add3A_11, %dma_wait3A] : memref<10000x128xf32, #tpu.memory_space<vmem_shared>> -> memref<128x128xf32, #tpu.memory_space<vmem_shared>>
      %dma_wait3A_72 = arith.constant 0 : i32
      %dma_wait3A_73 = tpu.memref_slice %arg12[%add3A_11, %dma_wait3A_72] : memref<10000x128xf32, #tpu.memory_space<vmem_shared>> -> memref<128x128xf32, #tpu.memory_space<vmem_shared>>
      tpu.wait_dma2 semaphore(%run_scoped3A : memref<!tpu.dma_semaphore, #tpu.memory_space<semaphore_mem>>) src(%arg10 : memref<128x128xf32, #tpu.memory_space<vmem>>) dst(%dma_wait3A_73 : memref<128x128xf32, #tpu.memory_space<vmem_shared>>)
      tpu.yield
    }) : () -> ()
    %add3A_12 = arith.constant 128 : i32
    %add3A_13 = arith.addi %mul3A_2, %add3A_12 : i32
    "tpu.region"() ({
      %run_scoped3A = tpu.sem_alloc : memref<!tpu.dma_semaphore, #tpu.memory_space<semaphore_mem>>
      %dma_start3A = arith.constant 0 : i32
      %dma_start3A_68 = tpu.memref_slice %arg12[%add3A_13, %dma_start3A] : memref<10000x128xf32, #tpu.memory_space<vmem_shared>> -> memref<128x128xf32, #tpu.memory_space<vmem_shared>>
      %dma_start3A_69 = arith.constant 0 : i32
      %dma_start3A_70 = tpu.memref_slice %arg12[%add3A_13, %dma_start3A_69] : memref<10000x128xf32, #tpu.memory_space<vmem_shared>> -> memref<128x128xf32, #tpu.memory_space<vmem_shared>>
      tpu.enqueue_dma source(%arg10 : memref<128x128xf32, #tpu.memory_space<vmem>>) target(%dma_start3A_70 : memref<128x128xf32, #tpu.memory_space<vmem_shared>>) target_semaphore(%run_scoped3A : memref<!tpu.dma_semaphore, #tpu.memory_space<semaphore_mem>>)
      %dma_wait3A = arith.constant 0 : i32
      %dma_wait3A_71 = tpu.memref_slice %arg12[%add3A_13, %dma_wait3A] : memref<10000x128xf32, #tpu.memory_space<vmem_shared>> -> memref<128x128xf32, #tpu.memory_space<vmem_shared>>
      %dma_wait3A_72 = arith.constant 0 : i32
      %dma_wait3A_73 = tpu.memref_slice %arg12[%add3A_13, %dma_wait3A_72] : memref<10000x128xf32, #tpu.memory_space<vmem_shared>> -> memref<128x128xf32, #tpu.memory_space<vmem_shared>>
      tpu.wait_dma2 semaphore(%run_scoped3A : memref<!tpu.dma_semaphore, #tpu.memory_space<semaphore_mem>>) src(%arg10 : memref<128x128xf32, #tpu.memory_space<vmem>>) dst(%dma_wait3A_73 : memref<128x128xf32, #tpu.memory_space<vmem_shared>>)
      tpu.yield
    }) : () -> ()
    %add3A_14 = arith.constant 256 : i32
    %add3A_15 = arith.addi %mul3A_2, %add3A_14 : i32
    "tpu.region"() ({
      %run_scoped3A = tpu.sem_alloc : memref<!tpu.dma_semaphore, #tpu.memory_space<semaphore_mem>>
      %dma_start3A = arith.constant 0 : i32
      %dma_start3A_68 = tpu.memref_slice %arg12[%add3A_15, %dma_start3A] : memref<10000x128xf32, #tpu.memory_space<vmem_shared>> -> memref<128x128xf32, #tpu.memory_space<vmem_shared>>
      %dma_start3A_69 = arith.constant 0 : i32
      %dma_start3A_70 = tpu.memref_slice %arg12[%add3A_15, %dma_start3A_69] : memref<10000x128xf32, #tpu.memory_space<vmem_shared>> -> memref<128x128xf32, #tpu.memory_space<vmem_shared>>
      tpu.enqueue_dma source(%arg10 : memref<128x128xf32, #tpu.memory_space<vmem>>) target(%dma_start3A_70 : memref<128x128xf32, #tpu.memory_space<vmem_shared>>) target_semaphore(%run_scoped3A : memref<!tpu.dma_semaphore, #tpu.memory_space<semaphore_mem>>)
      %dma_wait3A = arith.constant 0 : i32
      %dma_wait3A_71 = tpu.memref_slice %arg12[%add3A_15, %dma_wait3A] : memref<10000x128xf32, #tpu.memory_space<vmem_shared>> -> memref<128x128xf32, #tpu.memory_space<vmem_shared>>
      %dma_wait3A_72 = arith.constant 0 : i32
      %dma_wait3A_73 = tpu.memref_slice %arg12[%add3A_15, %dma_wait3A_72] : memref<10000x128xf32, #tpu.memory_space<vmem_shared>> -> memref<128x128xf32, #tpu.memory_space<vmem_shared>>
      tpu.wait_dma2 semaphore(%run_scoped3A : memref<!tpu.dma_semaphore, #tpu.memory_space<semaphore_mem>>) src(%arg10 : memref<128x128xf32, #tpu.memory_space<vmem>>) dst(%dma_wait3A_73 : memref<128x128xf32, #tpu.memory_space<vmem_shared>>)
      tpu.yield
    }) : () -> ()
    %add3A_16 = arith.constant 384 : i32
    %add3A_17 = arith.addi %mul3A_2, %add3A_16 : i32
    "tpu.region"() ({
      %run_scoped3A = tpu.sem_alloc : memref<!tpu.dma_semaphore, #tpu.memory_space<semaphore_mem>>
      %dma_start3A = arith.constant 0 : i32
      %dma_start3A_68 = tpu.memref_slice %arg12[%add3A_17, %dma_start3A] : memref<10000x128xf32, #tpu.memory_space<vmem_shared>> -> memref<128x128xf32, #tpu.memory_space<vmem_shared>>
      %dma_start3A_69 = arith.constant 0 : i32
      %dma_start3A_70 = tpu.memref_slice %arg12[%add3A_17, %dma_start3A_69] : memref<10000x128xf32, #tpu.memory_space<vmem_shared>> -> memref<128x128xf32, #tpu.memory_space<vmem_shared>>
      tpu.enqueue_dma source(%arg10 : memref<128x128xf32, #tpu.memory_space<vmem>>) target(%dma_start3A_70 : memref<128x128xf32, #tpu.memory_space<vmem_shared>>) target_semaphore(%run_scoped3A : memref<!tpu.dma_semaphore, #tpu.memory_space<semaphore_mem>>)
      %dma_wait3A = arith.constant 0 : i32
      %dma_wait3A_71 = tpu.memref_slice %arg12[%add3A_17, %dma_wait3A] : memref<10000x128xf32, #tpu.memory_space<vmem_shared>> -> memref<128x128xf32, #tpu.memory_space<vmem_shared>>
      %dma_wait3A_72 = arith.constant 0 : i32
      %dma_wait3A_73 = tpu.memref_slice %arg12[%add3A_17, %dma_wait3A_72] : memref<10000x128xf32, #tpu.memory_space<vmem_shared>> -> memref<128x128xf32, #tpu.memory_space<vmem_shared>>
      tpu.wait_dma2 semaphore(%run_scoped3A : memref<!tpu.dma_semaphore, #tpu.memory_space<semaphore_mem>>) src(%arg10 : memref<128x128xf32, #tpu.memory_space<vmem>>) dst(%dma_wait3A_73 : memref<128x128xf32, #tpu.memory_space<vmem_shared>>)
      tpu.yield
    }) : () -> ()
    %add3A_18 = arith.constant 512 : i32
    %add3A_19 = arith.addi %mul3A_2, %add3A_18 : i32
    "tpu.region"() ({
      %run_scoped3A = tpu.sem_alloc : memref<!tpu.dma_semaphore, #tpu.memory_space<semaphore_mem>>
      %dma_start3A = arith.constant 0 : i32
      %dma_start3A_68 = arith.constant 0 : i32
      %dma_start3A_69 = tpu.memref_slice %arg10[%dma_start3A, %dma_start3A_68] : memref<128x128xf32, #tpu.memory_space<vmem>> -> memref<112x128xf32, #tpu.memory_space<vmem>>
      %dma_start3A_70 = arith.constant 0 : i32
      %dma_start3A_71 = tpu.memref_slice %arg12[%add3A_19, %dma_start3A_70] : memref<10000x128xf32, #tpu.memory_space<vmem_shared>> -> memref<112x128xf32, #tpu.memory_space<vmem_shared>>
      %dma_start3A_72 = arith.constant 0 : i32
      %dma_start3A_73 = tpu.memref_slice %arg12[%add3A_19, %dma_start3A_72] : memref<10000x128xf32, #tpu.memory_space<vmem_shared>> -> memref<112x128xf32, #tpu.memory_space<vmem_shared>>
      %dma_start3A_74 = arith.constant 0 : i32
      %dma_start3A_75 = arith.constant 0 : i32
      %dma_start3A_76 = tpu.memref_slice %arg10[%dma_start3A_74, %dma_start3A_75] : memref<128x128xf32, #tpu.memory_space<vmem>> -> memref<112x128xf32, #tpu.memory_space<vmem>>
      tpu.enqueue_dma source(%dma_start3A_76 : memref<112x128xf32, #tpu.memory_space<vmem>>) target(%dma_start3A_73 : memref<112x128xf32, #tpu.memory_space<vmem_shared>>) target_semaphore(%run_scoped3A : memref<!tpu.dma_semaphore, #tpu.memory_space<semaphore_mem>>)
      %dma_wait3A = arith.constant 0 : i32
      %dma_wait3A_77 = arith.constant 0 : i32
      %dma_wait3A_78 = tpu.memref_slice %arg10[%dma_wait3A, %dma_wait3A_77] : memref<128x128xf32, #tpu.memory_space<vmem>> -> memref<112x128xf32, #tpu.memory_space<vmem>>
      %dma_wait3A_79 = arith.constant 0 : i32
      %dma_wait3A_80 = tpu.memref_slice %arg12[%add3A_19, %dma_wait3A_79] : memref<10000x128xf32, #tpu.memory_space<vmem_shared>> -> memref<112x128xf32, #tpu.memory_space<vmem_shared>>
      %dma_wait3A_81 = arith.constant 0 : i32
      %dma_wait3A_82 = tpu.memref_slice %arg12[%add3A_19, %dma_wait3A_81] : memref<10000x128xf32, #tpu.memory_space<vmem_shared>> -> memref<112x128xf32, #tpu.memory_space<vmem_shared>>
      %dma_wait3A_83 = arith.constant 0 : i32
      %dma_wait3A_84 = arith.constant 0 : i32
      %dma_wait3A_85 = tpu.memref_slice %arg10[%dma_wait3A_83, %dma_wait3A_84] : memref<128x128xf32, #tpu.memory_space<vmem>> -> memref<112x128xf32, #tpu.memory_space<vmem>>
      tpu.wait_dma2 semaphore(%run_scoped3A : memref<!tpu.dma_semaphore, #tpu.memory_space<semaphore_mem>>) src(%dma_wait3A_85 : memref<112x128xf32, #tpu.memory_space<vmem>>) dst(%dma_wait3A_82 : memref<112x128xf32, #tpu.memory_space<vmem_shared>>)
      tpu.yield
    }) : () -> ()
    %eq3A = arith.constant 15 : i32
    %eq3A_20 = arith.cmpi eq, %arg1, %eq3A : i32
    %convert_element_type3A = arith.extui %eq3A_20 : i1 to i32
    %cond3A = arith.constant 0 : i32
    %cond3A_21 = arith.cmpi ne, %convert_element_type3A, %cond3A : i32
    scf.if %cond3A_21 {
      "tpu.region"() ({
        %run_scoped3A = tpu.sem_alloc : memref<!tpu.dma_semaphore, #tpu.memory_space<semaphore_mem>>
        %dma_start3A = arith.constant 0 : i32
        %dma_start3A_68 = arith.constant 0 : i32
        %dma_start3A_69 = tpu.memref_slice %arg10[%dma_start3A, %dma_start3A_68] : memref<128x128xf32, #tpu.memory_space<vmem>> -> memref<16x128xf32, #tpu.memory_space<vmem>>
        %dma_start3A_70 = arith.constant 9984 : i32
        %dma_start3A_71 = arith.constant 0 : i32
        %dma_start3A_72 = tpu.memref_slice %arg12[%dma_start3A_70, %dma_start3A_71] : memref<10000x128xf32, #tpu.memory_space<vmem_shared>> -> memref<16x128xf32, #tpu.memory_space<vmem_shared>>
        %dma_start3A_73 = arith.constant 9984 : i32
        %dma_start3A_74 = arith.constant 0 : i32
        %dma_start3A_75 = tpu.memref_slice %arg12[%dma_start3A_73, %dma_start3A_74] : memref<10000x128xf32, #tpu.memory_space<vmem_shared>> -> memref<16x128xf32, #tpu.memory_space<vmem_shared>>
        %dma_start3A_76 = arith.constant 0 : i32
        %dma_start3A_77 = arith.constant 0 : i32
        %dma_start3A_78 = tpu.memref_slice %arg10[%dma_start3A_76, %dma_start3A_77] : memref<128x128xf32, #tpu.memory_space<vmem>> -> memref<16x128xf32, #tpu.memory_space<vmem>>
        tpu.enqueue_dma source(%dma_start3A_78 : memref<16x128xf32, #tpu.memory_space<vmem>>) target(%dma_start3A_75 : memref<16x128xf32, #tpu.memory_space<vmem_shared>>) target_semaphore(%run_scoped3A : memref<!tpu.dma_semaphore, #tpu.memory_space<semaphore_mem>>)
        %dma_wait3A = arith.constant 0 : i32
        %dma_wait3A_79 = arith.constant 0 : i32
        %dma_wait3A_80 = tpu.memref_slice %arg10[%dma_wait3A, %dma_wait3A_79] : memref<128x128xf32, #tpu.memory_space<vmem>> -> memref<16x128xf32, #tpu.memory_space<vmem>>
        %dma_wait3A_81 = arith.constant 9984 : i32
        %dma_wait3A_82 = arith.constant 0 : i32
        %dma_wait3A_83 = tpu.memref_slice %arg12[%dma_wait3A_81, %dma_wait3A_82] : memref<10000x128xf32, #tpu.memory_space<vmem_shared>> -> memref<16x128xf32, #tpu.memory_space<vmem_shared>>
        %dma_wait3A_84 = arith.constant 9984 : i32
        %dma_wait3A_85 = arith.constant 0 : i32
        %dma_wait3A_86 = tpu.memref_slice %arg12[%dma_wait3A_84, %dma_wait3A_85] : memref<10000x128xf32, #tpu.memory_space<vmem_shared>> -> memref<16x128xf32, #tpu.memory_space<vmem_shared>>
        %dma_wait3A_87 = arith.constant 0 : i32
        %dma_wait3A_88 = arith.constant 0 : i32
        %dma_wait3A_89 = tpu.memref_slice %arg10[%dma_wait3A_87, %dma_wait3A_88] : memref<128x128xf32, #tpu.memory_space<vmem>> -> memref<16x128xf32, #tpu.memory_space<vmem>>
        tpu.wait_dma2 semaphore(%run_scoped3A : memref<!tpu.dma_semaphore, #tpu.memory_space<semaphore_mem>>) src(%dma_wait3A_89 : memref<16x128xf32, #tpu.memory_space<vmem>>) dst(%dma_wait3A_86 : memref<16x128xf32, #tpu.memory_space<vmem_shared>>)
        tpu.yield
      }) : () -> ()
    } else {
    }
    %barrier3A = arith.constant 0 : index
    tpu.barrier barrier_id(%barrier3A)
    %lt3A = arith.constant 17 : i32
    %lt3A_22 = arith.cmpi slt, %add3A, %lt3A : i32
    %jit3A = arith.constant 1 : i32
    %jit3A_23 = arith.constant 0 : i32
    %select_n3A = arith.select %lt3A_22, %jit3A, %jit3A_23 : i32
    %add3A_24 = arith.constant 19 : i32
    %add3A_25 = arith.addi %add3A_24, %select_n3A : i32
    %sub3A = arith.constant 0 : i32
    %sub3A_26 = arith.subi %add3A_25, %sub3A : i32
    %sub3A_27 = arith.constant 1 : i32
    %sub3A_28 = arith.constant 1 : i32
    %sub3A_29 = arith.subi %sub3A_27, %sub3A_28 : i32
    %add3A_30 = arith.addi %sub3A_26, %sub3A_29 : i32
    %div3A = arith.constant 1 : i32
    %div3A_31 = arith.divsi %add3A_30, %div3A : i32
    %while3A = arith.constant 1 : i32
    %while3A_32 = arith.constant 0 : i32
    %while3A_33 = arith.constant 0 : i32
    %while3A_34 = arith.subi %div3A_31, %while3A_33 : i32
    %while3A_35 = arith.addi %while3A_33, %while3A_34 : i32
    %while3A_36 = arith.constant 1 : i32
    %while3A_37 = arith.divsi %while3A_34, %while3A_36 : i32
    %while3A_38 = arith.muli %while3A_37, %while3A_36 : i32
    %while3A_39 = arith.addi %while3A_33, %while3A_38 : i32
    %while3A_40 = arith.constant 1 : i32
    scf.for %while3A_68 = %while3A_33 to %while3A_39 step %while3A_40  : i32 {
      %mul3A_69 = arith.muli %while3A_68, %while3A : i32
      %add3A_70 = arith.addi %while3A_32, %mul3A_69 : i32
      %mul3A_71 = arith.constant 32 : i32
      %mul3A_72 = arith.muli %mul3A_71, %add3A_70 : i32
      %add3A_73 = arith.addi %add3A, %mul3A_72 : i32
      %mul3A_74 = arith.constant 128 : i32
      %mul3A_75 = arith.muli %add3A_73, %mul3A_74 : i32
      "tpu.region"() ({
        %run_scoped3A = tpu.sem_alloc : memref<!tpu.dma_semaphore, #tpu.memory_space<semaphore_mem>>
        %dma_start3A = tpu.memref_slice %arg4[%mul3A_75] : memref<80000xi32, #tpu.memory_space<hbm>> -> memref<128xi32, #tpu.memory_space<hbm>>
        %dma_start3A_107 = tpu.memref_slice %arg4[%mul3A_75] : memref<80000xi32, #tpu.memory_space<hbm>> -> memref<128xi32, #tpu.memory_space<hbm>>
        tpu.enqueue_dma source(%dma_start3A_107 : memref<128xi32, #tpu.memory_space<hbm>>) target(%arg9 : memref<128xi32, #tpu.memory_space<vmem>>) target_semaphore(%run_scoped3A : memref<!tpu.dma_semaphore, #tpu.memory_space<semaphore_mem>>)
        %dma_wait3A = tpu.memref_slice %arg4[%mul3A_75] : memref<80000xi32, #tpu.memory_space<hbm>> -> memref<128xi32, #tpu.memory_space<hbm>>
        %dma_wait3A_108 = tpu.memref_slice %arg4[%mul3A_75] : memref<80000xi32, #tpu.memory_space<hbm>> -> memref<128xi32, #tpu.memory_space<hbm>>
        tpu.wait_dma2 semaphore(%run_scoped3A : memref<!tpu.dma_semaphore, #tpu.memory_space<semaphore_mem>>) src(%dma_wait3A_108 : memref<128xi32, #tpu.memory_space<hbm>>) dst(%arg9 : memref<128xi32, #tpu.memory_space<vmem>>)
        tpu.yield
      }) : () -> ()
      "tpu.region"() ({
        %run_scoped3A = tpu.sem_alloc : memref<!tpu.dma_semaphore, #tpu.memory_space<semaphore_mem>>
        %dma_start3A = arith.constant 0 : i32
        %dma_start3A_107 = tpu.memref_slice %arg2[%mul3A_75, %dma_start3A] : memref<80000x128xf32, #tpu.memory_space<hbm>> -> memref<128x128xf32, #tpu.memory_space<hbm>>
        %dma_start3A_108 = arith.constant 0 : i32
        %dma_start3A_109 = tpu.memref_slice %arg2[%mul3A_75, %dma_start3A_108] : memref<80000x128xf32, #tpu.memory_space<hbm>> -> memref<128x128xf32, #tpu.memory_space<hbm>>
        tpu.enqueue_dma source(%dma_start3A_109 : memref<128x128xf32, #tpu.memory_space<hbm>>) target(%arg10 : memref<128x128xf32, #tpu.memory_space<vmem>>) target_semaphore(%run_scoped3A : memref<!tpu.dma_semaphore, #tpu.memory_space<semaphore_mem>>)
        %dma_wait3A = arith.constant 0 : i32
        %dma_wait3A_110 = tpu.memref_slice %arg2[%mul3A_75, %dma_wait3A] : memref<80000x128xf32, #tpu.memory_space<hbm>> -> memref<128x128xf32, #tpu.memory_space<hbm>>
        %dma_wait3A_111 = arith.constant 0 : i32
        %dma_wait3A_112 = tpu.memref_slice %arg2[%mul3A_75, %dma_wait3A_111] : memref<80000x128xf32, #tpu.memory_space<hbm>> -> memref<128x128xf32, #tpu.memory_space<hbm>>
        tpu.wait_dma2 semaphore(%run_scoped3A : memref<!tpu.dma_semaphore, #tpu.memory_space<semaphore_mem>>) src(%dma_wait3A_112 : memref<128x128xf32, #tpu.memory_space<hbm>>) dst(%arg10 : memref<128x128xf32, #tpu.memory_space<vmem>>)
        tpu.yield
      }) : () -> ()
      "tpu.region"() ({
        %run_scoped3A = tpu.sem_alloc : memref<!tpu.dma_semaphore, #tpu.memory_space<semaphore_mem>>
        %dma_start3A = arith.constant 0 : i32
        %dma_start3A_107 = arith.constant 0 : i32
        %dma_start3A_108 = tpu.memref_slice %arg12[%dma_start3A, %dma_start3A_107] : memref<10000x128xf32, #tpu.memory_space<vmem_shared>> -> memref<10000x128xf32, #tpu.memory_space<vmem_shared>>
        tpu.enqueue_indirect_dma source(%arg10 : memref<128x128xf32, #tpu.memory_space<vmem>>) target(%dma_start3A_108 : memref<10000x128xf32, #tpu.memory_space<vmem_shared>>) offsets(%arg9 : memref<128xi32, #tpu.memory_space<vmem>>) semaphore(%run_scoped3A : memref<!tpu.dma_semaphore, #tpu.memory_space<semaphore_mem>>) {add = true}
        %dma_wait3A = arith.constant 0 : i32
        %dma_wait3A_109 = arith.constant 0 : i32
        %dma_wait3A_110 = tpu.memref_slice %arg12[%dma_wait3A, %dma_wait3A_109] : memref<10000x128xf32, #tpu.memory_space<vmem_shared>> -> memref<10000x128xf32, #tpu.memory_space<vmem_shared>>
        tpu.wait_indirect_dma semaphore(%run_scoped3A : memref<!tpu.dma_semaphore, #tpu.memory_space<semaphore_mem>>) src(%arg10 : memref<128x128xf32, #tpu.memory_space<vmem>>) dst(%dma_wait3A_110 : memref<10000x128xf32, #tpu.memory_space<vmem_shared>>)
        tpu.yield
      }) : () -> ()
      %get3A = arith.constant 0 : index
      %get3A_76 = tpu.vector_load %arg9[%get3A] {strides = array<i32>} : memref<128xi32, #tpu.memory_space<vmem>>, vector<16xi32>,
      tpu.vector_store_idx %arg11[%get3A_76], %broadcast_in_dim3A_5 {add = true} : memref<10000xf32, #tpu.memory_space<vmem>>[vector<16xi32>], vector<16xf32>,
      %get3A_77 = arith.constant 16 : index
      %get3A_78 = tpu.vector_load %arg9[%get3A_77] {strides = array<i32>} : memref<128xi32, #tpu.memory_space<vmem>>, vector<16xi32>,
      tpu.vector_store_idx %arg11[%get3A_78], %broadcast_in_dim3A_5 {add = true} : memref<10000xf32, #tpu.memory_space<vmem>>[vector<16xi32>], vector<16xf32>,
      %get3A_79 = arith.constant 32 : index
      %get3A_80 = tpu.vector_load %arg9[%get3A_79] {strides = array<i32>} : memref<128xi32, #tpu.memory_space<vmem>>, vector<16xi32>,
      tpu.vector_store_idx %arg11[%get3A_80], %broadcast_in_dim3A_5 {add = true} : memref<10000xf32, #tpu.memory_space<vmem>>[vector<16xi32>], vector<16xf32>,
      %get3A_81 = arith.constant 48 : index
      %get3A_82 = tpu.vector_load %arg9[%get3A_81] {strides = array<i32>} : memref<128xi32, #tpu.memory_space<vmem>>, vector<16xi32>,
      tpu.vector_store_idx %arg11[%get3A_82], %broadcast_in_dim3A_5 {add = true} : memref<10000xf32, #tpu.memory_space<vmem>>[vector<16xi32>], vector<16xf32>,
      %get3A_83 = arith.constant 64 : index
      %get3A_84 = tpu.vector_load %arg9[%get3A_83] {strides = array<i32>} : memref<128xi32, #tpu.memory_space<vmem>>, vector<16xi32>,
      tpu.vector_store_idx %arg11[%get3A_84], %broadcast_in_dim3A_5 {add = true} : memref<10000xf32, #tpu.memory_space<vmem>>[vector<16xi32>], vector<16xf32>,
      %get3A_85 = arith.constant 80 : index
      %get3A_86 = tpu.vector_load %arg9[%get3A_85] {strides = array<i32>} : memref<128xi32, #tpu.memory_space<vmem>>, vector<16xi32>,
      tpu.vector_store_idx %arg11[%get3A_86], %broadcast_in_dim3A_5 {add = true} : memref<10000xf32, #tpu.memory_space<vmem>>[vector<16xi32>], vector<16xf32>,
      %get3A_87 = arith.constant 96 : index
      %get3A_88 = tpu.vector_load %arg9[%get3A_87] {strides = array<i32>} : memref<128xi32, #tpu.memory_space<vmem>>, vector<16xi32>,
      tpu.vector_store_idx %arg11[%get3A_88], %broadcast_in_dim3A_5 {add = true} : memref<10000xf32, #tpu.memory_space<vmem>>[vector<16xi32>], vector<16xf32>,
      %get3A_89 = arith.constant 112 : index
      %get3A_90 = tpu.vector_load %arg9[%get3A_89] {strides = array<i32>} : memref<128xi32, #tpu.memory_space<vmem>>, vector<16xi32>,
      tpu.vector_store_idx %arg11[%get3A_90], %broadcast_in_dim3A_5 {add = true} : memref<10000xf32, #tpu.memory_space<vmem>>[vector<16xi32>], vector<16xf32>,
      "tpu.region"() ({
        %run_scoped3A = tpu.sem_alloc : memref<!tpu.dma_semaphore, #tpu.memory_space<semaphore_mem>>
        %dma_start3A = tpu.memref_slice %arg5[%mul3A_75] : memref<80000xi32, #tpu.memory_space<hbm>> -> memref<128xi32, #tpu.memory_space<hbm>>
        %dma_start3A_107 = tpu.memref_slice %arg5[%mul3A_75] : memref<80000xi32, #tpu.memory_space<hbm>> -> memref<128xi32, #tpu.memory_space<hbm>>
        tpu.enqueue_dma source(%dma_start3A_107 : memref<128xi32, #tpu.memory_space<hbm>>) target(%arg9 : memref<128xi32, #tpu.memory_space<vmem>>) target_semaphore(%run_scoped3A : memref<!tpu.dma_semaphore, #tpu.memory_space<semaphore_mem>>)
        %dma_wait3A = tpu.memref_slice %arg5[%mul3A_75] : memref<80000xi32, #tpu.memory_space<hbm>> -> memref<128xi32, #tpu.memory_space<hbm>>
        %dma_wait3A_108 = tpu.memref_slice %arg5[%mul3A_75] : memref<80000xi32, #tpu.memory_space<hbm>> -> memref<128xi32, #tpu.memory_space<hbm>>
        tpu.wait_dma2 semaphore(%run_scoped3A : memref<!tpu.dma_semaphore, #tpu.memory_space<semaphore_mem>>) src(%dma_wait3A_108 : memref<128xi32, #tpu.memory_space<hbm>>) dst(%arg9 : memref<128xi32, #tpu.memory_space<vmem>>)
        tpu.yield
      }) : () -> ()
      "tpu.region"() ({
        %run_scoped3A = tpu.sem_alloc : memref<!tpu.dma_semaphore, #tpu.memory_space<semaphore_mem>>
        %dma_start3A = arith.constant 0 : i32
        %dma_start3A_107 = tpu.memref_slice %arg3[%mul3A_75, %dma_start3A] : memref<80000x128xf32, #tpu.memory_space<hbm>> -> memref<128x128xf32, #tpu.memory_space<hbm>>
        %dma_start3A_108 = arith.constant 0 : i32
        %dma_start3A_109 = tpu.memref_slice %arg3[%mul3A_75, %dma_start3A_108] : memref<80000x128xf32, #tpu.memory_space<hbm>> -> memref<128x128xf32, #tpu.memory_space<hbm>>
        tpu.enqueue_dma source(%dma_start3A_109 : memref<128x128xf32, #tpu.memory_space<hbm>>) target(%arg10 : memref<128x128xf32, #tpu.memory_space<vmem>>) target_semaphore(%run_scoped3A : memref<!tpu.dma_semaphore, #tpu.memory_space<semaphore_mem>>)
        %dma_wait3A = arith.constant 0 : i32
        %dma_wait3A_110 = tpu.memref_slice %arg3[%mul3A_75, %dma_wait3A] : memref<80000x128xf32, #tpu.memory_space<hbm>> -> memref<128x128xf32, #tpu.memory_space<hbm>>
        %dma_wait3A_111 = arith.constant 0 : i32
        %dma_wait3A_112 = tpu.memref_slice %arg3[%mul3A_75, %dma_wait3A_111] : memref<80000x128xf32, #tpu.memory_space<hbm>> -> memref<128x128xf32, #tpu.memory_space<hbm>>
        tpu.wait_dma2 semaphore(%run_scoped3A : memref<!tpu.dma_semaphore, #tpu.memory_space<semaphore_mem>>) src(%dma_wait3A_112 : memref<128x128xf32, #tpu.memory_space<hbm>>) dst(%arg10 : memref<128x128xf32, #tpu.memory_space<vmem>>)
        tpu.yield
      }) : () -> ()
      "tpu.region"() ({
        %run_scoped3A = tpu.sem_alloc : memref<!tpu.dma_semaphore, #tpu.memory_space<semaphore_mem>>
        %dma_start3A = arith.constant 0 : i32
        %dma_start3A_107 = arith.constant 0 : i32
        %dma_start3A_108 = tpu.memref_slice %arg12[%dma_start3A, %dma_start3A_107] : memref<10000x128xf32, #tpu.memory_space<vmem_shared>> -> memref<10000x128xf32, #tpu.memory_space<vmem_shared>>
        tpu.enqueue_indirect_dma source(%arg10 : memref<128x128xf32, #tpu.memory_space<vmem>>) target(%dma_start3A_108 : memref<10000x128xf32, #tpu.memory_space<vmem_shared>>) offsets(%arg9 : memref<128xi32, #tpu.memory_space<vmem>>) semaphore(%run_scoped3A : memref<!tpu.dma_semaphore, #tpu.memory_space<semaphore_mem>>) {add = true}
        %dma_wait3A = arith.constant 0 : i32
        %dma_wait3A_109 = arith.constant 0 : i32
        %dma_wait3A_110 = tpu.memref_slice %arg12[%dma_wait3A, %dma_wait3A_109] : memref<10000x128xf32, #tpu.memory_space<vmem_shared>> -> memref<10000x128xf32, #tpu.memory_space<vmem_shared>>
        tpu.wait_indirect_dma semaphore(%run_scoped3A : memref<!tpu.dma_semaphore, #tpu.memory_space<semaphore_mem>>) src(%arg10 : memref<128x128xf32, #tpu.memory_space<vmem>>) dst(%dma_wait3A_110 : memref<10000x128xf32, #tpu.memory_space<vmem_shared>>)
        tpu.yield
      }) : () -> ()
      %get3A_91 = arith.constant 0 : index
      %get3A_92 = tpu.vector_load %arg9[%get3A_91] {strides = array<i32>} : memref<128xi32, #tpu.memory_space<vmem>>, vector<16xi32>,
      tpu.vector_store_idx %arg11[%get3A_92], %broadcast_in_dim3A_5 {add = true} : memref<10000xf32, #tpu.memory_space<vmem>>[vector<16xi32>], vector<16xf32>,
      %get3A_93 = arith.constant 16 : index
      %get3A_94 = tpu.vector_load %arg9[%get3A_93] {strides = array<i32>} : memref<128xi32, #tpu.memory_space<vmem>>, vector<16xi32>,
      tpu.vector_store_idx %arg11[%get3A_94], %broadcast_in_dim3A_5 {add = true} : memref<10000xf32, #tpu.memory_space<vmem>>[vector<16xi32>], vector<16xf32>,
      %get3A_95 = arith.constant 32 : index
      %get3A_96 = tpu.vector_load %arg9[%get3A_95] {strides = array<i32>} : memref<128xi32, #tpu.memory_space<vmem>>, vector<16xi32>,
      tpu.vector_store_idx %arg11[%get3A_96], %broadcast_in_dim3A_5 {add = true} : memref<10000xf32, #tpu.memory_space<vmem>>[vector<16xi32>], vector<16xf32>,
      %get3A_97 = arith.constant 48 : index
      %get3A_98 = tpu.vector_load %arg9[%get3A_97] {strides = array<i32>} : memref<128xi32, #tpu.memory_space<vmem>>, vector<16xi32>,
      tpu.vector_store_idx %arg11[%get3A_98], %broadcast_in_dim3A_5 {add = true} : memref<10000xf32, #tpu.memory_space<vmem>>[vector<16xi32>], vector<16xf32>,
      %get3A_99 = arith.constant 64 : index
      %get3A_100 = tpu.vector_load %arg9[%get3A_99] {strides = array<i32>} : memref<128xi32, #tpu.memory_space<vmem>>, vector<16xi32>,
      tpu.vector_store_idx %arg11[%get3A_100], %broadcast_in_dim3A_5 {add = true} : memref<10000xf32, #tpu.memory_space<vmem>>[vector<16xi32>], vector<16xf32>,
      %get3A_101 = arith.constant 80 : index
      %get3A_102 = tpu.vector_load %arg9[%get3A_101] {strides = array<i32>} : memref<128xi32, #tpu.memory_space<vmem>>, vector<16xi32>,
      tpu.vector_store_idx %arg11[%get3A_102], %broadcast_in_dim3A_5 {add = true} : memref<10000xf32, #tpu.memory_space<vmem>>[vector<16xi32>], vector<16xf32>,
      %get3A_103 = arith.constant 96 : index
      %get3A_104 = tpu.vector_load %arg9[%get3A_103] {strides = array<i32>} : memref<128xi32, #tpu.memory_space<vmem>>, vector<16xi32>,
      tpu.vector_store_idx %arg11[%get3A_104], %broadcast_in_dim3A_5 {add = true} : memref<10000xf32, #tpu.memory_space<vmem>>[vector<16xi32>], vector<16xf32>,
      %get3A_105 = arith.constant 112 : index
      %get3A_106 = tpu.vector_load %arg9[%get3A_105] {strides = array<i32>} : memref<128xi32, #tpu.memory_space<vmem>>, vector<16xi32>,
      tpu.vector_store_idx %arg11[%get3A_106], %broadcast_in_dim3A_5 {add = true} : memref<10000xf32, #tpu.memory_space<vmem>>[vector<16xi32>], vector<16xf32>,
    }
    %while3A_41 = arith.constant 1 : i32
    scf.for %while3A_68 = %while3A_39 to %while3A_35 step %while3A_41  : i32 {
      %mul3A_69 = arith.muli %while3A_68, %while3A : i32
      %add3A_70 = arith.addi %while3A_32, %mul3A_69 : i32
      %mul3A_71 = arith.constant 32 : i32
      %mul3A_72 = arith.muli %mul3A_71, %add3A_70 : i32
      %add3A_73 = arith.addi %add3A, %mul3A_72 : i32
      %mul3A_74 = arith.constant 128 : i32
      %mul3A_75 = arith.muli %add3A_73, %mul3A_74 : i32
      "tpu.region"() ({
        %run_scoped3A = tpu.sem_alloc : memref<!tpu.dma_semaphore, #tpu.memory_space<semaphore_mem>>
        %dma_start3A = tpu.memref_slice %arg4[%mul3A_75] : memref<80000xi32, #tpu.memory_space<hbm>> -> memref<128xi32, #tpu.memory_space<hbm>>
        %dma_start3A_107 = tpu.memref_slice %arg4[%mul3A_75] : memref<80000xi32, #tpu.memory_space<hbm>> -> memref<128xi32, #tpu.memory_space<hbm>>
        tpu.enqueue_dma source(%dma_start3A_107 : memref<128xi32, #tpu.memory_space<hbm>>) target(%arg9 : memref<128xi32, #tpu.memory_space<vmem>>) target_semaphore(%run_scoped3A : memref<!tpu.dma_semaphore, #tpu.memory_space<semaphore_mem>>)
        %dma_wait3A = tpu.memref_slice %arg4[%mul3A_75] : memref<80000xi32, #tpu.memory_space<hbm>> -> memref<128xi32, #tpu.memory_space<hbm>>
        %dma_wait3A_108 = tpu.memref_slice %arg4[%mul3A_75] : memref<80000xi32, #tpu.memory_space<hbm>> -> memref<128xi32, #tpu.memory_space<hbm>>
        tpu.wait_dma2 semaphore(%run_scoped3A : memref<!tpu.dma_semaphore, #tpu.memory_space<semaphore_mem>>) src(%dma_wait3A_108 : memref<128xi32, #tpu.memory_space<hbm>>) dst(%arg9 : memref<128xi32, #tpu.memory_space<vmem>>)
        tpu.yield
      }) : () -> ()
      "tpu.region"() ({
        %run_scoped3A = tpu.sem_alloc : memref<!tpu.dma_semaphore, #tpu.memory_space<semaphore_mem>>
        %dma_start3A = arith.constant 0 : i32
        %dma_start3A_107 = tpu.memref_slice %arg2[%mul3A_75, %dma_start3A] : memref<80000x128xf32, #tpu.memory_space<hbm>> -> memref<128x128xf32, #tpu.memory_space<hbm>>
        %dma_start3A_108 = arith.constant 0 : i32
        %dma_start3A_109 = tpu.memref_slice %arg2[%mul3A_75, %dma_start3A_108] : memref<80000x128xf32, #tpu.memory_space<hbm>> -> memref<128x128xf32, #tpu.memory_space<hbm>>
        tpu.enqueue_dma source(%dma_start3A_109 : memref<128x128xf32, #tpu.memory_space<hbm>>) target(%arg10 : memref<128x128xf32, #tpu.memory_space<vmem>>) target_semaphore(%run_scoped3A : memref<!tpu.dma_semaphore, #tpu.memory_space<semaphore_mem>>)
        %dma_wait3A = arith.constant 0 : i32
        %dma_wait3A_110 = tpu.memref_slice %arg2[%mul3A_75, %dma_wait3A] : memref<80000x128xf32, #tpu.memory_space<hbm>> -> memref<128x128xf32, #tpu.memory_space<hbm>>
        %dma_wait3A_111 = arith.constant 0 : i32
        %dma_wait3A_112 = tpu.memref_slice %arg2[%mul3A_75, %dma_wait3A_111] : memref<80000x128xf32, #tpu.memory_space<hbm>> -> memref<128x128xf32, #tpu.memory_space<hbm>>
        tpu.wait_dma2 semaphore(%run_scoped3A : memref<!tpu.dma_semaphore, #tpu.memory_space<semaphore_mem>>) src(%dma_wait3A_112 : memref<128x128xf32, #tpu.memory_space<hbm>>) dst(%arg10 : memref<128x128xf32, #tpu.memory_space<vmem>>)
        tpu.yield
      }) : () -> ()
      "tpu.region"() ({
        %run_scoped3A = tpu.sem_alloc : memref<!tpu.dma_semaphore, #tpu.memory_space<semaphore_mem>>
        %dma_start3A = arith.constant 0 : i32
        %dma_start3A_107 = arith.constant 0 : i32
        %dma_start3A_108 = tpu.memref_slice %arg12[%dma_start3A, %dma_start3A_107] : memref<10000x128xf32, #tpu.memory_space<vmem_shared>> -> memref<10000x128xf32, #tpu.memory_space<vmem_shared>>
        tpu.enqueue_indirect_dma source(%arg10 : memref<128x128xf32, #tpu.memory_space<vmem>>) target(%dma_start3A_108 : memref<10000x128xf32, #tpu.memory_space<vmem_shared>>) offsets(%arg9 : memref<128xi32, #tpu.memory_space<vmem>>) semaphore(%run_scoped3A : memref<!tpu.dma_semaphore, #tpu.memory_space<semaphore_mem>>) {add = true}
        %dma_wait3A = arith.constant 0 : i32
        %dma_wait3A_109 = arith.constant 0 : i32
        %dma_wait3A_110 = tpu.memref_slice %arg12[%dma_wait3A, %dma_wait3A_109] : memref<10000x128xf32, #tpu.memory_space<vmem_shared>> -> memref<10000x128xf32, #tpu.memory_space<vmem_shared>>
        tpu.wait_indirect_dma semaphore(%run_scoped3A : memref<!tpu.dma_semaphore, #tpu.memory_space<semaphore_mem>>) src(%arg10 : memref<128x128xf32, #tpu.memory_space<vmem>>) dst(%dma_wait3A_110 : memref<10000x128xf32, #tpu.memory_space<vmem_shared>>)
        tpu.yield
      }) : () -> ()
      %get3A = arith.constant 0 : index
      %get3A_76 = tpu.vector_load %arg9[%get3A] {strides = array<i32>} : memref<128xi32, #tpu.memory_space<vmem>>, vector<16xi32>,
      tpu.vector_store_idx %arg11[%get3A_76], %broadcast_in_dim3A_5 {add = true} : memref<10000xf32, #tpu.memory_space<vmem>>[vector<16xi32>], vector<16xf32>,
      %get3A_77 = arith.constant 16 : index
      %get3A_78 = tpu.vector_load %arg9[%get3A_77] {strides = array<i32>} : memref<128xi32, #tpu.memory_space<vmem>>, vector<16xi32>,
      tpu.vector_store_idx %arg11[%get3A_78], %broadcast_in_dim3A_5 {add = true} : memref<10000xf32, #tpu.memory_space<vmem>>[vector<16xi32>], vector<16xf32>,
      %get3A_79 = arith.constant 32 : index
      %get3A_80 = tpu.vector_load %arg9[%get3A_79] {strides = array<i32>} : memref<128xi32, #tpu.memory_space<vmem>>, vector<16xi32>,
      tpu.vector_store_idx %arg11[%get3A_80], %broadcast_in_dim3A_5 {add = true} : memref<10000xf32, #tpu.memory_space<vmem>>[vector<16xi32>], vector<16xf32>,
      %get3A_81 = arith.constant 48 : index
      %get3A_82 = tpu.vector_load %arg9[%get3A_81] {strides = array<i32>} : memref<128xi32, #tpu.memory_space<vmem>>, vector<16xi32>,
      tpu.vector_store_idx %arg11[%get3A_82], %broadcast_in_dim3A_5 {add = true} : memref<10000xf32, #tpu.memory_space<vmem>>[vector<16xi32>], vector<16xf32>,
      %get3A_83 = arith.constant 64 : index
      %get3A_84 = tpu.vector_load %arg9[%get3A_83] {strides = array<i32>} : memref<128xi32, #tpu.memory_space<vmem>>, vector<16xi32>,
      tpu.vector_store_idx %arg11[%get3A_84], %broadcast_in_dim3A_5 {add = true} : memref<10000xf32, #tpu.memory_space<vmem>>[vector<16xi32>], vector<16xf32>,
      %get3A_85 = arith.constant 80 : index
      %get3A_86 = tpu.vector_load %arg9[%get3A_85] {strides = array<i32>} : memref<128xi32, #tpu.memory_space<vmem>>, vector<16xi32>,
      tpu.vector_store_idx %arg11[%get3A_86], %broadcast_in_dim3A_5 {add = true} : memref<10000xf32, #tpu.memory_space<vmem>>[vector<16xi32>], vector<16xf32>,
      %get3A_87 = arith.constant 96 : index
      %get3A_88 = tpu.vector_load %arg9[%get3A_87] {strides = array<i32>} : memref<128xi32, #tpu.memory_space<vmem>>, vector<16xi32>,
      tpu.vector_store_idx %arg11[%get3A_88], %broadcast_in_dim3A_5 {add = true} : memref<10000xf32, #tpu.memory_space<vmem>>[vector<16xi32>], vector<16xf32>,
      %get3A_89 = arith.constant 112 : index
      %get3A_90 = tpu.vector_load %arg9[%get3A_89] {strides = array<i32>} : memref<128xi32, #tpu.memory_space<vmem>>, vector<16xi32>,
      tpu.vector_store_idx %arg11[%get3A_90], %broadcast_in_dim3A_5 {add = true} : memref<10000xf32, #tpu.memory_space<vmem>>[vector<16xi32>], vector<16xf32>,
      "tpu.region"() ({
        %run_scoped3A = tpu.sem_alloc : memref<!tpu.dma_semaphore, #tpu.memory_space<semaphore_mem>>
        %dma_start3A = tpu.memref_slice %arg5[%mul3A_75] : memref<80000xi32, #tpu.memory_space<hbm>> -> memref<128xi32, #tpu.memory_space<hbm>>
        %dma_start3A_107 = tpu.memref_slice %arg5[%mul3A_75] : memref<80000xi32, #tpu.memory_space<hbm>> -> memref<128xi32, #tpu.memory_space<hbm>>
        tpu.enqueue_dma source(%dma_start3A_107 : memref<128xi32, #tpu.memory_space<hbm>>) target(%arg9 : memref<128xi32, #tpu.memory_space<vmem>>) target_semaphore(%run_scoped3A : memref<!tpu.dma_semaphore, #tpu.memory_space<semaphore_mem>>)
        %dma_wait3A = tpu.memref_slice %arg5[%mul3A_75] : memref<80000xi32, #tpu.memory_space<hbm>> -> memref<128xi32, #tpu.memory_space<hbm>>
        %dma_wait3A_108 = tpu.memref_slice %arg5[%mul3A_75] : memref<80000xi32, #tpu.memory_space<hbm>> -> memref<128xi32, #tpu.memory_space<hbm>>
        tpu.wait_dma2 semaphore(%run_scoped3A : memref<!tpu.dma_semaphore, #tpu.memory_space<semaphore_mem>>) src(%dma_wait3A_108 : memref<128xi32, #tpu.memory_space<hbm>>) dst(%arg9 : memref<128xi32, #tpu.memory_space<vmem>>)
        tpu.yield
      }) : () -> ()
      "tpu.region"() ({
        %run_scoped3A = tpu.sem_alloc : memref<!tpu.dma_semaphore, #tpu.memory_space<semaphore_mem>>
        %dma_start3A = arith.constant 0 : i32
        %dma_start3A_107 = tpu.memref_slice %arg3[%mul3A_75, %dma_start3A] : memref<80000x128xf32, #tpu.memory_space<hbm>> -> memref<128x128xf32, #tpu.memory_space<hbm>>
        %dma_start3A_108 = arith.constant 0 : i32
        %dma_start3A_109 = tpu.memref_slice %arg3[%mul3A_75, %dma_start3A_108] : memref<80000x128xf32, #tpu.memory_space<hbm>> -> memref<128x128xf32, #tpu.memory_space<hbm>>
        tpu.enqueue_dma source(%dma_start3A_109 : memref<128x128xf32, #tpu.memory_space<hbm>>) target(%arg10 : memref<128x128xf32, #tpu.memory_space<vmem>>) target_semaphore(%run_scoped3A : memref<!tpu.dma_semaphore, #tpu.memory_space<semaphore_mem>>)
        %dma_wait3A = arith.constant 0 : i32
        %dma_wait3A_110 = tpu.memref_slice %arg3[%mul3A_75, %dma_wait3A] : memref<80000x128xf32, #tpu.memory_space<hbm>> -> memref<128x128xf32, #tpu.memory_space<hbm>>
        %dma_wait3A_111 = arith.constant 0 : i32
        %dma_wait3A_112 = tpu.memref_slice %arg3[%mul3A_75, %dma_wait3A_111] : memref<80000x128xf32, #tpu.memory_space<hbm>> -> memref<128x128xf32, #tpu.memory_space<hbm>>
        tpu.wait_dma2 semaphore(%run_scoped3A : memref<!tpu.dma_semaphore, #tpu.memory_space<semaphore_mem>>) src(%dma_wait3A_112 : memref<128x128xf32, #tpu.memory_space<hbm>>) dst(%arg10 : memref<128x128xf32, #tpu.memory_space<vmem>>)
        tpu.yield
      }) : () -> ()
      "tpu.region"() ({
        %run_scoped3A = tpu.sem_alloc : memref<!tpu.dma_semaphore, #tpu.memory_space<semaphore_mem>>
        %dma_start3A = arith.constant 0 : i32
        %dma_start3A_107 = arith.constant 0 : i32
        %dma_start3A_108 = tpu.memref_slice %arg12[%dma_start3A, %dma_start3A_107] : memref<10000x128xf32, #tpu.memory_space<vmem_shared>> -> memref<10000x128xf32, #tpu.memory_space<vmem_shared>>
        tpu.enqueue_indirect_dma source(%arg10 : memref<128x128xf32, #tpu.memory_space<vmem>>) target(%dma_start3A_108 : memref<10000x128xf32, #tpu.memory_space<vmem_shared>>) offsets(%arg9 : memref<128xi32, #tpu.memory_space<vmem>>) semaphore(%run_scoped3A : memref<!tpu.dma_semaphore, #tpu.memory_space<semaphore_mem>>) {add = true}
        %dma_wait3A = arith.constant 0 : i32
        %dma_wait3A_109 = arith.constant 0 : i32
        %dma_wait3A_110 = tpu.memref_slice %arg12[%dma_wait3A, %dma_wait3A_109] : memref<10000x128xf32, #tpu.memory_space<vmem_shared>> -> memref<10000x128xf32, #tpu.memory_space<vmem_shared>>
        tpu.wait_indirect_dma semaphore(%run_scoped3A : memref<!tpu.dma_semaphore, #tpu.memory_space<semaphore_mem>>) src(%arg10 : memref<128x128xf32, #tpu.memory_space<vmem>>) dst(%dma_wait3A_110 : memref<10000x128xf32, #tpu.memory_space<vmem_shared>>)
        tpu.yield
      }) : () -> ()
      %get3A_91 = arith.constant 0 : index
      %get3A_92 = tpu.vector_load %arg9[%get3A_91] {strides = array<i32>} : memref<128xi32, #tpu.memory_space<vmem>>, vector<16xi32>,
      tpu.vector_store_idx %arg11[%get3A_92], %broadcast_in_dim3A_5 {add = true} : memref<10000xf32, #tpu.memory_space<vmem>>[vector<16xi32>], vector<16xf32>,
      %get3A_93 = arith.constant 16 : index
      %get3A_94 = tpu.vector_load %arg9[%get3A_93] {strides = array<i32>} : memref<128xi32, #tpu.memory_space<vmem>>, vector<16xi32>,
      tpu.vector_store_idx %arg11[%get3A_94], %broadcast_in_dim3A_5 {add = true} : memref<10000xf32, #tpu.memory_space<vmem>>[vector<16xi32>], vector<16xf32>,
      %get3A_95 = arith.constant 32 : index
      %get3A_96 = tpu.vector_load %arg9[%get3A_95] {strides = array<i32>} : memref<128xi32, #tpu.memory_space<vmem>>, vector<16xi32>,
      tpu.vector_store_idx %arg11[%get3A_96], %broadcast_in_dim3A_5 {add = true} : memref<10000xf32, #tpu.memory_space<vmem>>[vector<16xi32>], vector<16xf32>,
      %get3A_97 = arith.constant 48 : index
      %get3A_98 = tpu.vector_load %arg9[%get3A_97] {strides = array<i32>} : memref<128xi32, #tpu.memory_space<vmem>>, vector<16xi32>,
      tpu.vector_store_idx %arg11[%get3A_98], %broadcast_in_dim3A_5 {add = true} : memref<10000xf32, #tpu.memory_space<vmem>>[vector<16xi32>], vector<16xf32>,
      %get3A_99 = arith.constant 64 : index
      %get3A_100 = tpu.vector_load %arg9[%get3A_99] {strides = array<i32>} : memref<128xi32, #tpu.memory_space<vmem>>, vector<16xi32>,
      tpu.vector_store_idx %arg11[%get3A_100], %broadcast_in_dim3A_5 {add = true} : memref<10000xf32, #tpu.memory_space<vmem>>[vector<16xi32>], vector<16xf32>,
      %get3A_101 = arith.constant 80 : index
      %get3A_102 = tpu.vector_load %arg9[%get3A_101] {strides = array<i32>} : memref<128xi32, #tpu.memory_space<vmem>>, vector<16xi32>,
      tpu.vector_store_idx %arg11[%get3A_102], %broadcast_in_dim3A_5 {add = true} : memref<10000xf32, #tpu.memory_space<vmem>>[vector<16xi32>], vector<16xf32>,
      %get3A_103 = arith.constant 96 : index
      %get3A_104 = tpu.vector_load %arg9[%get3A_103] {strides = array<i32>} : memref<128xi32, #tpu.memory_space<vmem>>, vector<16xi32>,
      tpu.vector_store_idx %arg11[%get3A_104], %broadcast_in_dim3A_5 {add = true} : memref<10000xf32, #tpu.memory_space<vmem>>[vector<16xi32>], vector<16xf32>,
      %get3A_105 = arith.constant 112 : index
      %get3A_106 = tpu.vector_load %arg9[%get3A_105] {strides = array<i32>} : memref<128xi32, #tpu.memory_space<vmem>>, vector<16xi32>,
      tpu.vector_store_idx %arg11[%get3A_106], %broadcast_in_dim3A_5 {add = true} : memref<10000xf32, #tpu.memory_space<vmem>>[vector<16xi32>], vector<16xf32>,
    }
    "tpu.region"() ({
      %run_scoped3A = tpu.sem_alloc : memref<!tpu.dma_semaphore, #tpu.memory_space<semaphore_mem>>
      %dma_start3A = arith.constant 0 : i32
      %dma_start3A_68 = tpu.memref_slice %arg8[%add3A, %dma_start3A] : memref<32x10000xf32, #tpu.memory_space<hbm>> -> memref<1x10000xf32, #tpu.memory_space<hbm>>
      %dma_start3A_69 = tpu.memref_squeeze %dma_start3A_68 : memref<1x10000xf32, #tpu.memory_space<hbm>> -> memref<10000xf32, #tpu.memory_space<hbm>>
      %dma_start3A_70 = arith.constant 0 : i32
      %dma_start3A_71 = tpu.memref_slice %arg8[%add3A, %dma_start3A_70] : memref<32x10000xf32, #tpu.memory_space<hbm>> -> memref<1x10000xf32, #tpu.memory_space<hbm>>
      %dma_start3A_72 = tpu.memref_squeeze %dma_start3A_71 : memref<1x10000xf32, #tpu.memory_space<hbm>> -> memref<10000xf32, #tpu.memory_space<hbm>>
      tpu.enqueue_dma source(%arg11 : memref<10000xf32, #tpu.memory_space<vmem>>) target(%dma_start3A_72 : memref<10000xf32, #tpu.memory_space<hbm>>) target_semaphore(%run_scoped3A : memref<!tpu.dma_semaphore, #tpu.memory_space<semaphore_mem>>)
      %dma_wait3A = arith.constant 0 : i32
      %dma_wait3A_73 = tpu.memref_slice %arg8[%add3A, %dma_wait3A] : memref<32x10000xf32, #tpu.memory_space<hbm>> -> memref<1x10000xf32, #tpu.memory_space<hbm>>
      %dma_wait3A_74 = tpu.memref_squeeze %dma_wait3A_73 : memref<1x10000xf32, #tpu.memory_space<hbm>> -> memref<10000xf32, #tpu.memory_space<hbm>>
      %dma_wait3A_75 = arith.constant 0 : i32
      %dma_wait3A_76 = tpu.memref_slice %arg8[%add3A, %dma_wait3A_75] : memref<32x10000xf32, #tpu.memory_space<hbm>> -> memref<1x10000xf32, #tpu.memory_space<hbm>>
      %dma_wait3A_77 = tpu.memref_squeeze %dma_wait3A_76 : memref<1x10000xf32, #tpu.memory_space<hbm>> -> memref<10000xf32, #tpu.memory_space<hbm>>
      tpu.wait_dma2 semaphore(%run_scoped3A : memref<!tpu.dma_semaphore, #tpu.memory_space<semaphore_mem>>) src(%arg11 : memref<10000xf32, #tpu.memory_space<vmem>>) dst(%dma_wait3A_77 : memref<10000xf32, #tpu.memory_space<hbm>>)
      tpu.yield
    }) : () -> ()
    %barrier3A_42 = arith.constant 0 : index
    tpu.barrier barrier_id(%barrier3A_42)
    %add3A_43 = arith.constant 0 : i32
    %add3A_44 = arith.addi %mul3A_2, %add3A_43 : i32
    "tpu.region"() ({
      %run_scoped3A = tpu.sem_alloc : memref<!tpu.dma_semaphore, #tpu.memory_space<semaphore_mem>>
      %dma_start3A = arith.constant 0 : i32
      %dma_start3A_68 = tpu.memref_slice %arg12[%add3A_44, %dma_start3A] : memref<10000x128xf32, #tpu.memory_space<vmem_shared>> -> memref<128x128xf32, #tpu.memory_space<vmem_shared>>
      %dma_start3A_69 = arith.constant 0 : i32
      %dma_start3A_70 = tpu.memref_slice %arg12[%add3A_44, %dma_start3A_69] : memref<10000x128xf32, #tpu.memory_space<vmem_shared>> -> memref<128x128xf32, #tpu.memory_space<vmem_shared>>
      tpu.enqueue_dma source(%dma_start3A_70 : memref<128x128xf32, #tpu.memory_space<vmem_shared>>) target(%arg10 : memref<128x128xf32, #tpu.memory_space<vmem>>) target_semaphore(%run_scoped3A : memref<!tpu.dma_semaphore, #tpu.memory_space<semaphore_mem>>)
      %dma_wait3A = arith.constant 0 : i32
      %dma_wait3A_71 = tpu.memref_slice %arg12[%add3A_44, %dma_wait3A] : memref<10000x128xf32, #tpu.memory_space<vmem_shared>> -> memref<128x128xf32, #tpu.memory_space<vmem_shared>>
      %dma_wait3A_72 = arith.constant 0 : i32
      %dma_wait3A_73 = tpu.memref_slice %arg12[%add3A_44, %dma_wait3A_72] : memref<10000x128xf32, #tpu.memory_space<vmem_shared>> -> memref<128x128xf32, #tpu.memory_space<vmem_shared>>
      tpu.wait_dma2 semaphore(%run_scoped3A : memref<!tpu.dma_semaphore, #tpu.memory_space<semaphore_mem>>) src(%dma_wait3A_73 : memref<128x128xf32, #tpu.memory_space<vmem_shared>>) dst(%arg10 : memref<128x128xf32, #tpu.memory_space<vmem>>)
      tpu.yield
    }) : () -> ()
    %add3A_45 = arith.constant 0 : i32
    %add3A_46 = arith.addi %mul3A_2, %add3A_45 : i32
    "tpu.region"() ({
      %run_scoped3A = tpu.sem_alloc : memref<!tpu.dma_semaphore, #tpu.memory_space<semaphore_mem>>
      %dma_start3A = arith.constant 0 : i32
      %dma_start3A_68 = tpu.memref_slice %arg7[%arg0, %add3A_46, %dma_start3A] : memref<2x10000x128xf32, #tpu.memory_space<hbm>> -> memref<1x128x128xf32, #tpu.memory_space<hbm>>
      %dma_start3A_69 = tpu.memref_squeeze %dma_start3A_68 : memref<1x128x128xf32, #tpu.memory_space<hbm>> -> memref<128x128xf32, #tpu.memory_space<hbm>>
      %dma_start3A_70 = arith.constant 0 : i32
      %dma_start3A_71 = tpu.memref_slice %arg7[%arg0, %add3A_46, %dma_start3A_70] : memref<2x10000x128xf32, #tpu.memory_space<hbm>> -> memref<1x128x128xf32, #tpu.memory_space<hbm>>
      %dma_start3A_72 = tpu.memref_squeeze %dma_start3A_71 : memref<1x128x128xf32, #tpu.memory_space<hbm>> -> memref<128x128xf32, #tpu.memory_space<hbm>>
      tpu.enqueue_dma source(%arg10 : memref<128x128xf32, #tpu.memory_space<vmem>>) target(%dma_start3A_72 : memref<128x128xf32, #tpu.memory_space<hbm>>) target_semaphore(%run_scoped3A : memref<!tpu.dma_semaphore, #tpu.memory_space<semaphore_mem>>)
      %dma_wait3A = arith.constant 0 : i32
      %dma_wait3A_73 = tpu.memref_slice %arg7[%arg0, %add3A_46, %dma_wait3A] : memref<2x10000x128xf32, #tpu.memory_space<hbm>> -> memref<1x128x128xf32, #tpu.memory_space<hbm>>
      %dma_wait3A_74 = tpu.memref_squeeze %dma_wait3A_73 : memref<1x128x128xf32, #tpu.memory_space<hbm>> -> memref<128x128xf32, #tpu.memory_space<hbm>>
      %dma_wait3A_75 = arith.constant 0 : i32
      %dma_wait3A_76 = tpu.memref_slice %arg7[%arg0, %add3A_46, %dma_wait3A_75] : memref<2x10000x128xf32, #tpu.memory_space<hbm>> -> memref<1x128x128xf32, #tpu.memory_space<hbm>>
      %dma_wait3A_77 = tpu.memref_squeeze %dma_wait3A_76 : memref<1x128x128xf32, #tpu.memory_space<hbm>> -> memref<128x128xf32, #tpu.memory_space<hbm>>
      tpu.wait_dma2 semaphore(%run_scoped3A : memref<!tpu.dma_semaphore, #tpu.memory_space<semaphore_mem>>) src(%arg10 : memref<128x128xf32, #tpu.memory_space<vmem>>) dst(%dma_wait3A_77 : memref<128x128xf32, #tpu.memory_space<hbm>>)
      tpu.yield
    }) : () -> ()
    %add3A_47 = arith.constant 128 : i32
    %add3A_48 = arith.addi %mul3A_2, %add3A_47 : i32
    "tpu.region"() ({
      %run_scoped3A = tpu.sem_alloc : memref<!tpu.dma_semaphore, #tpu.memory_space<semaphore_mem>>
      %dma_start3A = arith.constant 0 : i32
      %dma_start3A_68 = tpu.memref_slice %arg12[%add3A_48, %dma_start3A] : memref<10000x128xf32, #tpu.memory_space<vmem_shared>> -> memref<128x128xf32, #tpu.memory_space<vmem_shared>>
      %dma_start3A_69 = arith.constant 0 : i32
      %dma_start3A_70 = tpu.memref_slice %arg12[%add3A_48, %dma_start3A_69] : memref<10000x128xf32, #tpu.memory_space<vmem_shared>> -> memref<128x128xf32, #tpu.memory_space<vmem_shared>>
      tpu.enqueue_dma source(%dma_start3A_70 : memref<128x128xf32, #tpu.memory_space<vmem_shared>>) target(%arg10 : memref<128x128xf32, #tpu.memory_space<vmem>>) target_semaphore(%run_scoped3A : memref<!tpu.dma_semaphore, #tpu.memory_space<semaphore_mem>>)
      %dma_wait3A = arith.constant 0 : i32
      %dma_wait3A_71 = tpu.memref_slice %arg12[%add3A_48, %dma_wait3A] : memref<10000x128xf32, #tpu.memory_space<vmem_shared>> -> memref<128x128xf32, #tpu.memory_space<vmem_shared>>
      %dma_wait3A_72 = arith.constant 0 : i32
      %dma_wait3A_73 = tpu.memref_slice %arg12[%add3A_48, %dma_wait3A_72] : memref<10000x128xf32, #tpu.memory_space<vmem_shared>> -> memref<128x128xf32, #tpu.memory_space<vmem_shared>>
      tpu.wait_dma2 semaphore(%run_scoped3A : memref<!tpu.dma_semaphore, #tpu.memory_space<semaphore_mem>>) src(%dma_wait3A_73 : memref<128x128xf32, #tpu.memory_space<vmem_shared>>) dst(%arg10 : memref<128x128xf32, #tpu.memory_space<vmem>>)
      tpu.yield
    }) : () -> ()
    %add3A_49 = arith.constant 128 : i32
    %add3A_50 = arith.addi %mul3A_2, %add3A_49 : i32
    "tpu.region"() ({
      %run_scoped3A = tpu.sem_alloc : memref<!tpu.dma_semaphore, #tpu.memory_space<semaphore_mem>>
      %dma_start3A = arith.constant 0 : i32
      %dma_start3A_68 = tpu.memref_slice %arg7[%arg0, %add3A_50, %dma_start3A] : memref<2x10000x128xf32, #tpu.memory_space<hbm>> -> memref<1x128x128xf32, #tpu.memory_space<hbm>>
      %dma_start3A_69 = tpu.memref_squeeze %dma_start3A_68 : memref<1x128x128xf32, #tpu.memory_space<hbm>> -> memref<128x128xf32, #tpu.memory_space<hbm>>
      %dma_start3A_70 = arith.constant 0 : i32
      %dma_start3A_71 = tpu.memref_slice %arg7[%arg0, %add3A_50, %dma_start3A_70] : memref<2x10000x128xf32, #tpu.memory_space<hbm>> -> memref<1x128x128xf32, #tpu.memory_space<hbm>>
      %dma_start3A_72 = tpu.memref_squeeze %dma_start3A_71 : memref<1x128x128xf32, #tpu.memory_space<hbm>> -> memref<128x128xf32, #tpu.memory_space<hbm>>
      tpu.enqueue_dma source(%arg10 : memref<128x128xf32, #tpu.memory_space<vmem>>) target(%dma_start3A_72 : memref<128x128xf32, #tpu.memory_space<hbm>>) target_semaphore(%run_scoped3A : memref<!tpu.dma_semaphore, #tpu.memory_space<semaphore_mem>>)
      %dma_wait3A = arith.constant 0 : i32
      %dma_wait3A_73 = tpu.memref_slice %arg7[%arg0, %add3A_50, %dma_wait3A] : memref<2x10000x128xf32, #tpu.memory_space<hbm>> -> memref<1x128x128xf32, #tpu.memory_space<hbm>>
      %dma_wait3A_74 = tpu.memref_squeeze %dma_wait3A_73 : memref<1x128x128xf32, #tpu.memory_space<hbm>> -> memref<128x128xf32, #tpu.memory_space<hbm>>
      %dma_wait3A_75 = arith.constant 0 : i32
      %dma_wait3A_76 = tpu.memref_slice %arg7[%arg0, %add3A_50, %dma_wait3A_75] : memref<2x10000x128xf32, #tpu.memory_space<hbm>> -> memref<1x128x128xf32, #tpu.memory_space<hbm>>
      %dma_wait3A_77 = tpu.memref_squeeze %dma_wait3A_76 : memref<1x128x128xf32, #tpu.memory_space<hbm>> -> memref<128x128xf32, #tpu.memory_space<hbm>>
      tpu.wait_dma2 semaphore(%run_scoped3A : memref<!tpu.dma_semaphore, #tpu.memory_space<semaphore_mem>>) src(%arg10 : memref<128x128xf32, #tpu.memory_space<vmem>>) dst(%dma_wait3A_77 : memref<128x128xf32, #tpu.memory_space<hbm>>)
      tpu.yield
    }) : () -> ()
    %add3A_51 = arith.constant 256 : i32
    %add3A_52 = arith.addi %mul3A_2, %add3A_51 : i32
    "tpu.region"() ({
      %run_scoped3A = tpu.sem_alloc : memref<!tpu.dma_semaphore, #tpu.memory_space<semaphore_mem>>
      %dma_start3A = arith.constant 0 : i32
      %dma_start3A_68 = tpu.memref_slice %arg12[%add3A_52, %dma_start3A] : memref<10000x128xf32, #tpu.memory_space<vmem_shared>> -> memref<128x128xf32, #tpu.memory_space<vmem_shared>>
      %dma_start3A_69 = arith.constant 0 : i32
      %dma_start3A_70 = tpu.memref_slice %arg12[%add3A_52, %dma_start3A_69] : memref<10000x128xf32, #tpu.memory_space<vmem_shared>> -> memref<128x128xf32, #tpu.memory_space<vmem_shared>>
      tpu.enqueue_dma source(%dma_start3A_70 : memref<128x128xf32, #tpu.memory_space<vmem_shared>>) target(%arg10 : memref<128x128xf32, #tpu.memory_space<vmem>>) target_semaphore(%run_scoped3A : memref<!tpu.dma_semaphore, #tpu.memory_space<semaphore_mem>>)
      %dma_wait3A = arith.constant 0 : i32
      %dma_wait3A_71 = tpu.memref_slice %arg12[%add3A_52, %dma_wait3A] : memref<10000x128xf32, #tpu.memory_space<vmem_shared>> -> memref<128x128xf32, #tpu.memory_space<vmem_shared>>
      %dma_wait3A_72 = arith.constant 0 : i32
      %dma_wait3A_73 = tpu.memref_slice %arg12[%add3A_52, %dma_wait3A_72] : memref<10000x128xf32, #tpu.memory_space<vmem_shared>> -> memref<128x128xf32, #tpu.memory_space<vmem_shared>>
      tpu.wait_dma2 semaphore(%run_scoped3A : memref<!tpu.dma_semaphore, #tpu.memory_space<semaphore_mem>>) src(%dma_wait3A_73 : memref<128x128xf32, #tpu.memory_space<vmem_shared>>) dst(%arg10 : memref<128x128xf32, #tpu.memory_space<vmem>>)
      tpu.yield
    }) : () -> ()
    %add3A_53 = arith.constant 256 : i32
    %add3A_54 = arith.addi %mul3A_2, %add3A_53 : i32
    "tpu.region"() ({
      %run_scoped3A = tpu.sem_alloc : memref<!tpu.dma_semaphore, #tpu.memory_space<semaphore_mem>>
      %dma_start3A = arith.constant 0 : i32
      %dma_start3A_68 = tpu.memref_slice %arg7[%arg0, %add3A_54, %dma_start3A] : memref<2x10000x128xf32, #tpu.memory_space<hbm>> -> memref<1x128x128xf32, #tpu.memory_space<hbm>>
      %dma_start3A_69 = tpu.memref_squeeze %dma_start3A_68 : memref<1x128x128xf32, #tpu.memory_space<hbm>> -> memref<128x128xf32, #tpu.memory_space<hbm>>
      %dma_start3A_70 = arith.constant 0 : i32
      %dma_start3A_71 = tpu.memref_slice %arg7[%arg0, %add3A_54, %dma_start3A_70] : memref<2x10000x128xf32, #tpu.memory_space<hbm>> -> memref<1x128x128xf32, #tpu.memory_space<hbm>>
      %dma_start3A_72 = tpu.memref_squeeze %dma_start3A_71 : memref<1x128x128xf32, #tpu.memory_space<hbm>> -> memref<128x128xf32, #tpu.memory_space<hbm>>
      tpu.enqueue_dma source(%arg10 : memref<128x128xf32, #tpu.memory_space<vmem>>) target(%dma_start3A_72 : memref<128x128xf32, #tpu.memory_space<hbm>>) target_semaphore(%run_scoped3A : memref<!tpu.dma_semaphore, #tpu.memory_space<semaphore_mem>>)
      %dma_wait3A = arith.constant 0 : i32
      %dma_wait3A_73 = tpu.memref_slice %arg7[%arg0, %add3A_54, %dma_wait3A] : memref<2x10000x128xf32, #tpu.memory_space<hbm>> -> memref<1x128x128xf32, #tpu.memory_space<hbm>>
      %dma_wait3A_74 = tpu.memref_squeeze %dma_wait3A_73 : memref<1x128x128xf32, #tpu.memory_space<hbm>> -> memref<128x128xf32, #tpu.memory_space<hbm>>
      %dma_wait3A_75 = arith.constant 0 : i32
      %dma_wait3A_76 = tpu.memref_slice %arg7[%arg0, %add3A_54, %dma_wait3A_75] : memref<2x10000x128xf32, #tpu.memory_space<hbm>> -> memref<1x128x128xf32, #tpu.memory_space<hbm>>
      %dma_wait3A_77 = tpu.memref_squeeze %dma_wait3A_76 : memref<1x128x128xf32, #tpu.memory_space<hbm>> -> memref<128x128xf32, #tpu.memory_space<hbm>>
      tpu.wait_dma2 semaphore(%run_scoped3A : memref<!tpu.dma_semaphore, #tpu.memory_space<semaphore_mem>>) src(%arg10 : memref<128x128xf32, #tpu.memory_space<vmem>>) dst(%dma_wait3A_77 : memref<128x128xf32, #tpu.memory_space<hbm>>)
      tpu.yield
    }) : () -> ()
    %add3A_55 = arith.constant 384 : i32
    %add3A_56 = arith.addi %mul3A_2, %add3A_55 : i32
    "tpu.region"() ({
      %run_scoped3A = tpu.sem_alloc : memref<!tpu.dma_semaphore, #tpu.memory_space<semaphore_mem>>
      %dma_start3A = arith.constant 0 : i32
      %dma_start3A_68 = tpu.memref_slice %arg12[%add3A_56, %dma_start3A] : memref<10000x128xf32, #tpu.memory_space<vmem_shared>> -> memref<128x128xf32, #tpu.memory_space<vmem_shared>>
      %dma_start3A_69 = arith.constant 0 : i32
      %dma_start3A_70 = tpu.memref_slice %arg12[%add3A_56, %dma_start3A_69] : memref<10000x128xf32, #tpu.memory_space<vmem_shared>> -> memref<128x128xf32, #tpu.memory_space<vmem_shared>>
      tpu.enqueue_dma source(%dma_start3A_70 : memref<128x128xf32, #tpu.memory_space<vmem_shared>>) target(%arg10 : memref<128x128xf32, #tpu.memory_space<vmem>>) target_semaphore(%run_scoped3A : memref<!tpu.dma_semaphore, #tpu.memory_space<semaphore_mem>>)
      %dma_wait3A = arith.constant 0 : i32
      %dma_wait3A_71 = tpu.memref_slice %arg12[%add3A_56, %dma_wait3A] : memref<10000x128xf32, #tpu.memory_space<vmem_shared>> -> memref<128x128xf32, #tpu.memory_space<vmem_shared>>
      %dma_wait3A_72 = arith.constant 0 : i32
      %dma_wait3A_73 = tpu.memref_slice %arg12[%add3A_56, %dma_wait3A_72] : memref<10000x128xf32, #tpu.memory_space<vmem_shared>> -> memref<128x128xf32, #tpu.memory_space<vmem_shared>>
      tpu.wait_dma2 semaphore(%run_scoped3A : memref<!tpu.dma_semaphore, #tpu.memory_space<semaphore_mem>>) src(%dma_wait3A_73 : memref<128x128xf32, #tpu.memory_space<vmem_shared>>) dst(%arg10 : memref<128x128xf32, #tpu.memory_space<vmem>>)
      tpu.yield
    }) : () -> ()
    %add3A_57 = arith.constant 384 : i32
    %add3A_58 = arith.addi %mul3A_2, %add3A_57 : i32
    "tpu.region"() ({
      %run_scoped3A = tpu.sem_alloc : memref<!tpu.dma_semaphore, #tpu.memory_space<semaphore_mem>>
      %dma_start3A = arith.constant 0 : i32
      %dma_start3A_68 = tpu.memref_slice %arg7[%arg0, %add3A_58, %dma_start3A] : memref<2x10000x128xf32, #tpu.memory_space<hbm>> -> memref<1x128x128xf32, #tpu.memory_space<hbm>>
      %dma_start3A_69 = tpu.memref_squeeze %dma_start3A_68 : memref<1x128x128xf32, #tpu.memory_space<hbm>> -> memref<128x128xf32, #tpu.memory_space<hbm>>
      %dma_start3A_70 = arith.constant 0 : i32
      %dma_start3A_71 = tpu.memref_slice %arg7[%arg0, %add3A_58, %dma_start3A_70] : memref<2x10000x128xf32, #tpu.memory_space<hbm>> -> memref<1x128x128xf32, #tpu.memory_space<hbm>>
      %dma_start3A_72 = tpu.memref_squeeze %dma_start3A_71 : memref<1x128x128xf32, #tpu.memory_space<hbm>> -> memref<128x128xf32, #tpu.memory_space<hbm>>
      tpu.enqueue_dma source(%arg10 : memref<128x128xf32, #tpu.memory_space<vmem>>) target(%dma_start3A_72 : memref<128x128xf32, #tpu.memory_space<hbm>>) target_semaphore(%run_scoped3A : memref<!tpu.dma_semaphore, #tpu.memory_space<semaphore_mem>>)
      %dma_wait3A = arith.constant 0 : i32
      %dma_wait3A_73 = tpu.memref_slice %arg7[%arg0, %add3A_58, %dma_wait3A] : memref<2x10000x128xf32, #tpu.memory_space<hbm>> -> memref<1x128x128xf32, #tpu.memory_space<hbm>>
      %dma_wait3A_74 = tpu.memref_squeeze %dma_wait3A_73 : memref<1x128x128xf32, #tpu.memory_space<hbm>> -> memref<128x128xf32, #tpu.memory_space<hbm>>
      %dma_wait3A_75 = arith.constant 0 : i32
      %dma_wait3A_76 = tpu.memref_slice %arg7[%arg0, %add3A_58, %dma_wait3A_75] : memref<2x10000x128xf32, #tpu.memory_space<hbm>> -> memref<1x128x128xf32, #tpu.memory_space<hbm>>
      %dma_wait3A_77 = tpu.memref_squeeze %dma_wait3A_76 : memref<1x128x128xf32, #tpu.memory_space<hbm>> -> memref<128x128xf32, #tpu.memory_space<hbm>>
      tpu.wait_dma2 semaphore(%run_scoped3A : memref<!tpu.dma_semaphore, #tpu.memory_space<semaphore_mem>>) src(%arg10 : memref<128x128xf32, #tpu.memory_space<vmem>>) dst(%dma_wait3A_77 : memref<128x128xf32, #tpu.memory_space<hbm>>)
      tpu.yield
    }) : () -> ()
    %add3A_59 = arith.constant 512 : i32
    %add3A_60 = arith.addi %mul3A_2, %add3A_59 : i32
    "tpu.region"() ({
      %run_scoped3A = tpu.sem_alloc : memref<!tpu.dma_semaphore, #tpu.memory_space<semaphore_mem>>
      %dma_start3A = arith.constant 0 : i32
      %dma_start3A_68 = arith.constant 0 : i32
      %dma_start3A_69 = tpu.memref_slice %arg10[%dma_start3A, %dma_start3A_68] : memref<128x128xf32, #tpu.memory_space<vmem>> -> memref<112x128xf32, #tpu.memory_space<vmem>>
      %dma_start3A_70 = arith.constant 0 : i32
      %dma_start3A_71 = tpu.memref_slice %arg12[%add3A_60, %dma_start3A_70] : memref<10000x128xf32, #tpu.memory_space<vmem_shared>> -> memref<112x128xf32, #tpu.memory_space<vmem_shared>>
      %dma_start3A_72 = arith.constant 0 : i32
      %dma_start3A_73 = arith.constant 0 : i32
      %dma_start3A_74 = tpu.memref_slice %arg10[%dma_start3A_72, %dma_start3A_73] : memref<128x128xf32, #tpu.memory_space<vmem>> -> memref<112x128xf32, #tpu.memory_space<vmem>>
      %dma_start3A_75 = arith.constant 0 : i32
      %dma_start3A_76 = tpu.memref_slice %arg12[%add3A_60, %dma_start3A_75] : memref<10000x128xf32, #tpu.memory_space<vmem_shared>> -> memref<112x128xf32, #tpu.memory_space<vmem_shared>>
      tpu.enqueue_dma source(%dma_start3A_76 : memref<112x128xf32, #tpu.memory_space<vmem_shared>>) target(%dma_start3A_74 : memref<112x128xf32, #tpu.memory_space<vmem>>) target_semaphore(%run_scoped3A : memref<!tpu.dma_semaphore, #tpu.memory_space<semaphore_mem>>)
      %dma_wait3A = arith.constant 0 : i32
      %dma_wait3A_77 = arith.constant 0 : i32
      %dma_wait3A_78 = tpu.memref_slice %arg10[%dma_wait3A, %dma_wait3A_77] : memref<128x128xf32, #tpu.memory_space<vmem>> -> memref<112x128xf32, #tpu.memory_space<vmem>>
      %dma_wait3A_79 = arith.constant 0 : i32
      %dma_wait3A_80 = tpu.memref_slice %arg12[%add3A_60, %dma_wait3A_79] : memref<10000x128xf32, #tpu.memory_space<vmem_shared>> -> memref<112x128xf32, #tpu.memory_space<vmem_shared>>
      %dma_wait3A_81 = arith.constant 0 : i32
      %dma_wait3A_82 = arith.constant 0 : i32
      %dma_wait3A_83 = tpu.memref_slice %arg10[%dma_wait3A_81, %dma_wait3A_82] : memref<128x128xf32, #tpu.memory_space<vmem>> -> memref<112x128xf32, #tpu.memory_space<vmem>>
      %dma_wait3A_84 = arith.constant 0 : i32
      %dma_wait3A_85 = tpu.memref_slice %arg12[%add3A_60, %dma_wait3A_84] : memref<10000x128xf32, #tpu.memory_space<vmem_shared>> -> memref<112x128xf32, #tpu.memory_space<vmem_shared>>
      tpu.wait_dma2 semaphore(%run_scoped3A : memref<!tpu.dma_semaphore, #tpu.memory_space<semaphore_mem>>) src(%dma_wait3A_85 : memref<112x128xf32, #tpu.memory_space<vmem_shared>>) dst(%dma_wait3A_83 : memref<112x128xf32, #tpu.memory_space<vmem>>)
      tpu.yield
    }) : () -> ()
    %add3A_61 = arith.constant 512 : i32
    %add3A_62 = arith.addi %mul3A_2, %add3A_61 : i32
    "tpu.region"() ({
      %run_scoped3A = tpu.sem_alloc : memref<!tpu.dma_semaphore, #tpu.memory_space<semaphore_mem>>
      %dma_start3A = arith.constant 0 : i32
      %dma_start3A_68 = arith.constant 0 : i32
      %dma_start3A_69 = tpu.memref_slice %arg10[%dma_start3A, %dma_start3A_68] : memref<128x128xf32, #tpu.memory_space<vmem>> -> memref<112x128xf32, #tpu.memory_space<vmem>>
      %dma_start3A_70 = arith.constant 0 : i32
      %dma_start3A_71 = tpu.memref_slice %arg7[%arg0, %add3A_62, %dma_start3A_70] : memref<2x10000x128xf32, #tpu.memory_space<hbm>> -> memref<1x112x128xf32, #tpu.memory_space<hbm>>
      %dma_start3A_72 = tpu.memref_squeeze %dma_start3A_71 : memref<1x112x128xf32, #tpu.memory_space<hbm>> -> memref<112x128xf32, #tpu.memory_space<hbm>>
      %dma_start3A_73 = arith.constant 0 : i32
      %dma_start3A_74 = tpu.memref_slice %arg7[%arg0, %add3A_62, %dma_start3A_73] : memref<2x10000x128xf32, #tpu.memory_space<hbm>> -> memref<1x112x128xf32, #tpu.memory_space<hbm>>
      %dma_start3A_75 = tpu.memref_squeeze %dma_start3A_74 : memref<1x112x128xf32, #tpu.memory_space<hbm>> -> memref<112x128xf32, #tpu.memory_space<hbm>>
      %dma_start3A_76 = arith.constant 0 : i32
      %dma_start3A_77 = arith.constant 0 : i32
      %dma_start3A_78 = tpu.memref_slice %arg10[%dma_start3A_76, %dma_start3A_77] : memref<128x128xf32, #tpu.memory_space<vmem>> -> memref<112x128xf32, #tpu.memory_space<vmem>>
      tpu.enqueue_dma source(%dma_start3A_78 : memref<112x128xf32, #tpu.memory_space<vmem>>) target(%dma_start3A_75 : memref<112x128xf32, #tpu.memory_space<hbm>>) target_semaphore(%run_scoped3A : memref<!tpu.dma_semaphore, #tpu.memory_space<semaphore_mem>>)
      %dma_wait3A = arith.constant 0 : i32
      %dma_wait3A_79 = arith.constant 0 : i32
      %dma_wait3A_80 = tpu.memref_slice %arg10[%dma_wait3A, %dma_wait3A_79] : memref<128x128xf32, #tpu.memory_space<vmem>> -> memref<112x128xf32, #tpu.memory_space<vmem>>
      %dma_wait3A_81 = arith.constant 0 : i32
      %dma_wait3A_82 = tpu.memref_slice %arg7[%arg0, %add3A_62, %dma_wait3A_81] : memref<2x10000x128xf32, #tpu.memory_space<hbm>> -> memref<1x112x128xf32, #tpu.memory_space<hbm>>
      %dma_wait3A_83 = tpu.memref_squeeze %dma_wait3A_82 : memref<1x112x128xf32, #tpu.memory_space<hbm>> -> memref<112x128xf32, #tpu.memory_space<hbm>>
      %dma_wait3A_84 = arith.constant 0 : i32
      %dma_wait3A_85 = tpu.memref_slice %arg7[%arg0, %add3A_62, %dma_wait3A_84] : memref<2x10000x128xf32, #tpu.memory_space<hbm>> -> memref<1x112x128xf32, #tpu.memory_space<hbm>>
      %dma_wait3A_86 = tpu.memref_squeeze %dma_wait3A_85 : memref<1x112x128xf32, #tpu.memory_space<hbm>> -> memref<112x128xf32, #tpu.memory_space<hbm>>
      %dma_wait3A_87 = arith.constant 0 : i32
      %dma_wait3A_88 = arith.constant 0 : i32
      %dma_wait3A_89 = tpu.memref_slice %arg10[%dma_wait3A_87, %dma_wait3A_88] : memref<128x128xf32, #tpu.memory_space<vmem>> -> memref<112x128xf32, #tpu.memory_space<vmem>>
      tpu.wait_dma2 semaphore(%run_scoped3A : memref<!tpu.dma_semaphore, #tpu.memory_space<semaphore_mem>>) src(%dma_wait3A_89 : memref<112x128xf32, #tpu.memory_space<vmem>>) dst(%dma_wait3A_86 : memref<112x128xf32, #tpu.memory_space<hbm>>)
      tpu.yield
    }) : () -> ()
    %eq3A_63 = arith.constant 15 : i32
    %eq3A_64 = arith.cmpi eq, %arg1, %eq3A_63 : i32
    %convert_element_type3A_65 = arith.extui %eq3A_64 : i1 to i32
    %cond3A_66 = arith.constant 0 : i32
    %cond3A_67 = arith.cmpi ne, %convert_element_type3A_65, %cond3A_66 : i32
    scf.if %cond3A_67 {
      "tpu.region"() ({
        %run_scoped3A = tpu.sem_alloc : memref<!tpu.dma_semaphore, #tpu.memory_space<semaphore_mem>>
        %dma_start3A = arith.constant 0 : i32
        %dma_start3A_68 = arith.constant 0 : i32
        %dma_start3A_69 = tpu.memref_slice %arg10[%dma_start3A, %dma_start3A_68] : memref<128x128xf32, #tpu.memory_space<vmem>> -> memref<16x128xf32, #tpu.memory_space<vmem>>
        %dma_start3A_70 = arith.constant 9984 : i32
        %dma_start3A_71 = arith.constant 0 : i32
        %dma_start3A_72 = tpu.memref_slice %arg12[%dma_start3A_70, %dma_start3A_71] : memref<10000x128xf32, #tpu.memory_space<vmem_shared>> -> memref<16x128xf32, #tpu.memory_space<vmem_shared>>
        %dma_start3A_73 = arith.constant 0 : i32
        %dma_start3A_74 = arith.constant 0 : i32
        %dma_start3A_75 = tpu.memref_slice %arg10[%dma_start3A_73, %dma_start3A_74] : memref<128x128xf32, #tpu.memory_space<vmem>> -> memref<16x128xf32, #tpu.memory_space<vmem>>
        %dma_start3A_76 = arith.constant 9984 : i32
        %dma_start3A_77 = arith.constant 0 : i32
        %dma_start3A_78 = tpu.memref_slice %arg12[%dma_start3A_76, %dma_start3A_77] : memref<10000x128xf32, #tpu.memory_space<vmem_shared>> -> memref<16x128xf32, #tpu.memory_space<vmem_shared>>
        tpu.enqueue_dma source(%dma_start3A_78 : memref<16x128xf32, #tpu.memory_space<vmem_shared>>) target(%dma_start3A_75 : memref<16x128xf32, #tpu.memory_space<vmem>>) target_semaphore(%run_scoped3A : memref<!tpu.dma_semaphore, #tpu.memory_space<semaphore_mem>>)
        %dma_wait3A = arith.constant 0 : i32
        %dma_wait3A_79 = arith.constant 0 : i32
        %dma_wait3A_80 = tpu.memref_slice %arg10[%dma_wait3A, %dma_wait3A_79] : memref<128x128xf32, #tpu.memory_space<vmem>> -> memref<16x128xf32, #tpu.memory_space<vmem>>
        %dma_wait3A_81 = arith.constant 9984 : i32
        %dma_wait3A_82 = arith.constant 0 : i32
        %dma_wait3A_83 = tpu.memref_slice %arg12[%dma_wait3A_81, %dma_wait3A_82] : memref<10000x128xf32, #tpu.memory_space<vmem_shared>> -> memref<16x128xf32, #tpu.memory_space<vmem_shared>>
        %dma_wait3A_84 = arith.constant 0 : i32
        %dma_wait3A_85 = arith.constant 0 : i32
        %dma_wait3A_86 = tpu.memref_slice %arg10[%dma_wait3A_84, %dma_wait3A_85] : memref<128x128xf32, #tpu.memory_space<vmem>> -> memref<16x128xf32, #tpu.memory_space<vmem>>
        %dma_wait3A_87 = arith.constant 9984 : i32
        %dma_wait3A_88 = arith.constant 0 : i32
        %dma_wait3A_89 = tpu.memref_slice %arg12[%dma_wait3A_87, %dma_wait3A_88] : memref<10000x128xf32, #tpu.memory_space<vmem_shared>> -> memref<16x128xf32, #tpu.memory_space<vmem_shared>>
        tpu.wait_dma2 semaphore(%run_scoped3A : memref<!tpu.dma_semaphore, #tpu.memory_space<semaphore_mem>>) src(%dma_wait3A_89 : memref<16x128xf32, #tpu.memory_space<vmem_shared>>) dst(%dma_wait3A_86 : memref<16x128xf32, #tpu.memory_space<vmem>>)
        tpu.yield
      }) : () -> ()
      "tpu.region"() ({
        %run_scoped3A = tpu.sem_alloc : memref<!tpu.dma_semaphore, #tpu.memory_space<semaphore_mem>>
        %dma_start3A = arith.constant 0 : i32
        %dma_start3A_68 = arith.constant 0 : i32
        %dma_start3A_69 = tpu.memref_slice %arg10[%dma_start3A, %dma_start3A_68] : memref<128x128xf32, #tpu.memory_space<vmem>> -> memref<16x128xf32, #tpu.memory_space<vmem>>
        %dma_start3A_70 = arith.constant 9984 : i32
        %dma_start3A_71 = arith.constant 0 : i32
        %dma_start3A_72 = tpu.memref_slice %arg7[%arg0, %dma_start3A_70, %dma_start3A_71] : memref<2x10000x128xf32, #tpu.memory_space<hbm>> -> memref<1x16x128xf32, #tpu.memory_space<hbm>>
        %dma_start3A_73 = tpu.memref_squeeze %dma_start3A_72 : memref<1x16x128xf32, #tpu.memory_space<hbm>> -> memref<16x128xf32, #tpu.memory_space<hbm>>
        %dma_start3A_74 = arith.constant 9984 : i32
        %dma_start3A_75 = arith.constant 0 : i32
        %dma_start3A_76 = tpu.memref_slice %arg7[%arg0, %dma_start3A_74, %dma_start3A_75] : memref<2x10000x128xf32, #tpu.memory_space<hbm>> -> memref<1x16x128xf32, #tpu.memory_space<hbm>>
        %dma_start3A_77 = tpu.memref_squeeze %dma_start3A_76 : memref<1x16x128xf32, #tpu.memory_space<hbm>> -> memref<16x128xf32, #tpu.memory_space<hbm>>
        %dma_start3A_78 = arith.constant 0 : i32
        %dma_start3A_79 = arith.constant 0 : i32
        %dma_start3A_80 = tpu.memref_slice %arg10[%dma_start3A_78, %dma_start3A_79] : memref<128x128xf32, #tpu.memory_space<vmem>> -> memref<16x128xf32, #tpu.memory_space<vmem>>
        tpu.enqueue_dma source(%dma_start3A_80 : memref<16x128xf32, #tpu.memory_space<vmem>>) target(%dma_start3A_77 : memref<16x128xf32, #tpu.memory_space<hbm>>) target_semaphore(%run_scoped3A : memref<!tpu.dma_semaphore, #tpu.memory_space<semaphore_mem>>)
        %dma_wait3A = arith.constant 0 : i32
        %dma_wait3A_81 = arith.constant 0 : i32
        %dma_wait3A_82 = tpu.memref_slice %arg10[%dma_wait3A, %dma_wait3A_81] : memref<128x128xf32, #tpu.memory_space<vmem>> -> memref<16x128xf32, #tpu.memory_space<vmem>>
        %dma_wait3A_83 = arith.constant 9984 : i32
        %dma_wait3A_84 = arith.constant 0 : i32
        %dma_wait3A_85 = tpu.memref_slice %arg7[%arg0, %dma_wait3A_83, %dma_wait3A_84] : memref<2x10000x128xf32, #tpu.memory_space<hbm>> -> memref<1x16x128xf32, #tpu.memory_space<hbm>>
        %dma_wait3A_86 = tpu.memref_squeeze %dma_wait3A_85 : memref<1x16x128xf32, #tpu.memory_space<hbm>> -> memref<16x128xf32, #tpu.memory_space<hbm>>
        %dma_wait3A_87 = arith.constant 9984 : i32
        %dma_wait3A_88 = arith.constant 0 : i32
        %dma_wait3A_89 = tpu.memref_slice %arg7[%arg0, %dma_wait3A_87, %dma_wait3A_88] : memref<2x10000x128xf32, #tpu.memory_space<hbm>> -> memref<1x16x128xf32, #tpu.memory_space<hbm>>
        %dma_wait3A_90 = tpu.memref_squeeze %dma_wait3A_89 : memref<1x16x128xf32, #tpu.memory_space<hbm>> -> memref<16x128xf32, #tpu.memory_space<hbm>>
        %dma_wait3A_91 = arith.constant 0 : i32
        %dma_wait3A_92 = arith.constant 0 : i32
        %dma_wait3A_93 = tpu.memref_slice %arg10[%dma_wait3A_91, %dma_wait3A_92] : memref<128x128xf32, #tpu.memory_space<vmem>> -> memref<16x128xf32, #tpu.memory_space<vmem>>
        tpu.wait_dma2 semaphore(%run_scoped3A : memref<!tpu.dma_semaphore, #tpu.memory_space<semaphore_mem>>) src(%dma_wait3A_93 : memref<16x128xf32, #tpu.memory_space<vmem>>) dst(%dma_wait3A_90 : memref<16x128xf32, #tpu.memory_space<hbm>>)
        tpu.yield
      }) : () -> ()
    } else {
    }
    return
  }
}

#map = affine_map<(d0, d1) -> (0, 0)>
#map1 = affine_map<(d0, d1) -> (0)>
#map2 = affine_map<(d0, d1) -> (0, 0, 0)>
module attributes {stable_mosaic.version = 14 : i64} {
  func.func @k(%arg0: i32, %arg1: i32, %arg2: memref<80000x128xf32, #tpu.memory_space<hbm>>, %arg3: memref<80000x128xf32, #tpu.memory_space<hbm>>, %arg4: memref<80000xi32, #tpu.memory_space<hbm>>, %arg5: memref<80000xi32, #tpu.memory_space<hbm>>, %arg6: memref<128x128xf32, #tpu.memory_space<hbm>>, %arg7: memref<2x10000x128xf32, #tpu.memory_space<hbm>>, %arg8: memref<32x10000xf32, #tpu.memory_space<hbm>>, %arg9: memref<128xi32, #tpu.memory_space<vmem>>, %arg10: memref<128x128xf32, #tpu.memory_space<vmem>>, %arg11: memref<10000xf32, #tpu.memory_space<vmem>>, %arg12: memref<10000x128xf32, #tpu.memory_space<vmem_shared>>) attributes {dimension_semantics = [#tpu.dimension_semantics<core_parallel>, #tpu.dimension_semantics<subcore_parallel>], iteration_bounds = array<i64: 2, 16>, scalar_prefetch = 0 : i64, scratch_operands = 4 : i64, tpu.core_type = #tpu.core_type<sc_vector_subcore>, window_params = [{transform_indices = #map}, {transform_indices = #map}, {transform_indices = #map1}, {transform_indices = #map1}, {transform_indices = #map}, {transform_indices = #map2}, {transform_indices = #map}]} {
    %mul3A = arith.constant 2 : i32
    %mul3A_0 = arith.muli %arg1, %mul3A : i32
    %add3A = arith.addi %mul3A_0, %arg0 : i32
    %mul3A_1 = arith.constant 624 : i32
    %mul3A_2 = arith.muli %arg1, %mul3A_1 : i32
    %broadcast_in_dim3A = arith.constant 0.000000e+00 : f32
    %broadcast_in_dim3A_3 = vector.broadcast %broadcast_in_dim3A : f32 to vector<16xf32>
    %broadcast_in_dim3A_4 = arith.constant 1.000000e+00 : f32
    %broadcast_in_dim3A_5 = vector.broadcast %broadcast_in_dim3A_4 : f32 to vector<16xf32>
    %scan3A = arith.constant 0 : i32
    %scan3A_6 = arith.constant 625 : i32
    %scan3A_7 = arith.addi %scan3A, %scan3A_6 : i32
    %scan3A_8 = arith.constant 1 : i32
    scf.for %scan3A_68 = %scan3A to %scan3A_7 step %scan3A_8  : i32 {
      %mul3A_69 = arith.constant 16 : i32
      %mul3A_70 = arith.muli %scan3A_68, %mul3A_69 : i32
      %add3A_71 = arith.constant 0 : i32
      %add3A_72 = arith.addi %add3A_71, %mul3A_70 : i32
      %swap3A = arith.index_cast %add3A_72 : i32 to index
      %swap3A_73 = tpu.vector_load %arg11[%swap3A] {strides = array<i32>} : memref<10000xf32, #tpu.memory_space<vmem>>, vector<16xf32>,
      tpu.vector_store %arg11[%swap3A], %broadcast_in_dim3A_3 {strides = array<i32>} : memref<10000xf32, #tpu.memory_space<vmem>>, vector<16xf32>,
    }
    %scan3A_9 = arith.constant 625 : i32
    "tpu.region"() ({
      %run_scoped3A = tpu.sem_alloc : memref<!tpu.dma_semaphore, #tpu.memory_space<semaphore_mem>>
      tpu.enqueue_dma source(%arg6 : memref<128x128xf32, #tpu.memory_space<hbm>>) target(%arg10 : memref<128x128xf32, #tpu.memory_space<vmem>>) target_semaphore(%run_scoped3A : memref<!tpu.dma_semaphore, #tpu.memory_space<semaphore_mem>>)
      tpu.wait_dma2 semaphore(%run_scoped3A : memref<!tpu.dma_semaphore, #tpu.memory_space<semaphore_mem>>) src(%arg6 : memref<128x128xf32, #tpu.memory_space<hbm>>) dst(%arg10 : memref<128x128xf32, #tpu.memory_space<vmem>>)
      tpu.yield
    }) : () -> ()
    %add3A_10 = arith.constant 0 : i32
    %add3A_11 = arith.addi %mul3A_2, %add3A_10 : i32
    "tpu.region"() ({
      %run_scoped3A = tpu.sem_alloc : memref<!tpu.dma_semaphore, #tpu.memory_space<semaphore_mem>>
      %dma_start3A = arith.constant 0 : i32
      %dma_start3A_68 = tpu.memref_slice %arg12[%add3A_11, %dma_start3A] : memref<10000x128xf32, #tpu.memory_space<vmem_shared>> -> memref<128x128xf32, #tpu.memory_space<vmem_shared>>
      %dma_start3A_69 = arith.constant 0 : i32
      %dma_start3A_70 = tpu.memref_slice %arg12[%add3A_11, %dma_start3A_69] : memref<10000x128xf32, #tpu.memory_space<vmem_shared>> -> memref<128x128xf32, #tpu.memory_space<vmem_shared>>
      tpu.enqueue_dma source(%arg10 : memref<128x128xf32, #tpu.memory_space<vmem>>) target(%dma_start3A_70 : memref<128x128xf32, #tpu.memory_space<vmem_shared>>) target_semaphore(%run_scoped3A : memref<!tpu.dma_semaphore, #tpu.memory_space<semaphore_mem>>)
      %dma_wait3A = arith.constant 0 : i32
      %dma_wait3A_71 = tpu.memref_slice %arg12[%add3A_11, %dma_wait3A] : memref<10000x128xf32, #tpu.memory_space<vmem_shared>> -> memref<128x128xf32, #tpu.memory_space<vmem_shared>>
      %dma_wait3A_72 = arith.constant 0 : i32
      %dma_wait3A_73 = tpu.memref_slice %arg12[%add3A_11, %dma_wait3A_72] : memref<10000x128xf32, #tpu.memory_space<vmem_shared>> -> memref<128x128xf32, #tpu.memory_space<vmem_shared>>
      tpu.wait_dma2 semaphore(%run_scoped3A : memref<!tpu.dma_semaphore, #tpu.memory_space<semaphore_mem>>) src(%arg10 : memref<128x128xf32, #tpu.memory_space<vmem>>) dst(%dma_wait3A_73 : memref<128x128xf32, #tpu.memory_space<vmem_shared>>)
      tpu.yield
    }) : () -> ()
    %add3A_12 = arith.constant 128 : i32
    %add3A_13 = arith.addi %mul3A_2, %add3A_12 : i32
    "tpu.region"() ({
      %run_scoped3A = tpu.sem_alloc : memref<!tpu.dma_semaphore, #tpu.memory_space<semaphore_mem>>
      %dma_start3A = arith.constant 0 : i32
      %dma_start3A_68 = tpu.memref_slice %arg12[%add3A_13, %dma_start3A] : memref<10000x128xf32, #tpu.memory_space<vmem_shared>> -> memref<128x128xf32, #tpu.memory_space<vmem_shared>>
      %dma_start3A_69 = arith.constant 0 : i32
      %dma_start3A_70 = tpu.memref_slice %arg12[%add3A_13, %dma_start3A_69] : memref<10000x128xf32, #tpu.memory_space<vmem_shared>> -> memref<128x128xf32, #tpu.memory_space<vmem_shared>>
      tpu.enqueue_dma source(%arg10 : memref<128x128xf32, #tpu.memory_space<vmem>>) target(%dma_start3A_70 : memref<128x128xf32, #tpu.memory_space<vmem_shared>>) target_semaphore(%run_scoped3A : memref<!tpu.dma_semaphore, #tpu.memory_space<semaphore_mem>>)
      %dma_wait3A = arith.constant 0 : i32
      %dma_wait3A_71 = tpu.memref_slice %arg12[%add3A_13, %dma_wait3A] : memref<10000x128xf32, #tpu.memory_space<vmem_shared>> -> memref<128x128xf32, #tpu.memory_space<vmem_shared>>
      %dma_wait3A_72 = arith.constant 0 : i32
      %dma_wait3A_73 = tpu.memref_slice %arg12[%add3A_13, %dma_wait3A_72] : memref<10000x128xf32, #tpu.memory_space<vmem_shared>> -> memref<128x128xf32, #tpu.memory_space<vmem_shared>>
      tpu.wait_dma2 semaphore(%run_scoped3A : memref<!tpu.dma_semaphore, #tpu.memory_space<semaphore_mem>>) src(%arg10 : memref<128x128xf32, #tpu.memory_space<vmem>>) dst(%dma_wait3A_73 : memref<128x128xf32, #tpu.memory_space<vmem_shared>>)
      tpu.yield
    }) : () -> ()
    %add3A_14 = arith.constant 256 : i32
    %add3A_15 = arith.addi %mul3A_2, %add3A_14 : i32
    "tpu.region"() ({
      %run_scoped3A = tpu.sem_alloc : memref<!tpu.dma_semaphore, #tpu.memory_space<semaphore_mem>>
      %dma_start3A = arith.constant 0 : i32
      %dma_start3A_68 = tpu.memref_slice %arg12[%add3A_15, %dma_start3A] : memref<10000x128xf32, #tpu.memory_space<vmem_shared>> -> memref<128x128xf32, #tpu.memory_space<vmem_shared>>
      %dma_start3A_69 = arith.constant 0 : i32
      %dma_start3A_70 = tpu.memref_slice %arg12[%add3A_15, %dma_start3A_69] : memref<10000x128xf32, #tpu.memory_space<vmem_shared>> -> memref<128x128xf32, #tpu.memory_space<vmem_shared>>
      tpu.enqueue_dma source(%arg10 : memref<128x128xf32, #tpu.memory_space<vmem>>) target(%dma_start3A_70 : memref<128x128xf32, #tpu.memory_space<vmem_shared>>) target_semaphore(%run_scoped3A : memref<!tpu.dma_semaphore, #tpu.memory_space<semaphore_mem>>)
      %dma_wait3A = arith.constant 0 : i32
      %dma_wait3A_71 = tpu.memref_slice %arg12[%add3A_15, %dma_wait3A] : memref<10000x128xf32, #tpu.memory_space<vmem_shared>> -> memref<128x128xf32, #tpu.memory_space<vmem_shared>>
      %dma_wait3A_72 = arith.constant 0 : i32
      %dma_wait3A_73 = tpu.memref_slice %arg12[%add3A_15, %dma_wait3A_72] : memref<10000x128xf32, #tpu.memory_space<vmem_shared>> -> memref<128x128xf32, #tpu.memory_space<vmem_shared>>
      tpu.wait_dma2 semaphore(%run_scoped3A : memref<!tpu.dma_semaphore, #tpu.memory_space<semaphore_mem>>) src(%arg10 : memref<128x128xf32, #tpu.memory_space<vmem>>) dst(%dma_wait3A_73 : memref<128x128xf32, #tpu.memory_space<vmem_shared>>)
      tpu.yield
    }) : () -> ()
    %add3A_16 = arith.constant 384 : i32
    %add3A_17 = arith.addi %mul3A_2, %add3A_16 : i32
    "tpu.region"() ({
      %run_scoped3A = tpu.sem_alloc : memref<!tpu.dma_semaphore, #tpu.memory_space<semaphore_mem>>
      %dma_start3A = arith.constant 0 : i32
      %dma_start3A_68 = tpu.memref_slice %arg12[%add3A_17, %dma_start3A] : memref<10000x128xf32, #tpu.memory_space<vmem_shared>> -> memref<128x128xf32, #tpu.memory_space<vmem_shared>>
      %dma_start3A_69 = arith.constant 0 : i32
      %dma_start3A_70 = tpu.memref_slice %arg12[%add3A_17, %dma_start3A_69] : memref<10000x128xf32, #tpu.memory_space<vmem_shared>> -> memref<128x128xf32, #tpu.memory_space<vmem_shared>>
      tpu.enqueue_dma source(%arg10 : memref<128x128xf32, #tpu.memory_space<vmem>>) target(%dma_start3A_70 : memref<128x128xf32, #tpu.memory_space<vmem_shared>>) target_semaphore(%run_scoped3A : memref<!tpu.dma_semaphore, #tpu.memory_space<semaphore_mem>>)
      %dma_wait3A = arith.constant 0 : i32
      %dma_wait3A_71 = tpu.memref_slice %arg12[%add3A_17, %dma_wait3A] : memref<10000x128xf32, #tpu.memory_space<vmem_shared>> -> memref<128x128xf32, #tpu.memory_space<vmem_shared>>
      %dma_wait3A_72 = arith.constant 0 : i32
      %dma_wait3A_73 = tpu.memref_slice %arg12[%add3A_17, %dma_wait3A_72] : memref<10000x128xf32, #tpu.memory_space<vmem_shared>> -> memref<128x128xf32, #tpu.memory_space<vmem_shared>>
      tpu.wait_dma2 semaphore(%run_scoped3A : memref<!tpu.dma_semaphore, #tpu.memory_space<semaphore_mem>>) src(%arg10 : memref<128x128xf32, #tpu.memory_space<vmem>>) dst(%dma_wait3A_73 : memref<128x128xf32, #tpu.memory_space<vmem_shared>>)
      tpu.yield
    }) : () -> ()
    %add3A_18 = arith.constant 512 : i32
    %add3A_19 = arith.addi %mul3A_2, %add3A_18 : i32
    "tpu.region"() ({
      %run_scoped3A = tpu.sem_alloc : memref<!tpu.dma_semaphore, #tpu.memory_space<semaphore_mem>>
      %dma_start3A = arith.constant 0 : i32
      %dma_start3A_68 = arith.constant 0 : i32
      %dma_start3A_69 = tpu.memref_slice %arg10[%dma_start3A, %dma_start3A_68] : memref<128x128xf32, #tpu.memory_space<vmem>> -> memref<112x128xf32, #tpu.memory_space<vmem>>
      %dma_start3A_70 = arith.constant 0 : i32
      %dma_start3A_71 = tpu.memref_slice %arg12[%add3A_19, %dma_start3A_70] : memref<10000x128xf32, #tpu.memory_space<vmem_shared>> -> memref<112x128xf32, #tpu.memory_space<vmem_shared>>
      %dma_start3A_72 = arith.constant 0 : i32
      %dma_start3A_73 = tpu.memref_slice %arg12[%add3A_19, %dma_start3A_72] : memref<10000x128xf32, #tpu.memory_space<vmem_shared>> -> memref<112x128xf32, #tpu.memory_space<vmem_shared>>
      %dma_start3A_74 = arith.constant 0 : i32
      %dma_start3A_75 = arith.constant 0 : i32
      %dma_start3A_76 = tpu.memref_slice %arg10[%dma_start3A_74, %dma_start3A_75] : memref<128x128xf32, #tpu.memory_space<vmem>> -> memref<112x128xf32, #tpu.memory_space<vmem>>
      tpu.enqueue_dma source(%dma_start3A_76 : memref<112x128xf32, #tpu.memory_space<vmem>>) target(%dma_start3A_73 : memref<112x128xf32, #tpu.memory_space<vmem_shared>>) target_semaphore(%run_scoped3A : memref<!tpu.dma_semaphore, #tpu.memory_space<semaphore_mem>>)
      %dma_wait3A = arith.constant 0 : i32
      %dma_wait3A_77 = arith.constant 0 : i32
      %dma_wait3A_78 = tpu.memref_slice %arg10[%dma_wait3A, %dma_wait3A_77] : memref<128x128xf32, #tpu.memory_space<vmem>> -> memref<112x128xf32, #tpu.memory_space<vmem>>
      %dma_wait3A_79 = arith.constant 0 : i32
      %dma_wait3A_80 = tpu.memref_slice %arg12[%add3A_19, %dma_wait3A_79] : memref<10000x128xf32, #tpu.memory_space<vmem_shared>> -> memref<112x128xf32, #tpu.memory_space<vmem_shared>>
      %dma_wait3A_81 = arith.constant 0 : i32
      %dma_wait3A_82 = tpu.memref_slice %arg12[%add3A_19, %dma_wait3A_81] : memref<10000x128xf32, #tpu.memory_space<vmem_shared>> -> memref<112x128xf32, #tpu.memory_space<vmem_shared>>
      %dma_wait3A_83 = arith.constant 0 : i32
      %dma_wait3A_84 = arith.constant 0 : i32
      %dma_wait3A_85 = tpu.memref_slice %arg10[%dma_wait3A_83, %dma_wait3A_84] : memref<128x128xf32, #tpu.memory_space<vmem>> -> memref<112x128xf32, #tpu.memory_space<vmem>>
      tpu.wait_dma2 semaphore(%run_scoped3A : memref<!tpu.dma_semaphore, #tpu.memory_space<semaphore_mem>>) src(%dma_wait3A_85 : memref<112x128xf32, #tpu.memory_space<vmem>>) dst(%dma_wait3A_82 : memref<112x128xf32, #tpu.memory_space<vmem_shared>>)
      tpu.yield
    }) : () -> ()
    %eq3A = arith.constant 15 : i32
    %eq3A_20 = arith.cmpi eq, %arg1, %eq3A : i32
    %convert_element_type3A = arith.extui %eq3A_20 : i1 to i32
    %cond3A = arith.constant 0 : i32
    %cond3A_21 = arith.cmpi ne, %convert_element_type3A, %cond3A : i32
    scf.if %cond3A_21 {
      "tpu.region"() ({
        %run_scoped3A = tpu.sem_alloc : memref<!tpu.dma_semaphore, #tpu.memory_space<semaphore_mem>>
        %dma_start3A = arith.constant 0 : i32
        %dma_start3A_68 = arith.constant 0 : i32
        %dma_start3A_69 = tpu.memref_slice %arg10[%dma_start3A, %dma_start3A_68] : memref<128x128xf32, #tpu.memory_space<vmem>> -> memref<16x128xf32, #tpu.memory_space<vmem>>
        %dma_start3A_70 = arith.constant 9984 : i32
        %dma_start3A_71 = arith.constant 0 : i32
        %dma_start3A_72 = tpu.memref_slice %arg12[%dma_start3A_70, %dma_start3A_71] : memref<10000x128xf32, #tpu.memory_space<vmem_shared>> -> memref<16x128xf32, #tpu.memory_space<vmem_shared>>
        %dma_start3A_73 = arith.constant 9984 : i32
        %dma_start3A_74 = arith.constant 0 : i32
        %dma_start3A_75 = tpu.memref_slice %arg12[%dma_start3A_73, %dma_start3A_74] : memref<10000x128xf32, #tpu.memory_space<vmem_shared>> -> memref<16x128xf32, #tpu.memory_space<vmem_shared>>
        %dma_start3A_76 = arith.constant 0 : i32
        %dma_start3A_77 = arith.constant 0 : i32
        %dma_start3A_78 = tpu.memref_slice %arg10[%dma_start3A_76, %dma_start3A_77] : memref<128x128xf32, #tpu.memory_space<vmem>> -> memref<16x128xf32, #tpu.memory_space<vmem>>
        tpu.enqueue_dma source(%dma_start3A_78 : memref<16x128xf32, #tpu.memory_space<vmem>>) target(%dma_start3A_75 : memref<16x128xf32, #tpu.memory_space<vmem_shared>>) target_semaphore(%run_scoped3A : memref<!tpu.dma_semaphore, #tpu.memory_space<semaphore_mem>>)
        %dma_wait3A = arith.constant 0 : i32
        %dma_wait3A_79 = arith.constant 0 : i32
        %dma_wait3A_80 = tpu.memref_slice %arg10[%dma_wait3A, %dma_wait3A_79] : memref<128x128xf32, #tpu.memory_space<vmem>> -> memref<16x128xf32, #tpu.memory_space<vmem>>
        %dma_wait3A_81 = arith.constant 9984 : i32
        %dma_wait3A_82 = arith.constant 0 : i32
        %dma_wait3A_83 = tpu.memref_slice %arg12[%dma_wait3A_81, %dma_wait3A_82] : memref<10000x128xf32, #tpu.memory_space<vmem_shared>> -> memref<16x128xf32, #tpu.memory_space<vmem_shared>>
        %dma_wait3A_84 = arith.constant 9984 : i32
        %dma_wait3A_85 = arith.constant 0 : i32
        %dma_wait3A_86 = tpu.memref_slice %arg12[%dma_wait3A_84, %dma_wait3A_85] : memref<10000x128xf32, #tpu.memory_space<vmem_shared>> -> memref<16x128xf32, #tpu.memory_space<vmem_shared>>
        %dma_wait3A_87 = arith.constant 0 : i32
        %dma_wait3A_88 = arith.constant 0 : i32
        %dma_wait3A_89 = tpu.memref_slice %arg10[%dma_wait3A_87, %dma_wait3A_88] : memref<128x128xf32, #tpu.memory_space<vmem>> -> memref<16x128xf32, #tpu.memory_space<vmem>>
        tpu.wait_dma2 semaphore(%run_scoped3A : memref<!tpu.dma_semaphore, #tpu.memory_space<semaphore_mem>>) src(%dma_wait3A_89 : memref<16x128xf32, #tpu.memory_space<vmem>>) dst(%dma_wait3A_86 : memref<16x128xf32, #tpu.memory_space<vmem_shared>>)
        tpu.yield
      }) : () -> ()
    } else {
    }
    %barrier3A = arith.constant 0 : index
    tpu.barrier barrier_id(%barrier3A)
    %lt3A = arith.constant 17 : i32
    %lt3A_22 = arith.cmpi slt, %add3A, %lt3A : i32
    %jit3A = arith.constant 1 : i32
    %jit3A_23 = arith.constant 0 : i32
    %select_n3A = arith.select %lt3A_22, %jit3A, %jit3A_23 : i32
    %add3A_24 = arith.constant 19 : i32
    %add3A_25 = arith.addi %add3A_24, %select_n3A : i32
    %sub3A = arith.constant 0 : i32
    %sub3A_26 = arith.subi %add3A_25, %sub3A : i32
    %sub3A_27 = arith.constant 1 : i32
    %sub3A_28 = arith.constant 1 : i32
    %sub3A_29 = arith.subi %sub3A_27, %sub3A_28 : i32
    %add3A_30 = arith.addi %sub3A_26, %sub3A_29 : i32
    %div3A = arith.constant 1 : i32
    %div3A_31 = arith.divsi %add3A_30, %div3A : i32
    %while3A = arith.constant 1 : i32
    %while3A_32 = arith.constant 0 : i32
    %while3A_33 = arith.constant 0 : i32
    %while3A_34 = arith.subi %div3A_31, %while3A_33 : i32
    %while3A_35 = arith.addi %while3A_33, %while3A_34 : i32
    %while3A_36 = arith.constant 1 : i32
    %while3A_37 = arith.divsi %while3A_34, %while3A_36 : i32
    %while3A_38 = arith.muli %while3A_37, %while3A_36 : i32
    %while3A_39 = arith.addi %while3A_33, %while3A_38 : i32
    %while3A_40 = arith.constant 1 : i32
    scf.for %while3A_68 = %while3A_33 to %while3A_39 step %while3A_40  : i32 {
      %mul3A_69 = arith.muli %while3A_68, %while3A : i32
      %add3A_70 = arith.addi %while3A_32, %mul3A_69 : i32
      %mul3A_71 = arith.constant 32 : i32
      %mul3A_72 = arith.muli %mul3A_71, %add3A_70 : i32
      %add3A_73 = arith.addi %add3A, %mul3A_72 : i32
      %mul3A_74 = arith.constant 128 : i32
      %mul3A_75 = arith.muli %add3A_73, %mul3A_74 : i32
      "tpu.region"() ({
        %run_scoped3A = tpu.sem_alloc : memref<!tpu.dma_semaphore, #tpu.memory_space<semaphore_mem>>
        %dma_start3A = tpu.memref_slice %arg4[%mul3A_75] : memref<80000xi32, #tpu.memory_space<hbm>> -> memref<128xi32, #tpu.memory_space<hbm>>
        %dma_start3A_107 = tpu.memref_slice %arg4[%mul3A_75] : memref<80000xi32, #tpu.memory_space<hbm>> -> memref<128xi32, #tpu.memory_space<hbm>>
        tpu.enqueue_dma source(%dma_start3A_107 : memref<128xi32, #tpu.memory_space<hbm>>) target(%arg9 : memref<128xi32, #tpu.memory_space<vmem>>) target_semaphore(%run_scoped3A : memref<!tpu.dma_semaphore, #tpu.memory_space<semaphore_mem>>)
        %dma_wait3A = tpu.memref_slice %arg4[%mul3A_75] : memref<80000xi32, #tpu.memory_space<hbm>> -> memref<128xi32, #tpu.memory_space<hbm>>
        %dma_wait3A_108 = tpu.memref_slice %arg4[%mul3A_75] : memref<80000xi32, #tpu.memory_space<hbm>> -> memref<128xi32, #tpu.memory_space<hbm>>
        tpu.wait_dma2 semaphore(%run_scoped3A : memref<!tpu.dma_semaphore, #tpu.memory_space<semaphore_mem>>) src(%dma_wait3A_108 : memref<128xi32, #tpu.memory_space<hbm>>) dst(%arg9 : memref<128xi32, #tpu.memory_space<vmem>>)
        tpu.yield
      }) : () -> ()
      "tpu.region"() ({
        %run_scoped3A = tpu.sem_alloc : memref<!tpu.dma_semaphore, #tpu.memory_space<semaphore_mem>>
        %dma_start3A = arith.constant 0 : i32
        %dma_start3A_107 = tpu.memref_slice %arg2[%mul3A_75, %dma_start3A] : memref<80000x128xf32, #tpu.memory_space<hbm>> -> memref<128x128xf32, #tpu.memory_space<hbm>>
        %dma_start3A_108 = arith.constant 0 : i32
        %dma_start3A_109 = tpu.memref_slice %arg2[%mul3A_75, %dma_start3A_108] : memref<80000x128xf32, #tpu.memory_space<hbm>> -> memref<128x128xf32, #tpu.memory_space<hbm>>
        tpu.enqueue_dma source(%dma_start3A_109 : memref<128x128xf32, #tpu.memory_space<hbm>>) target(%arg10 : memref<128x128xf32, #tpu.memory_space<vmem>>) target_semaphore(%run_scoped3A : memref<!tpu.dma_semaphore, #tpu.memory_space<semaphore_mem>>)
        %dma_wait3A = arith.constant 0 : i32
        %dma_wait3A_110 = tpu.memref_slice %arg2[%mul3A_75, %dma_wait3A] : memref<80000x128xf32, #tpu.memory_space<hbm>> -> memref<128x128xf32, #tpu.memory_space<hbm>>
        %dma_wait3A_111 = arith.constant 0 : i32
        %dma_wait3A_112 = tpu.memref_slice %arg2[%mul3A_75, %dma_wait3A_111] : memref<80000x128xf32, #tpu.memory_space<hbm>> -> memref<128x128xf32, #tpu.memory_space<hbm>>
        tpu.wait_dma2 semaphore(%run_scoped3A : memref<!tpu.dma_semaphore, #tpu.memory_space<semaphore_mem>>) src(%dma_wait3A_112 : memref<128x128xf32, #tpu.memory_space<hbm>>) dst(%arg10 : memref<128x128xf32, #tpu.memory_space<vmem>>)
        tpu.yield
      }) : () -> ()
      "tpu.region"() ({
        %run_scoped3A = tpu.sem_alloc : memref<!tpu.dma_semaphore, #tpu.memory_space<semaphore_mem>>
        %dma_start3A = arith.constant 0 : i32
        %dma_start3A_107 = arith.constant 0 : i32
        %dma_start3A_108 = tpu.memref_slice %arg12[%dma_start3A, %dma_start3A_107] : memref<10000x128xf32, #tpu.memory_space<vmem_shared>> -> memref<10000x128xf32, #tpu.memory_space<vmem_shared>>
        tpu.enqueue_indirect_dma source(%arg10 : memref<128x128xf32, #tpu.memory_space<vmem>>) target(%dma_start3A_108 : memref<10000x128xf32, #tpu.memory_space<vmem_shared>>) offsets(%arg9 : memref<128xi32, #tpu.memory_space<vmem>>) semaphore(%run_scoped3A : memref<!tpu.dma_semaphore, #tpu.memory_space<semaphore_mem>>) {add = true}
        %dma_wait3A = arith.constant 0 : i32
        %dma_wait3A_109 = arith.constant 0 : i32
        %dma_wait3A_110 = tpu.memref_slice %arg12[%dma_wait3A, %dma_wait3A_109] : memref<10000x128xf32, #tpu.memory_space<vmem_shared>> -> memref<10000x128xf32, #tpu.memory_space<vmem_shared>>
        tpu.wait_indirect_dma semaphore(%run_scoped3A : memref<!tpu.dma_semaphore, #tpu.memory_space<semaphore_mem>>) src(%arg10 : memref<128x128xf32, #tpu.memory_space<vmem>>) dst(%dma_wait3A_110 : memref<10000x128xf32, #tpu.memory_space<vmem_shared>>)
        tpu.yield
      }) : () -> ()
      %get3A = arith.constant 0 : index
      %get3A_76 = tpu.vector_load %arg9[%get3A] {strides = array<i32>} : memref<128xi32, #tpu.memory_space<vmem>>, vector<16xi32>,
      tpu.vector_store_idx %arg11[%get3A_76], %broadcast_in_dim3A_5 {add = true} : memref<10000xf32, #tpu.memory_space<vmem>>[vector<16xi32>], vector<16xf32>,
      %get3A_77 = arith.constant 16 : index
      %get3A_78 = tpu.vector_load %arg9[%get3A_77] {strides = array<i32>} : memref<128xi32, #tpu.memory_space<vmem>>, vector<16xi32>,
      tpu.vector_store_idx %arg11[%get3A_78], %broadcast_in_dim3A_5 {add = true} : memref<10000xf32, #tpu.memory_space<vmem>>[vector<16xi32>], vector<16xf32>,
      %get3A_79 = arith.constant 32 : index
      %get3A_80 = tpu.vector_load %arg9[%get3A_79] {strides = array<i32>} : memref<128xi32, #tpu.memory_space<vmem>>, vector<16xi32>,
      tpu.vector_store_idx %arg11[%get3A_80], %broadcast_in_dim3A_5 {add = true} : memref<10000xf32, #tpu.memory_space<vmem>>[vector<16xi32>], vector<16xf32>,
      %get3A_81 = arith.constant 48 : index
      %get3A_82 = tpu.vector_load %arg9[%get3A_81] {strides = array<i32>} : memref<128xi32, #tpu.memory_space<vmem>>, vector<16xi32>,
      tpu.vector_store_idx %arg11[%get3A_82], %broadcast_in_dim3A_5 {add = true} : memref<10000xf32, #tpu.memory_space<vmem>>[vector<16xi32>], vector<16xf32>,
      %get3A_83 = arith.constant 64 : index
      %get3A_84 = tpu.vector_load %arg9[%get3A_83] {strides = array<i32>} : memref<128xi32, #tpu.memory_space<vmem>>, vector<16xi32>,
      tpu.vector_store_idx %arg11[%get3A_84], %broadcast_in_dim3A_5 {add = true} : memref<10000xf32, #tpu.memory_space<vmem>>[vector<16xi32>], vector<16xf32>,
      %get3A_85 = arith.constant 80 : index
      %get3A_86 = tpu.vector_load %arg9[%get3A_85] {strides = array<i32>} : memref<128xi32, #tpu.memory_space<vmem>>, vector<16xi32>,
      tpu.vector_store_idx %arg11[%get3A_86], %broadcast_in_dim3A_5 {add = true} : memref<10000xf32, #tpu.memory_space<vmem>>[vector<16xi32>], vector<16xf32>,
      %get3A_87 = arith.constant 96 : index
      %get3A_88 = tpu.vector_load %arg9[%get3A_87] {strides = array<i32>} : memref<128xi32, #tpu.memory_space<vmem>>, vector<16xi32>,
      tpu.vector_store_idx %arg11[%get3A_88], %broadcast_in_dim3A_5 {add = true} : memref<10000xf32, #tpu.memory_space<vmem>>[vector<16xi32>], vector<16xf32>,
      %get3A_89 = arith.constant 112 : index
      %get3A_90 = tpu.vector_load %arg9[%get3A_89] {strides = array<i32>} : memref<128xi32, #tpu.memory_space<vmem>>, vector<16xi32>,
      tpu.vector_store_idx %arg11[%get3A_90], %broadcast_in_dim3A_5 {add = true} : memref<10000xf32, #tpu.memory_space<vmem>>[vector<16xi32>], vector<16xf32>,
      "tpu.region"() ({
        %run_scoped3A = tpu.sem_alloc : memref<!tpu.dma_semaphore, #tpu.memory_space<semaphore_mem>>
        %dma_start3A = tpu.memref_slice %arg5[%mul3A_75] : memref<80000xi32, #tpu.memory_space<hbm>> -> memref<128xi32, #tpu.memory_space<hbm>>
        %dma_start3A_107 = tpu.memref_slice %arg5[%mul3A_75] : memref<80000xi32, #tpu.memory_space<hbm>> -> memref<128xi32, #tpu.memory_space<hbm>>
        tpu.enqueue_dma source(%dma_start3A_107 : memref<128xi32, #tpu.memory_space<hbm>>) target(%arg9 : memref<128xi32, #tpu.memory_space<vmem>>) target_semaphore(%run_scoped3A : memref<!tpu.dma_semaphore, #tpu.memory_space<semaphore_mem>>)
        %dma_wait3A = tpu.memref_slice %arg5[%mul3A_75] : memref<80000xi32, #tpu.memory_space<hbm>> -> memref<128xi32, #tpu.memory_space<hbm>>
        %dma_wait3A_108 = tpu.memref_slice %arg5[%mul3A_75] : memref<80000xi32, #tpu.memory_space<hbm>> -> memref<128xi32, #tpu.memory_space<hbm>>
        tpu.wait_dma2 semaphore(%run_scoped3A : memref<!tpu.dma_semaphore, #tpu.memory_space<semaphore_mem>>) src(%dma_wait3A_108 : memref<128xi32, #tpu.memory_space<hbm>>) dst(%arg9 : memref<128xi32, #tpu.memory_space<vmem>>)
        tpu.yield
      }) : () -> ()
      "tpu.region"() ({
        %run_scoped3A = tpu.sem_alloc : memref<!tpu.dma_semaphore, #tpu.memory_space<semaphore_mem>>
        %dma_start3A = arith.constant 0 : i32
        %dma_start3A_107 = tpu.memref_slice %arg3[%mul3A_75, %dma_start3A] : memref<80000x128xf32, #tpu.memory_space<hbm>> -> memref<128x128xf32, #tpu.memory_space<hbm>>
        %dma_start3A_108 = arith.constant 0 : i32
        %dma_start3A_109 = tpu.memref_slice %arg3[%mul3A_75, %dma_start3A_108] : memref<80000x128xf32, #tpu.memory_space<hbm>> -> memref<128x128xf32, #tpu.memory_space<hbm>>
        tpu.enqueue_dma source(%dma_start3A_109 : memref<128x128xf32, #tpu.memory_space<hbm>>) target(%arg10 : memref<128x128xf32, #tpu.memory_space<vmem>>) target_semaphore(%run_scoped3A : memref<!tpu.dma_semaphore, #tpu.memory_space<semaphore_mem>>)
        %dma_wait3A = arith.constant 0 : i32
        %dma_wait3A_110 = tpu.memref_slice %arg3[%mul3A_75, %dma_wait3A] : memref<80000x128xf32, #tpu.memory_space<hbm>> -> memref<128x128xf32, #tpu.memory_space<hbm>>
        %dma_wait3A_111 = arith.constant 0 : i32
        %dma_wait3A_112 = tpu.memref_slice %arg3[%mul3A_75, %dma_wait3A_111] : memref<80000x128xf32, #tpu.memory_space<hbm>> -> memref<128x128xf32, #tpu.memory_space<hbm>>
        tpu.wait_dma2 semaphore(%run_scoped3A : memref<!tpu.dma_semaphore, #tpu.memory_space<semaphore_mem>>) src(%dma_wait3A_112 : memref<128x128xf32, #tpu.memory_space<hbm>>) dst(%arg10 : memref<128x128xf32, #tpu.memory_space<vmem>>)
        tpu.yield
      }) : () -> ()
      "tpu.region"() ({
        %run_scoped3A = tpu.sem_alloc : memref<!tpu.dma_semaphore, #tpu.memory_space<semaphore_mem>>
        %dma_start3A = arith.constant 0 : i32
        %dma_start3A_107 = arith.constant 0 : i32
        %dma_start3A_108 = tpu.memref_slice %arg12[%dma_start3A, %dma_start3A_107] : memref<10000x128xf32, #tpu.memory_space<vmem_shared>> -> memref<10000x128xf32, #tpu.memory_space<vmem_shared>>
        tpu.enqueue_indirect_dma source(%arg10 : memref<128x128xf32, #tpu.memory_space<vmem>>) target(%dma_start3A_108 : memref<10000x128xf32, #tpu.memory_space<vmem_shared>>) offsets(%arg9 : memref<128xi32, #tpu.memory_space<vmem>>) semaphore(%run_scoped3A : memref<!tpu.dma_semaphore, #tpu.memory_space<semaphore_mem>>) {add = true}
        %dma_wait3A = arith.constant 0 : i32
        %dma_wait3A_109 = arith.constant 0 : i32
        %dma_wait3A_110 = tpu.memref_slice %arg12[%dma_wait3A, %dma_wait3A_109] : memref<10000x128xf32, #tpu.memory_space<vmem_shared>> -> memref<10000x128xf32, #tpu.memory_space<vmem_shared>>
        tpu.wait_indirect_dma semaphore(%run_scoped3A : memref<!tpu.dma_semaphore, #tpu.memory_space<semaphore_mem>>) src(%arg10 : memref<128x128xf32, #tpu.memory_space<vmem>>) dst(%dma_wait3A_110 : memref<10000x128xf32, #tpu.memory_space<vmem_shared>>)
        tpu.yield
      }) : () -> ()
      %get3A_91 = arith.constant 0 : index
      %get3A_92 = tpu.vector_load %arg9[%get3A_91] {strides = array<i32>} : memref<128xi32, #tpu.memory_space<vmem>>, vector<16xi32>,
      tpu.vector_store_idx %arg11[%get3A_92], %broadcast_in_dim3A_5 {add = true} : memref<10000xf32, #tpu.memory_space<vmem>>[vector<16xi32>], vector<16xf32>,
      %get3A_93 = arith.constant 16 : index
      %get3A_94 = tpu.vector_load %arg9[%get3A_93] {strides = array<i32>} : memref<128xi32, #tpu.memory_space<vmem>>, vector<16xi32>,
      tpu.vector_store_idx %arg11[%get3A_94], %broadcast_in_dim3A_5 {add = true} : memref<10000xf32, #tpu.memory_space<vmem>>[vector<16xi32>], vector<16xf32>,
      %get3A_95 = arith.constant 32 : index
      %get3A_96 = tpu.vector_load %arg9[%get3A_95] {strides = array<i32>} : memref<128xi32, #tpu.memory_space<vmem>>, vector<16xi32>,
      tpu.vector_store_idx %arg11[%get3A_96], %broadcast_in_dim3A_5 {add = true} : memref<10000xf32, #tpu.memory_space<vmem>>[vector<16xi32>], vector<16xf32>,
      %get3A_97 = arith.constant 48 : index
      %get3A_98 = tpu.vector_load %arg9[%get3A_97] {strides = array<i32>} : memref<128xi32, #tpu.memory_space<vmem>>, vector<16xi32>,
      tpu.vector_store_idx %arg11[%get3A_98], %broadcast_in_dim3A_5 {add = true} : memref<10000xf32, #tpu.memory_space<vmem>>[vector<16xi32>], vector<16xf32>,
      %get3A_99 = arith.constant 64 : index
      %get3A_100 = tpu.vector_load %arg9[%get3A_99] {strides = array<i32>} : memref<128xi32, #tpu.memory_space<vmem>>, vector<16xi32>,
      tpu.vector_store_idx %arg11[%get3A_100], %broadcast_in_dim3A_5 {add = true} : memref<10000xf32, #tpu.memory_space<vmem>>[vector<16xi32>], vector<16xf32>,
      %get3A_101 = arith.constant 80 : index
      %get3A_102 = tpu.vector_load %arg9[%get3A_101] {strides = array<i32>} : memref<128xi32, #tpu.memory_space<vmem>>, vector<16xi32>,
      tpu.vector_store_idx %arg11[%get3A_102], %broadcast_in_dim3A_5 {add = true} : memref<10000xf32, #tpu.memory_space<vmem>>[vector<16xi32>], vector<16xf32>,
      %get3A_103 = arith.constant 96 : index
      %get3A_104 = tpu.vector_load %arg9[%get3A_103] {strides = array<i32>} : memref<128xi32, #tpu.memory_space<vmem>>, vector<16xi32>,
      tpu.vector_store_idx %arg11[%get3A_104], %broadcast_in_dim3A_5 {add = true} : memref<10000xf32, #tpu.memory_space<vmem>>[vector<16xi32>], vector<16xf32>,
      %get3A_105 = arith.constant 112 : index
      %get3A_106 = tpu.vector_load %arg9[%get3A_105] {strides = array<i32>} : memref<128xi32, #tpu.memory_space<vmem>>, vector<16xi32>,
      tpu.vector_store_idx %arg11[%get3A_106], %broadcast_in_dim3A_5 {add = true} : memref<10000xf32, #tpu.memory_space<vmem>>[vector<16xi32>], vector<16xf32>,
    }
    %while3A_41 = arith.constant 1 : i32
    scf.for %while3A_68 = %while3A_39 to %while3A_35 step %while3A_41  : i32 {
      %mul3A_69 = arith.muli %while3A_68, %while3A : i32
      %add3A_70 = arith.addi %while3A_32, %mul3A_69 : i32
      %mul3A_71 = arith.constant 32 : i32
      %mul3A_72 = arith.muli %mul3A_71, %add3A_70 : i32
      %add3A_73 = arith.addi %add3A, %mul3A_72 : i32
      %mul3A_74 = arith.constant 128 : i32
      %mul3A_75 = arith.muli %add3A_73, %mul3A_74 : i32
      "tpu.region"() ({
        %run_scoped3A = tpu.sem_alloc : memref<!tpu.dma_semaphore, #tpu.memory_space<semaphore_mem>>
        %dma_start3A = tpu.memref_slice %arg4[%mul3A_75] : memref<80000xi32, #tpu.memory_space<hbm>> -> memref<128xi32, #tpu.memory_space<hbm>>
        %dma_start3A_107 = tpu.memref_slice %arg4[%mul3A_75] : memref<80000xi32, #tpu.memory_space<hbm>> -> memref<128xi32, #tpu.memory_space<hbm>>
        tpu.enqueue_dma source(%dma_start3A_107 : memref<128xi32, #tpu.memory_space<hbm>>) target(%arg9 : memref<128xi32, #tpu.memory_space<vmem>>) target_semaphore(%run_scoped3A : memref<!tpu.dma_semaphore, #tpu.memory_space<semaphore_mem>>)
        %dma_wait3A = tpu.memref_slice %arg4[%mul3A_75] : memref<80000xi32, #tpu.memory_space<hbm>> -> memref<128xi32, #tpu.memory_space<hbm>>
        %dma_wait3A_108 = tpu.memref_slice %arg4[%mul3A_75] : memref<80000xi32, #tpu.memory_space<hbm>> -> memref<128xi32, #tpu.memory_space<hbm>>
        tpu.wait_dma2 semaphore(%run_scoped3A : memref<!tpu.dma_semaphore, #tpu.memory_space<semaphore_mem>>) src(%dma_wait3A_108 : memref<128xi32, #tpu.memory_space<hbm>>) dst(%arg9 : memref<128xi32, #tpu.memory_space<vmem>>)
        tpu.yield
      }) : () -> ()
      "tpu.region"() ({
        %run_scoped3A = tpu.sem_alloc : memref<!tpu.dma_semaphore, #tpu.memory_space<semaphore_mem>>
        %dma_start3A = arith.constant 0 : i32
        %dma_start3A_107 = tpu.memref_slice %arg2[%mul3A_75, %dma_start3A] : memref<80000x128xf32, #tpu.memory_space<hbm>> -> memref<128x128xf32, #tpu.memory_space<hbm>>
        %dma_start3A_108 = arith.constant 0 : i32
        %dma_start3A_109 = tpu.memref_slice %arg2[%mul3A_75, %dma_start3A_108] : memref<80000x128xf32, #tpu.memory_space<hbm>> -> memref<128x128xf32, #tpu.memory_space<hbm>>
        tpu.enqueue_dma source(%dma_start3A_109 : memref<128x128xf32, #tpu.memory_space<hbm>>) target(%arg10 : memref<128x128xf32, #tpu.memory_space<vmem>>) target_semaphore(%run_scoped3A : memref<!tpu.dma_semaphore, #tpu.memory_space<semaphore_mem>>)
        %dma_wait3A = arith.constant 0 : i32
        %dma_wait3A_110 = tpu.memref_slice %arg2[%mul3A_75, %dma_wait3A] : memref<80000x128xf32, #tpu.memory_space<hbm>> -> memref<128x128xf32, #tpu.memory_space<hbm>>
        %dma_wait3A_111 = arith.constant 0 : i32
        %dma_wait3A_112 = tpu.memref_slice %arg2[%mul3A_75, %dma_wait3A_111] : memref<80000x128xf32, #tpu.memory_space<hbm>> -> memref<128x128xf32, #tpu.memory_space<hbm>>
        tpu.wait_dma2 semaphore(%run_scoped3A : memref<!tpu.dma_semaphore, #tpu.memory_space<semaphore_mem>>) src(%dma_wait3A_112 : memref<128x128xf32, #tpu.memory_space<hbm>>) dst(%arg10 : memref<128x128xf32, #tpu.memory_space<vmem>>)
        tpu.yield
      }) : () -> ()
      "tpu.region"() ({
        %run_scoped3A = tpu.sem_alloc : memref<!tpu.dma_semaphore, #tpu.memory_space<semaphore_mem>>
        %dma_start3A = arith.constant 0 : i32
        %dma_start3A_107 = arith.constant 0 : i32
        %dma_start3A_108 = tpu.memref_slice %arg12[%dma_start3A, %dma_start3A_107] : memref<10000x128xf32, #tpu.memory_space<vmem_shared>> -> memref<10000x128xf32, #tpu.memory_space<vmem_shared>>
        tpu.enqueue_indirect_dma source(%arg10 : memref<128x128xf32, #tpu.memory_space<vmem>>) target(%dma_start3A_108 : memref<10000x128xf32, #tpu.memory_space<vmem_shared>>) offsets(%arg9 : memref<128xi32, #tpu.memory_space<vmem>>) semaphore(%run_scoped3A : memref<!tpu.dma_semaphore, #tpu.memory_space<semaphore_mem>>) {add = true}
        %dma_wait3A = arith.constant 0 : i32
        %dma_wait3A_109 = arith.constant 0 : i32
        %dma_wait3A_110 = tpu.memref_slice %arg12[%dma_wait3A, %dma_wait3A_109] : memref<10000x128xf32, #tpu.memory_space<vmem_shared>> -> memref<10000x128xf32, #tpu.memory_space<vmem_shared>>
        tpu.wait_indirect_dma semaphore(%run_scoped3A : memref<!tpu.dma_semaphore, #tpu.memory_space<semaphore_mem>>) src(%arg10 : memref<128x128xf32, #tpu.memory_space<vmem>>) dst(%dma_wait3A_110 : memref<10000x128xf32, #tpu.memory_space<vmem_shared>>)
        tpu.yield
      }) : () -> ()
      %get3A = arith.constant 0 : index
      %get3A_76 = tpu.vector_load %arg9[%get3A] {strides = array<i32>} : memref<128xi32, #tpu.memory_space<vmem>>, vector<16xi32>,
      tpu.vector_store_idx %arg11[%get3A_76], %broadcast_in_dim3A_5 {add = true} : memref<10000xf32, #tpu.memory_space<vmem>>[vector<16xi32>], vector<16xf32>,
      %get3A_77 = arith.constant 16 : index
      %get3A_78 = tpu.vector_load %arg9[%get3A_77] {strides = array<i32>} : memref<128xi32, #tpu.memory_space<vmem>>, vector<16xi32>,
      tpu.vector_store_idx %arg11[%get3A_78], %broadcast_in_dim3A_5 {add = true} : memref<10000xf32, #tpu.memory_space<vmem>>[vector<16xi32>], vector<16xf32>,
      %get3A_79 = arith.constant 32 : index
      %get3A_80 = tpu.vector_load %arg9[%get3A_79] {strides = array<i32>} : memref<128xi32, #tpu.memory_space<vmem>>, vector<16xi32>,
      tpu.vector_store_idx %arg11[%get3A_80], %broadcast_in_dim3A_5 {add = true} : memref<10000xf32, #tpu.memory_space<vmem>>[vector<16xi32>], vector<16xf32>,
      %get3A_81 = arith.constant 48 : index
      %get3A_82 = tpu.vector_load %arg9[%get3A_81] {strides = array<i32>} : memref<128xi32, #tpu.memory_space<vmem>>, vector<16xi32>,
      tpu.vector_store_idx %arg11[%get3A_82], %broadcast_in_dim3A_5 {add = true} : memref<10000xf32, #tpu.memory_space<vmem>>[vector<16xi32>], vector<16xf32>,
      %get3A_83 = arith.constant 64 : index
      %get3A_84 = tpu.vector_load %arg9[%get3A_83] {strides = array<i32>} : memref<128xi32, #tpu.memory_space<vmem>>, vector<16xi32>,
      tpu.vector_store_idx %arg11[%get3A_84], %broadcast_in_dim3A_5 {add = true} : memref<10000xf32, #tpu.memory_space<vmem>>[vector<16xi32>], vector<16xf32>,
      %get3A_85 = arith.constant 80 : index
      %get3A_86 = tpu.vector_load %arg9[%get3A_85] {strides = array<i32>} : memref<128xi32, #tpu.memory_space<vmem>>, vector<16xi32>,
      tpu.vector_store_idx %arg11[%get3A_86], %broadcast_in_dim3A_5 {add = true} : memref<10000xf32, #tpu.memory_space<vmem>>[vector<16xi32>], vector<16xf32>,
      %get3A_87 = arith.constant 96 : index
      %get3A_88 = tpu.vector_load %arg9[%get3A_87] {strides = array<i32>} : memref<128xi32, #tpu.memory_space<vmem>>, vector<16xi32>,
      tpu.vector_store_idx %arg11[%get3A_88], %broadcast_in_dim3A_5 {add = true} : memref<10000xf32, #tpu.memory_space<vmem>>[vector<16xi32>], vector<16xf32>,
      %get3A_89 = arith.constant 112 : index
      %get3A_90 = tpu.vector_load %arg9[%get3A_89] {strides = array<i32>} : memref<128xi32, #tpu.memory_space<vmem>>, vector<16xi32>,
      tpu.vector_store_idx %arg11[%get3A_90], %broadcast_in_dim3A_5 {add = true} : memref<10000xf32, #tpu.memory_space<vmem>>[vector<16xi32>], vector<16xf32>,
      "tpu.region"() ({
        %run_scoped3A = tpu.sem_alloc : memref<!tpu.dma_semaphore, #tpu.memory_space<semaphore_mem>>
        %dma_start3A = tpu.memref_slice %arg5[%mul3A_75] : memref<80000xi32, #tpu.memory_space<hbm>> -> memref<128xi32, #tpu.memory_space<hbm>>
        %dma_start3A_107 = tpu.memref_slice %arg5[%mul3A_75] : memref<80000xi32, #tpu.memory_space<hbm>> -> memref<128xi32, #tpu.memory_space<hbm>>
        tpu.enqueue_dma source(%dma_start3A_107 : memref<128xi32, #tpu.memory_space<hbm>>) target(%arg9 : memref<128xi32, #tpu.memory_space<vmem>>) target_semaphore(%run_scoped3A : memref<!tpu.dma_semaphore, #tpu.memory_space<semaphore_mem>>)
        %dma_wait3A = tpu.memref_slice %arg5[%mul3A_75] : memref<80000xi32, #tpu.memory_space<hbm>> -> memref<128xi32, #tpu.memory_space<hbm>>
        %dma_wait3A_108 = tpu.memref_slice %arg5[%mul3A_75] : memref<80000xi32, #tpu.memory_space<hbm>> -> memref<128xi32, #tpu.memory_space<hbm>>
        tpu.wait_dma2 semaphore(%run_scoped3A : memref<!tpu.dma_semaphore, #tpu.memory_space<semaphore_mem>>) src(%dma_wait3A_108 : memref<128xi32, #tpu.memory_space<hbm>>) dst(%arg9 : memref<128xi32, #tpu.memory_space<vmem>>)
        tpu.yield
      }) : () -> ()
      "tpu.region"() ({
        %run_scoped3A = tpu.sem_alloc : memref<!tpu.dma_semaphore, #tpu.memory_space<semaphore_mem>>
        %dma_start3A = arith.constant 0 : i32
        %dma_start3A_107 = tpu.memref_slice %arg3[%mul3A_75, %dma_start3A] : memref<80000x128xf32, #tpu.memory_space<hbm>> -> memref<128x128xf32, #tpu.memory_space<hbm>>
        %dma_start3A_108 = arith.constant 0 : i32
        %dma_start3A_109 = tpu.memref_slice %arg3[%mul3A_75, %dma_start3A_108] : memref<80000x128xf32, #tpu.memory_space<hbm>> -> memref<128x128xf32, #tpu.memory_space<hbm>>
        tpu.enqueue_dma source(%dma_start3A_109 : memref<128x128xf32, #tpu.memory_space<hbm>>) target(%arg10 : memref<128x128xf32, #tpu.memory_space<vmem>>) target_semaphore(%run_scoped3A : memref<!tpu.dma_semaphore, #tpu.memory_space<semaphore_mem>>)
        %dma_wait3A = arith.constant 0 : i32
        %dma_wait3A_110 = tpu.memref_slice %arg3[%mul3A_75, %dma_wait3A] : memref<80000x128xf32, #tpu.memory_space<hbm>> -> memref<128x128xf32, #tpu.memory_space<hbm>>
        %dma_wait3A_111 = arith.constant 0 : i32
        %dma_wait3A_112 = tpu.memref_slice %arg3[%mul3A_75, %dma_wait3A_111] : memref<80000x128xf32, #tpu.memory_space<hbm>> -> memref<128x128xf32, #tpu.memory_space<hbm>>
        tpu.wait_dma2 semaphore(%run_scoped3A : memref<!tpu.dma_semaphore, #tpu.memory_space<semaphore_mem>>) src(%dma_wait3A_112 : memref<128x128xf32, #tpu.memory_space<hbm>>) dst(%arg10 : memref<128x128xf32, #tpu.memory_space<vmem>>)
        tpu.yield
      }) : () -> ()
      "tpu.region"() ({
        %run_scoped3A = tpu.sem_alloc : memref<!tpu.dma_semaphore, #tpu.memory_space<semaphore_mem>>
        %dma_start3A = arith.constant 0 : i32
        %dma_start3A_107 = arith.constant 0 : i32
        %dma_start3A_108 = tpu.memref_slice %arg12[%dma_start3A, %dma_start3A_107] : memref<10000x128xf32, #tpu.memory_space<vmem_shared>> -> memref<10000x128xf32, #tpu.memory_space<vmem_shared>>
        tpu.enqueue_indirect_dma source(%arg10 : memref<128x128xf32, #tpu.memory_space<vmem>>) target(%dma_start3A_108 : memref<10000x128xf32, #tpu.memory_space<vmem_shared>>) offsets(%arg9 : memref<128xi32, #tpu.memory_space<vmem>>) semaphore(%run_scoped3A : memref<!tpu.dma_semaphore, #tpu.memory_space<semaphore_mem>>) {add = true}
        %dma_wait3A = arith.constant 0 : i32
        %dma_wait3A_109 = arith.constant 0 : i32
        %dma_wait3A_110 = tpu.memref_slice %arg12[%dma_wait3A, %dma_wait3A_109] : memref<10000x128xf32, #tpu.memory_space<vmem_shared>> -> memref<10000x128xf32, #tpu.memory_space<vmem_shared>>
        tpu.wait_indirect_dma semaphore(%run_scoped3A : memref<!tpu.dma_semaphore, #tpu.memory_space<semaphore_mem>>) src(%arg10 : memref<128x128xf32, #tpu.memory_space<vmem>>) dst(%dma_wait3A_110 : memref<10000x128xf32, #tpu.memory_space<vmem_shared>>)
        tpu.yield
      }) : () -> ()
      %get3A_91 = arith.constant 0 : index
      %get3A_92 = tpu.vector_load %arg9[%get3A_91] {strides = array<i32>} : memref<128xi32, #tpu.memory_space<vmem>>, vector<16xi32>,
      tpu.vector_store_idx %arg11[%get3A_92], %broadcast_in_dim3A_5 {add = true} : memref<10000xf32, #tpu.memory_space<vmem>>[vector<16xi32>], vector<16xf32>,
      %get3A_93 = arith.constant 16 : index
      %get3A_94 = tpu.vector_load %arg9[%get3A_93] {strides = array<i32>} : memref<128xi32, #tpu.memory_space<vmem>>, vector<16xi32>,
      tpu.vector_store_idx %arg11[%get3A_94], %broadcast_in_dim3A_5 {add = true} : memref<10000xf32, #tpu.memory_space<vmem>>[vector<16xi32>], vector<16xf32>,
      %get3A_95 = arith.constant 32 : index
      %get3A_96 = tpu.vector_load %arg9[%get3A_95] {strides = array<i32>} : memref<128xi32, #tpu.memory_space<vmem>>, vector<16xi32>,
      tpu.vector_store_idx %arg11[%get3A_96], %broadcast_in_dim3A_5 {add = true} : memref<10000xf32, #tpu.memory_space<vmem>>[vector<16xi32>], vector<16xf32>,
      %get3A_97 = arith.constant 48 : index
      %get3A_98 = tpu.vector_load %arg9[%get3A_97] {strides = array<i32>} : memref<128xi32, #tpu.memory_space<vmem>>, vector<16xi32>,
      tpu.vector_store_idx %arg11[%get3A_98], %broadcast_in_dim3A_5 {add = true} : memref<10000xf32, #tpu.memory_space<vmem>>[vector<16xi32>], vector<16xf32>,
      %get3A_99 = arith.constant 64 : index
      %get3A_100 = tpu.vector_load %arg9[%get3A_99] {strides = array<i32>} : memref<128xi32, #tpu.memory_space<vmem>>, vector<16xi32>,
      tpu.vector_store_idx %arg11[%get3A_100], %broadcast_in_dim3A_5 {add = true} : memref<10000xf32, #tpu.memory_space<vmem>>[vector<16xi32>], vector<16xf32>,
      %get3A_101 = arith.constant 80 : index
      %get3A_102 = tpu.vector_load %arg9[%get3A_101] {strides = array<i32>} : memref<128xi32, #tpu.memory_space<vmem>>, vector<16xi32>,
      tpu.vector_store_idx %arg11[%get3A_102], %broadcast_in_dim3A_5 {add = true} : memref<10000xf32, #tpu.memory_space<vmem>>[vector<16xi32>], vector<16xf32>,
      %get3A_103 = arith.constant 96 : index
      %get3A_104 = tpu.vector_load %arg9[%get3A_103] {strides = array<i32>} : memref<128xi32, #tpu.memory_space<vmem>>, vector<16xi32>,
      tpu.vector_store_idx %arg11[%get3A_104], %broadcast_in_dim3A_5 {add = true} : memref<10000xf32, #tpu.memory_space<vmem>>[vector<16xi32>], vector<16xf32>,
      %get3A_105 = arith.constant 112 : index
      %get3A_106 = tpu.vector_load %arg9[%get3A_105] {strides = array<i32>} : memref<128xi32, #tpu.memory_space<vmem>>, vector<16xi32>,
      tpu.vector_store_idx %arg11[%get3A_106], %broadcast_in_dim3A_5 {add = true} : memref<10000xf32, #tpu.memory_space<vmem>>[vector<16xi32>], vector<16xf32>,
    }
    "tpu.region"() ({
      %run_scoped3A = tpu.sem_alloc : memref<!tpu.dma_semaphore, #tpu.memory_space<semaphore_mem>>
      %dma_start3A = arith.constant 0 : i32
      %dma_start3A_68 = tpu.memref_slice %arg8[%add3A, %dma_start3A] : memref<32x10000xf32, #tpu.memory_space<hbm>> -> memref<1x10000xf32, #tpu.memory_space<hbm>>
      %dma_start3A_69 = tpu.memref_squeeze %dma_start3A_68 : memref<1x10000xf32, #tpu.memory_space<hbm>> -> memref<10000xf32, #tpu.memory_space<hbm>>
      %dma_start3A_70 = arith.constant 0 : i32
      %dma_start3A_71 = tpu.memref_slice %arg8[%add3A, %dma_start3A_70] : memref<32x10000xf32, #tpu.memory_space<hbm>> -> memref<1x10000xf32, #tpu.memory_space<hbm>>
      %dma_start3A_72 = tpu.memref_squeeze %dma_start3A_71 : memref<1x10000xf32, #tpu.memory_space<hbm>> -> memref<10000xf32, #tpu.memory_space<hbm>>
      tpu.enqueue_dma source(%arg11 : memref<10000xf32, #tpu.memory_space<vmem>>) target(%dma_start3A_72 : memref<10000xf32, #tpu.memory_space<hbm>>) target_semaphore(%run_scoped3A : memref<!tpu.dma_semaphore, #tpu.memory_space<semaphore_mem>>)
      %dma_wait3A = arith.constant 0 : i32
      %dma_wait3A_73 = tpu.memref_slice %arg8[%add3A, %dma_wait3A] : memref<32x10000xf32, #tpu.memory_space<hbm>> -> memref<1x10000xf32, #tpu.memory_space<hbm>>
      %dma_wait3A_74 = tpu.memref_squeeze %dma_wait3A_73 : memref<1x10000xf32, #tpu.memory_space<hbm>> -> memref<10000xf32, #tpu.memory_space<hbm>>
      %dma_wait3A_75 = arith.constant 0 : i32
      %dma_wait3A_76 = tpu.memref_slice %arg8[%add3A, %dma_wait3A_75] : memref<32x10000xf32, #tpu.memory_space<hbm>> -> memref<1x10000xf32, #tpu.memory_space<hbm>>
      %dma_wait3A_77 = tpu.memref_squeeze %dma_wait3A_76 : memref<1x10000xf32, #tpu.memory_space<hbm>> -> memref<10000xf32, #tpu.memory_space<hbm>>
      tpu.wait_dma2 semaphore(%run_scoped3A : memref<!tpu.dma_semaphore, #tpu.memory_space<semaphore_mem>>) src(%arg11 : memref<10000xf32, #tpu.memory_space<vmem>>) dst(%dma_wait3A_77 : memref<10000xf32, #tpu.memory_space<hbm>>)
      tpu.yield
    }) : () -> ()
    %barrier3A_42 = arith.constant 0 : index
    tpu.barrier barrier_id(%barrier3A_42)
    %add3A_43 = arith.constant 0 : i32
    %add3A_44 = arith.addi %mul3A_2, %add3A_43 : i32
    "tpu.region"() ({
      %run_scoped3A = tpu.sem_alloc : memref<!tpu.dma_semaphore, #tpu.memory_space<semaphore_mem>>
      %dma_start3A = arith.constant 0 : i32
      %dma_start3A_68 = tpu.memref_slice %arg12[%add3A_44, %dma_start3A] : memref<10000x128xf32, #tpu.memory_space<vmem_shared>> -> memref<128x128xf32, #tpu.memory_space<vmem_shared>>
      %dma_start3A_69 = arith.constant 0 : i32
      %dma_start3A_70 = tpu.memref_slice %arg12[%add3A_44, %dma_start3A_69] : memref<10000x128xf32, #tpu.memory_space<vmem_shared>> -> memref<128x128xf32, #tpu.memory_space<vmem_shared>>
      tpu.enqueue_dma source(%dma_start3A_70 : memref<128x128xf32, #tpu.memory_space<vmem_shared>>) target(%arg10 : memref<128x128xf32, #tpu.memory_space<vmem>>) target_semaphore(%run_scoped3A : memref<!tpu.dma_semaphore, #tpu.memory_space<semaphore_mem>>)
      %dma_wait3A = arith.constant 0 : i32
      %dma_wait3A_71 = tpu.memref_slice %arg12[%add3A_44, %dma_wait3A] : memref<10000x128xf32, #tpu.memory_space<vmem_shared>> -> memref<128x128xf32, #tpu.memory_space<vmem_shared>>
      %dma_wait3A_72 = arith.constant 0 : i32
      %dma_wait3A_73 = tpu.memref_slice %arg12[%add3A_44, %dma_wait3A_72] : memref<10000x128xf32, #tpu.memory_space<vmem_shared>> -> memref<128x128xf32, #tpu.memory_space<vmem_shared>>
      tpu.wait_dma2 semaphore(%run_scoped3A : memref<!tpu.dma_semaphore, #tpu.memory_space<semaphore_mem>>) src(%dma_wait3A_73 : memref<128x128xf32, #tpu.memory_space<vmem_shared>>) dst(%arg10 : memref<128x128xf32, #tpu.memory_space<vmem>>)
      tpu.yield
    }) : () -> ()
    %add3A_45 = arith.constant 0 : i32
    %add3A_46 = arith.addi %mul3A_2, %add3A_45 : i32
    "tpu.region"() ({
      %run_scoped3A = tpu.sem_alloc : memref<!tpu.dma_semaphore, #tpu.memory_space<semaphore_mem>>
      %dma_start3A = arith.constant 0 : i32
      %dma_start3A_68 = tpu.memref_slice %arg7[%arg0, %add3A_46, %dma_start3A] : memref<2x10000x128xf32, #tpu.memory_space<hbm>> -> memref<1x128x128xf32, #tpu.memory_space<hbm>>
      %dma_start3A_69 = tpu.memref_squeeze %dma_start3A_68 : memref<1x128x128xf32, #tpu.memory_space<hbm>> -> memref<128x128xf32, #tpu.memory_space<hbm>>
      %dma_start3A_70 = arith.constant 0 : i32
      %dma_start3A_71 = tpu.memref_slice %arg7[%arg0, %add3A_46, %dma_start3A_70] : memref<2x10000x128xf32, #tpu.memory_space<hbm>> -> memref<1x128x128xf32, #tpu.memory_space<hbm>>
      %dma_start3A_72 = tpu.memref_squeeze %dma_start3A_71 : memref<1x128x128xf32, #tpu.memory_space<hbm>> -> memref<128x128xf32, #tpu.memory_space<hbm>>
      tpu.enqueue_dma source(%arg10 : memref<128x128xf32, #tpu.memory_space<vmem>>) target(%dma_start3A_72 : memref<128x128xf32, #tpu.memory_space<hbm>>) target_semaphore(%run_scoped3A : memref<!tpu.dma_semaphore, #tpu.memory_space<semaphore_mem>>)
      %dma_wait3A = arith.constant 0 : i32
      %dma_wait3A_73 = tpu.memref_slice %arg7[%arg0, %add3A_46, %dma_wait3A] : memref<2x10000x128xf32, #tpu.memory_space<hbm>> -> memref<1x128x128xf32, #tpu.memory_space<hbm>>
      %dma_wait3A_74 = tpu.memref_squeeze %dma_wait3A_73 : memref<1x128x128xf32, #tpu.memory_space<hbm>> -> memref<128x128xf32, #tpu.memory_space<hbm>>
      %dma_wait3A_75 = arith.constant 0 : i32
      %dma_wait3A_76 = tpu.memref_slice %arg7[%arg0, %add3A_46, %dma_wait3A_75] : memref<2x10000x128xf32, #tpu.memory_space<hbm>> -> memref<1x128x128xf32, #tpu.memory_space<hbm>>
      %dma_wait3A_77 = tpu.memref_squeeze %dma_wait3A_76 : memref<1x128x128xf32, #tpu.memory_space<hbm>> -> memref<128x128xf32, #tpu.memory_space<hbm>>
      tpu.wait_dma2 semaphore(%run_scoped3A : memref<!tpu.dma_semaphore, #tpu.memory_space<semaphore_mem>>) src(%arg10 : memref<128x128xf32, #tpu.memory_space<vmem>>) dst(%dma_wait3A_77 : memref<128x128xf32, #tpu.memory_space<hbm>>)
      tpu.yield
    }) : () -> ()
    %add3A_47 = arith.constant 128 : i32
    %add3A_48 = arith.addi %mul3A_2, %add3A_47 : i32
    "tpu.region"() ({
      %run_scoped3A = tpu.sem_alloc : memref<!tpu.dma_semaphore, #tpu.memory_space<semaphore_mem>>
      %dma_start3A = arith.constant 0 : i32
      %dma_start3A_68 = tpu.memref_slice %arg12[%add3A_48, %dma_start3A] : memref<10000x128xf32, #tpu.memory_space<vmem_shared>> -> memref<128x128xf32, #tpu.memory_space<vmem_shared>>
      %dma_start3A_69 = arith.constant 0 : i32
      %dma_start3A_70 = tpu.memref_slice %arg12[%add3A_48, %dma_start3A_69] : memref<10000x128xf32, #tpu.memory_space<vmem_shared>> -> memref<128x128xf32, #tpu.memory_space<vmem_shared>>
      tpu.enqueue_dma source(%dma_start3A_70 : memref<128x128xf32, #tpu.memory_space<vmem_shared>>) target(%arg10 : memref<128x128xf32, #tpu.memory_space<vmem>>) target_semaphore(%run_scoped3A : memref<!tpu.dma_semaphore, #tpu.memory_space<semaphore_mem>>)
      %dma_wait3A = arith.constant 0 : i32
      %dma_wait3A_71 = tpu.memref_slice %arg12[%add3A_48, %dma_wait3A] : memref<10000x128xf32, #tpu.memory_space<vmem_shared>> -> memref<128x128xf32, #tpu.memory_space<vmem_shared>>
      %dma_wait3A_72 = arith.constant 0 : i32
      %dma_wait3A_73 = tpu.memref_slice %arg12[%add3A_48, %dma_wait3A_72] : memref<10000x128xf32, #tpu.memory_space<vmem_shared>> -> memref<128x128xf32, #tpu.memory_space<vmem_shared>>
      tpu.wait_dma2 semaphore(%run_scoped3A : memref<!tpu.dma_semaphore, #tpu.memory_space<semaphore_mem>>) src(%dma_wait3A_73 : memref<128x128xf32, #tpu.memory_space<vmem_shared>>) dst(%arg10 : memref<128x128xf32, #tpu.memory_space<vmem>>)
      tpu.yield
    }) : () -> ()
    %add3A_49 = arith.constant 128 : i32
    %add3A_50 = arith.addi %mul3A_2, %add3A_49 : i32
    "tpu.region"() ({
      %run_scoped3A = tpu.sem_alloc : memref<!tpu.dma_semaphore, #tpu.memory_space<semaphore_mem>>
      %dma_start3A = arith.constant 0 : i32
      %dma_start3A_68 = tpu.memref_slice %arg7[%arg0, %add3A_50, %dma_start3A] : memref<2x10000x128xf32, #tpu.memory_space<hbm>> -> memref<1x128x128xf32, #tpu.memory_space<hbm>>
      %dma_start3A_69 = tpu.memref_squeeze %dma_start3A_68 : memref<1x128x128xf32, #tpu.memory_space<hbm>> -> memref<128x128xf32, #tpu.memory_space<hbm>>
      %dma_start3A_70 = arith.constant 0 : i32
      %dma_start3A_71 = tpu.memref_slice %arg7[%arg0, %add3A_50, %dma_start3A_70] : memref<2x10000x128xf32, #tpu.memory_space<hbm>> -> memref<1x128x128xf32, #tpu.memory_space<hbm>>
      %dma_start3A_72 = tpu.memref_squeeze %dma_start3A_71 : memref<1x128x128xf32, #tpu.memory_space<hbm>> -> memref<128x128xf32, #tpu.memory_space<hbm>>
      tpu.enqueue_dma source(%arg10 : memref<128x128xf32, #tpu.memory_space<vmem>>) target(%dma_start3A_72 : memref<128x128xf32, #tpu.memory_space<hbm>>) target_semaphore(%run_scoped3A : memref<!tpu.dma_semaphore, #tpu.memory_space<semaphore_mem>>)
      %dma_wait3A = arith.constant 0 : i32
      %dma_wait3A_73 = tpu.memref_slice %arg7[%arg0, %add3A_50, %dma_wait3A] : memref<2x10000x128xf32, #tpu.memory_space<hbm>> -> memref<1x128x128xf32, #tpu.memory_space<hbm>>
      %dma_wait3A_74 = tpu.memref_squeeze %dma_wait3A_73 : memref<1x128x128xf32, #tpu.memory_space<hbm>> -> memref<128x128xf32, #tpu.memory_space<hbm>>
      %dma_wait3A_75 = arith.constant 0 : i32
      %dma_wait3A_76 = tpu.memref_slice %arg7[%arg0, %add3A_50, %dma_wait3A_75] : memref<2x10000x128xf32, #tpu.memory_space<hbm>> -> memref<1x128x128xf32, #tpu.memory_space<hbm>>
      %dma_wait3A_77 = tpu.memref_squeeze %dma_wait3A_76 : memref<1x128x128xf32, #tpu.memory_space<hbm>> -> memref<128x128xf32, #tpu.memory_space<hbm>>
      tpu.wait_dma2 semaphore(%run_scoped3A : memref<!tpu.dma_semaphore, #tpu.memory_space<semaphore_mem>>) src(%arg10 : memref<128x128xf32, #tpu.memory_space<vmem>>) dst(%dma_wait3A_77 : memref<128x128xf32, #tpu.memory_space<hbm>>)
      tpu.yield
    }) : () -> ()
    %add3A_51 = arith.constant 256 : i32
    %add3A_52 = arith.addi %mul3A_2, %add3A_51 : i32
    "tpu.region"() ({
      %run_scoped3A = tpu.sem_alloc : memref<!tpu.dma_semaphore, #tpu.memory_space<semaphore_mem>>
      %dma_start3A = arith.constant 0 : i32
      %dma_start3A_68 = tpu.memref_slice %arg12[%add3A_52, %dma_start3A] : memref<10000x128xf32, #tpu.memory_space<vmem_shared>> -> memref<128x128xf32, #tpu.memory_space<vmem_shared>>
      %dma_start3A_69 = arith.constant 0 : i32
      %dma_start3A_70 = tpu.memref_slice %arg12[%add3A_52, %dma_start3A_69] : memref<10000x128xf32, #tpu.memory_space<vmem_shared>> -> memref<128x128xf32, #tpu.memory_space<vmem_shared>>
      tpu.enqueue_dma source(%dma_start3A_70 : memref<128x128xf32, #tpu.memory_space<vmem_shared>>) target(%arg10 : memref<128x128xf32, #tpu.memory_space<vmem>>) target_semaphore(%run_scoped3A : memref<!tpu.dma_semaphore, #tpu.memory_space<semaphore_mem>>)
      %dma_wait3A = arith.constant 0 : i32
      %dma_wait3A_71 = tpu.memref_slice %arg12[%add3A_52, %dma_wait3A] : memref<10000x128xf32, #tpu.memory_space<vmem_shared>> -> memref<128x128xf32, #tpu.memory_space<vmem_shared>>
      %dma_wait3A_72 = arith.constant 0 : i32
      %dma_wait3A_73 = tpu.memref_slice %arg12[%add3A_52, %dma_wait3A_72] : memref<10000x128xf32, #tpu.memory_space<vmem_shared>> -> memref<128x128xf32, #tpu.memory_space<vmem_shared>>
      tpu.wait_dma2 semaphore(%run_scoped3A : memref<!tpu.dma_semaphore, #tpu.memory_space<semaphore_mem>>) src(%dma_wait3A_73 : memref<128x128xf32, #tpu.memory_space<vmem_shared>>) dst(%arg10 : memref<128x128xf32, #tpu.memory_space<vmem>>)
      tpu.yield
    }) : () -> ()
    %add3A_53 = arith.constant 256 : i32
    %add3A_54 = arith.addi %mul3A_2, %add3A_53 : i32
    "tpu.region"() ({
      %run_scoped3A = tpu.sem_alloc : memref<!tpu.dma_semaphore, #tpu.memory_space<semaphore_mem>>
      %dma_start3A = arith.constant 0 : i32
      %dma_start3A_68 = tpu.memref_slice %arg7[%arg0, %add3A_54, %dma_start3A] : memref<2x10000x128xf32, #tpu.memory_space<hbm>> -> memref<1x128x128xf32, #tpu.memory_space<hbm>>
      %dma_start3A_69 = tpu.memref_squeeze %dma_start3A_68 : memref<1x128x128xf32, #tpu.memory_space<hbm>> -> memref<128x128xf32, #tpu.memory_space<hbm>>
      %dma_start3A_70 = arith.constant 0 : i32
      %dma_start3A_71 = tpu.memref_slice %arg7[%arg0, %add3A_54, %dma_start3A_70] : memref<2x10000x128xf32, #tpu.memory_space<hbm>> -> memref<1x128x128xf32, #tpu.memory_space<hbm>>
      %dma_start3A_72 = tpu.memref_squeeze %dma_start3A_71 : memref<1x128x128xf32, #tpu.memory_space<hbm>> -> memref<128x128xf32, #tpu.memory_space<hbm>>
      tpu.enqueue_dma source(%arg10 : memref<128x128xf32, #tpu.memory_space<vmem>>) target(%dma_start3A_72 : memref<128x128xf32, #tpu.memory_space<hbm>>) target_semaphore(%run_scoped3A : memref<!tpu.dma_semaphore, #tpu.memory_space<semaphore_mem>>)
      %dma_wait3A = arith.constant 0 : i32
      %dma_wait3A_73 = tpu.memref_slice %arg7[%arg0, %add3A_54, %dma_wait3A] : memref<2x10000x128xf32, #tpu.memory_space<hbm>> -> memref<1x128x128xf32, #tpu.memory_space<hbm>>
      %dma_wait3A_74 = tpu.memref_squeeze %dma_wait3A_73 : memref<1x128x128xf32, #tpu.memory_space<hbm>> -> memref<128x128xf32, #tpu.memory_space<hbm>>
      %dma_wait3A_75 = arith.constant 0 : i32
      %dma_wait3A_76 = tpu.memref_slice %arg7[%arg0, %add3A_54, %dma_wait3A_75] : memref<2x10000x128xf32, #tpu.memory_space<hbm>> -> memref<1x128x128xf32, #tpu.memory_space<hbm>>
      %dma_wait3A_77 = tpu.memref_squeeze %dma_wait3A_76 : memref<1x128x128xf32, #tpu.memory_space<hbm>> -> memref<128x128xf32, #tpu.memory_space<hbm>>
      tpu.wait_dma2 semaphore(%run_scoped3A : memref<!tpu.dma_semaphore, #tpu.memory_space<semaphore_mem>>) src(%arg10 : memref<128x128xf32, #tpu.memory_space<vmem>>) dst(%dma_wait3A_77 : memref<128x128xf32, #tpu.memory_space<hbm>>)
      tpu.yield
    }) : () -> ()
    %add3A_55 = arith.constant 384 : i32
    %add3A_56 = arith.addi %mul3A_2, %add3A_55 : i32
    "tpu.region"() ({
      %run_scoped3A = tpu.sem_alloc : memref<!tpu.dma_semaphore, #tpu.memory_space<semaphore_mem>>
      %dma_start3A = arith.constant 0 : i32
      %dma_start3A_68 = tpu.memref_slice %arg12[%add3A_56, %dma_start3A] : memref<10000x128xf32, #tpu.memory_space<vmem_shared>> -> memref<128x128xf32, #tpu.memory_space<vmem_shared>>
      %dma_start3A_69 = arith.constant 0 : i32
      %dma_start3A_70 = tpu.memref_slice %arg12[%add3A_56, %dma_start3A_69] : memref<10000x128xf32, #tpu.memory_space<vmem_shared>> -> memref<128x128xf32, #tpu.memory_space<vmem_shared>>
      tpu.enqueue_dma source(%dma_start3A_70 : memref<128x128xf32, #tpu.memory_space<vmem_shared>>) target(%arg10 : memref<128x128xf32, #tpu.memory_space<vmem>>) target_semaphore(%run_scoped3A : memref<!tpu.dma_semaphore, #tpu.memory_space<semaphore_mem>>)
      %dma_wait3A = arith.constant 0 : i32
      %dma_wait3A_71 = tpu.memref_slice %arg12[%add3A_56, %dma_wait3A] : memref<10000x128xf32, #tpu.memory_space<vmem_shared>> -> memref<128x128xf32, #tpu.memory_space<vmem_shared>>
      %dma_wait3A_72 = arith.constant 0 : i32
      %dma_wait3A_73 = tpu.memref_slice %arg12[%add3A_56, %dma_wait3A_72] : memref<10000x128xf32, #tpu.memory_space<vmem_shared>> -> memref<128x128xf32, #tpu.memory_space<vmem_shared>>
      tpu.wait_dma2 semaphore(%run_scoped3A : memref<!tpu.dma_semaphore, #tpu.memory_space<semaphore_mem>>) src(%dma_wait3A_73 : memref<128x128xf32, #tpu.memory_space<vmem_shared>>) dst(%arg10 : memref<128x128xf32, #tpu.memory_space<vmem>>)
      tpu.yield
    }) : () -> ()
    %add3A_57 = arith.constant 384 : i32
    %add3A_58 = arith.addi %mul3A_2, %add3A_57 : i32
    "tpu.region"() ({
      %run_scoped3A = tpu.sem_alloc : memref<!tpu.dma_semaphore, #tpu.memory_space<semaphore_mem>>
      %dma_start3A = arith.constant 0 : i32
      %dma_start3A_68 = tpu.memref_slice %arg7[%arg0, %add3A_58, %dma_start3A] : memref<2x10000x128xf32, #tpu.memory_space<hbm>> -> memref<1x128x128xf32, #tpu.memory_space<hbm>>
      %dma_start3A_69 = tpu.memref_squeeze %dma_start3A_68 : memref<1x128x128xf32, #tpu.memory_space<hbm>> -> memref<128x128xf32, #tpu.memory_space<hbm>>
      %dma_start3A_70 = arith.constant 0 : i32
      %dma_start3A_71 = tpu.memref_slice %arg7[%arg0, %add3A_58, %dma_start3A_70] : memref<2x10000x128xf32, #tpu.memory_space<hbm>> -> memref<1x128x128xf32, #tpu.memory_space<hbm>>
      %dma_start3A_72 = tpu.memref_squeeze %dma_start3A_71 : memref<1x128x128xf32, #tpu.memory_space<hbm>> -> memref<128x128xf32, #tpu.memory_space<hbm>>
      tpu.enqueue_dma source(%arg10 : memref<128x128xf32, #tpu.memory_space<vmem>>) target(%dma_start3A_72 : memref<128x128xf32, #tpu.memory_space<hbm>>) target_semaphore(%run_scoped3A : memref<!tpu.dma_semaphore, #tpu.memory_space<semaphore_mem>>)
      %dma_wait3A = arith.constant 0 : i32
      %dma_wait3A_73 = tpu.memref_slice %arg7[%arg0, %add3A_58, %dma_wait3A] : memref<2x10000x128xf32, #tpu.memory_space<hbm>> -> memref<1x128x128xf32, #tpu.memory_space<hbm>>
      %dma_wait3A_74 = tpu.memref_squeeze %dma_wait3A_73 : memref<1x128x128xf32, #tpu.memory_space<hbm>> -> memref<128x128xf32, #tpu.memory_space<hbm>>
      %dma_wait3A_75 = arith.constant 0 : i32
      %dma_wait3A_76 = tpu.memref_slice %arg7[%arg0, %add3A_58, %dma_wait3A_75] : memref<2x10000x128xf32, #tpu.memory_space<hbm>> -> memref<1x128x128xf32, #tpu.memory_space<hbm>>
      %dma_wait3A_77 = tpu.memref_squeeze %dma_wait3A_76 : memref<1x128x128xf32, #tpu.memory_space<hbm>> -> memref<128x128xf32, #tpu.memory_space<hbm>>
      tpu.wait_dma2 semaphore(%run_scoped3A : memref<!tpu.dma_semaphore, #tpu.memory_space<semaphore_mem>>) src(%arg10 : memref<128x128xf32, #tpu.memory_space<vmem>>) dst(%dma_wait3A_77 : memref<128x128xf32, #tpu.memory_space<hbm>>)
      tpu.yield
    }) : () -> ()
    %add3A_59 = arith.constant 512 : i32
    %add3A_60 = arith.addi %mul3A_2, %add3A_59 : i32
    "tpu.region"() ({
      %run_scoped3A = tpu.sem_alloc : memref<!tpu.dma_semaphore, #tpu.memory_space<semaphore_mem>>
      %dma_start3A = arith.constant 0 : i32
      %dma_start3A_68 = arith.constant 0 : i32
      %dma_start3A_69 = tpu.memref_slice %arg10[%dma_start3A, %dma_start3A_68] : memref<128x128xf32, #tpu.memory_space<vmem>> -> memref<112x128xf32, #tpu.memory_space<vmem>>
      %dma_start3A_70 = arith.constant 0 : i32
      %dma_start3A_71 = tpu.memref_slice %arg12[%add3A_60, %dma_start3A_70] : memref<10000x128xf32, #tpu.memory_space<vmem_shared>> -> memref<112x128xf32, #tpu.memory_space<vmem_shared>>
      %dma_start3A_72 = arith.constant 0 : i32
      %dma_start3A_73 = arith.constant 0 : i32
      %dma_start3A_74 = tpu.memref_slice %arg10[%dma_start3A_72, %dma_start3A_73] : memref<128x128xf32, #tpu.memory_space<vmem>> -> memref<112x128xf32, #tpu.memory_space<vmem>>
      %dma_start3A_75 = arith.constant 0 : i32
      %dma_start3A_76 = tpu.memref_slice %arg12[%add3A_60, %dma_start3A_75] : memref<10000x128xf32, #tpu.memory_space<vmem_shared>> -> memref<112x128xf32, #tpu.memory_space<vmem_shared>>
      tpu.enqueue_dma source(%dma_start3A_76 : memref<112x128xf32, #tpu.memory_space<vmem_shared>>) target(%dma_start3A_74 : memref<112x128xf32, #tpu.memory_space<vmem>>) target_semaphore(%run_scoped3A : memref<!tpu.dma_semaphore, #tpu.memory_space<semaphore_mem>>)
      %dma_wait3A = arith.constant 0 : i32
      %dma_wait3A_77 = arith.constant 0 : i32
      %dma_wait3A_78 = tpu.memref_slice %arg10[%dma_wait3A, %dma_wait3A_77] : memref<128x128xf32, #tpu.memory_space<vmem>> -> memref<112x128xf32, #tpu.memory_space<vmem>>
      %dma_wait3A_79 = arith.constant 0 : i32
      %dma_wait3A_80 = tpu.memref_slice %arg12[%add3A_60, %dma_wait3A_79] : memref<10000x128xf32, #tpu.memory_space<vmem_shared>> -> memref<112x128xf32, #tpu.memory_space<vmem_shared>>
      %dma_wait3A_81 = arith.constant 0 : i32
      %dma_wait3A_82 = arith.constant 0 : i32
      %dma_wait3A_83 = tpu.memref_slice %arg10[%dma_wait3A_81, %dma_wait3A_82] : memref<128x128xf32, #tpu.memory_space<vmem>> -> memref<112x128xf32, #tpu.memory_space<vmem>>
      %dma_wait3A_84 = arith.constant 0 : i32
      %dma_wait3A_85 = tpu.memref_slice %arg12[%add3A_60, %dma_wait3A_84] : memref<10000x128xf32, #tpu.memory_space<vmem_shared>> -> memref<112x128xf32, #tpu.memory_space<vmem_shared>>
      tpu.wait_dma2 semaphore(%run_scoped3A : memref<!tpu.dma_semaphore, #tpu.memory_space<semaphore_mem>>) src(%dma_wait3A_85 : memref<112x128xf32, #tpu.memory_space<vmem_shared>>) dst(%dma_wait3A_83 : memref<112x128xf32, #tpu.memory_space<vmem>>)
      tpu.yield
    }) : () -> ()
    %add3A_61 = arith.constant 512 : i32
    %add3A_62 = arith.addi %mul3A_2, %add3A_61 : i32
    "tpu.region"() ({
      %run_scoped3A = tpu.sem_alloc : memref<!tpu.dma_semaphore, #tpu.memory_space<semaphore_mem>>
      %dma_start3A = arith.constant 0 : i32
      %dma_start3A_68 = arith.constant 0 : i32
      %dma_start3A_69 = tpu.memref_slice %arg10[%dma_start3A, %dma_start3A_68] : memref<128x128xf32, #tpu.memory_space<vmem>> -> memref<112x128xf32, #tpu.memory_space<vmem>>
      %dma_start3A_70 = arith.constant 0 : i32
      %dma_start3A_71 = tpu.memref_slice %arg7[%arg0, %add3A_62, %dma_start3A_70] : memref<2x10000x128xf32, #tpu.memory_space<hbm>> -> memref<1x112x128xf32, #tpu.memory_space<hbm>>
      %dma_start3A_72 = tpu.memref_squeeze %dma_start3A_71 : memref<1x112x128xf32, #tpu.memory_space<hbm>> -> memref<112x128xf32, #tpu.memory_space<hbm>>
      %dma_start3A_73 = arith.constant 0 : i32
      %dma_start3A_74 = tpu.memref_slice %arg7[%arg0, %add3A_62, %dma_start3A_73] : memref<2x10000x128xf32, #tpu.memory_space<hbm>> -> memref<1x112x128xf32, #tpu.memory_space<hbm>>
      %dma_start3A_75 = tpu.memref_squeeze %dma_start3A_74 : memref<1x112x128xf32, #tpu.memory_space<hbm>> -> memref<112x128xf32, #tpu.memory_space<hbm>>
      %dma_start3A_76 = arith.constant 0 : i32
      %dma_start3A_77 = arith.constant 0 : i32
      %dma_start3A_78 = tpu.memref_slice %arg10[%dma_start3A_76, %dma_start3A_77] : memref<128x128xf32, #tpu.memory_space<vmem>> -> memref<112x128xf32, #tpu.memory_space<vmem>>
      tpu.enqueue_dma source(%dma_start3A_78 : memref<112x128xf32, #tpu.memory_space<vmem>>) target(%dma_start3A_75 : memref<112x128xf32, #tpu.memory_space<hbm>>) target_semaphore(%run_scoped3A : memref<!tpu.dma_semaphore, #tpu.memory_space<semaphore_mem>>)
      %dma_wait3A = arith.constant 0 : i32
      %dma_wait3A_79 = arith.constant 0 : i32
      %dma_wait3A_80 = tpu.memref_slice %arg10[%dma_wait3A, %dma_wait3A_79] : memref<128x128xf32, #tpu.memory_space<vmem>> -> memref<112x128xf32, #tpu.memory_space<vmem>>
      %dma_wait3A_81 = arith.constant 0 : i32
      %dma_wait3A_82 = tpu.memref_slice %arg7[%arg0, %add3A_62, %dma_wait3A_81] : memref<2x10000x128xf32, #tpu.memory_space<hbm>> -> memref<1x112x128xf32, #tpu.memory_space<hbm>>
      %dma_wait3A_83 = tpu.memref_squeeze %dma_wait3A_82 : memref<1x112x128xf32, #tpu.memory_space<hbm>> -> memref<112x128xf32, #tpu.memory_space<hbm>>
      %dma_wait3A_84 = arith.constant 0 : i32
      %dma_wait3A_85 = tpu.memref_slice %arg7[%arg0, %add3A_62, %dma_wait3A_84] : memref<2x10000x128xf32, #tpu.memory_space<hbm>> -> memref<1x112x128xf32, #tpu.memory_space<hbm>>
      %dma_wait3A_86 = tpu.memref_squeeze %dma_wait3A_85 : memref<1x112x128xf32, #tpu.memory_space<hbm>> -> memref<112x128xf32, #tpu.memory_space<hbm>>
      %dma_wait3A_87 = arith.constant 0 : i32
      %dma_wait3A_88 = arith.constant 0 : i32
      %dma_wait3A_89 = tpu.memref_slice %arg10[%dma_wait3A_87, %dma_wait3A_88] : memref<128x128xf32, #tpu.memory_space<vmem>> -> memref<112x128xf32, #tpu.memory_space<vmem>>
      tpu.wait_dma2 semaphore(%run_scoped3A : memref<!tpu.dma_semaphore, #tpu.memory_space<semaphore_mem>>) src(%dma_wait3A_89 : memref<112x128xf32, #tpu.memory_space<vmem>>) dst(%dma_wait3A_86 : memref<112x128xf32, #tpu.memory_space<hbm>>)
      tpu.yield
    }) : () -> ()
    %eq3A_63 = arith.constant 15 : i32
    %eq3A_64 = arith.cmpi eq, %arg1, %eq3A_63 : i32
    %convert_element_type3A_65 = arith.extui %eq3A_64 : i1 to i32
    %cond3A_66 = arith.constant 0 : i32
    %cond3A_67 = arith.cmpi ne, %convert_element_type3A_65, %cond3A_66 : i32
    scf.if %cond3A_67 {
      "tpu.region"() ({
        %run_scoped3A = tpu.sem_alloc : memref<!tpu.dma_semaphore, #tpu.memory_space<semaphore_mem>>
        %dma_start3A = arith.constant 0 : i32
        %dma_start3A_68 = arith.constant 0 : i32
        %dma_start3A_69 = tpu.memref_slice %arg10[%dma_start3A, %dma_start3A_68] : memref<128x128xf32, #tpu.memory_space<vmem>> -> memref<16x128xf32, #tpu.memory_space<vmem>>
        %dma_start3A_70 = arith.constant 9984 : i32
        %dma_start3A_71 = arith.constant 0 : i32
        %dma_start3A_72 = tpu.memref_slice %arg12[%dma_start3A_70, %dma_start3A_71] : memref<10000x128xf32, #tpu.memory_space<vmem_shared>> -> memref<16x128xf32, #tpu.memory_space<vmem_shared>>
        %dma_start3A_73 = arith.constant 0 : i32
        %dma_start3A_74 = arith.constant 0 : i32
        %dma_start3A_75 = tpu.memref_slice %arg10[%dma_start3A_73, %dma_start3A_74] : memref<128x128xf32, #tpu.memory_space<vmem>> -> memref<16x128xf32, #tpu.memory_space<vmem>>
        %dma_start3A_76 = arith.constant 9984 : i32
        %dma_start3A_77 = arith.constant 0 : i32
        %dma_start3A_78 = tpu.memref_slice %arg12[%dma_start3A_76, %dma_start3A_77] : memref<10000x128xf32, #tpu.memory_space<vmem_shared>> -> memref<16x128xf32, #tpu.memory_space<vmem_shared>>
        tpu.enqueue_dma source(%dma_start3A_78 : memref<16x128xf32, #tpu.memory_space<vmem_shared>>) target(%dma_start3A_75 : memref<16x128xf32, #tpu.memory_space<vmem>>) target_semaphore(%run_scoped3A : memref<!tpu.dma_semaphore, #tpu.memory_space<semaphore_mem>>)
        %dma_wait3A = arith.constant 0 : i32
        %dma_wait3A_79 = arith.constant 0 : i32
        %dma_wait3A_80 = tpu.memref_slice %arg10[%dma_wait3A, %dma_wait3A_79] : memref<128x128xf32, #tpu.memory_space<vmem>> -> memref<16x128xf32, #tpu.memory_space<vmem>>
        %dma_wait3A_81 = arith.constant 9984 : i32
        %dma_wait3A_82 = arith.constant 0 : i32
        %dma_wait3A_83 = tpu.memref_slice %arg12[%dma_wait3A_81, %dma_wait3A_82] : memref<10000x128xf32, #tpu.memory_space<vmem_shared>> -> memref<16x128xf32, #tpu.memory_space<vmem_shared>>
        %dma_wait3A_84 = arith.constant 0 : i32
        %dma_wait3A_85 = arith.constant 0 : i32
        %dma_wait3A_86 = tpu.memref_slice %arg10[%dma_wait3A_84, %dma_wait3A_85] : memref<128x128xf32, #tpu.memory_space<vmem>> -> memref<16x128xf32, #tpu.memory_space<vmem>>
        %dma_wait3A_87 = arith.constant 9984 : i32
        %dma_wait3A_88 = arith.constant 0 : i32
        %dma_wait3A_89 = tpu.memref_slice %arg12[%dma_wait3A_87, %dma_wait3A_88] : memref<10000x128xf32, #tpu.memory_space<vmem_shared>> -> memref<16x128xf32, #tpu.memory_space<vmem_shared>>
        tpu.wait_dma2 semaphore(%run_scoped3A : memref<!tpu.dma_semaphore, #tpu.memory_space<semaphore_mem>>) src(%dma_wait3A_89 : memref<16x128xf32, #tpu.memory_space<vmem_shared>>) dst(%dma_wait3A_86 : memref<16x128xf32, #tpu.memory_space<vmem>>)
        tpu.yield
      }) : () -> ()
      "tpu.region"() ({
        %run_scoped3A = tpu.sem_alloc : memref<!tpu.dma_semaphore, #tpu.memory_space<semaphore_mem>>
        %dma_start3A = arith.constant 0 : i32
        %dma_start3A_68 = arith.constant 0 : i32
        %dma_start3A_69 = tpu.memref_slice %arg10[%dma_start3A, %dma_start3A_68] : memref<128x128xf32, #tpu.memory_space<vmem>> -> memref<16x128xf32, #tpu.memory_space<vmem>>
        %dma_start3A_70 = arith.constant 9984 : i32
        %dma_start3A_71 = arith.constant 0 : i32
        %dma_start3A_72 = tpu.memref_slice %arg7[%arg0, %dma_start3A_70, %dma_start3A_71] : memref<2x10000x128xf32, #tpu.memory_space<hbm>> -> memref<1x16x128xf32, #tpu.memory_space<hbm>>
        %dma_start3A_73 = tpu.memref_squeeze %dma_start3A_72 : memref<1x16x128xf32, #tpu.memory_space<hbm>> -> memref<16x128xf32, #tpu.memory_space<hbm>>
        %dma_start3A_74 = arith.constant 9984 : i32
        %dma_start3A_75 = arith.constant 0 : i32
        %dma_start3A_76 = tpu.memref_slice %arg7[%arg0, %dma_start3A_74, %dma_start3A_75] : memref<2x10000x128xf32, #tpu.memory_space<hbm>> -> memref<1x16x128xf32, #tpu.memory_space<hbm>>
        %dma_start3A_77 = tpu.memref_squeeze %dma_start3A_76 : memref<1x16x128xf32, #tpu.memory_space<hbm>> -> memref<16x128xf32, #tpu.memory_space<hbm>>
        %dma_start3A_78 = arith.constant 0 : i32
        %dma_start3A_79 = arith.constant 0 : i32
        %dma_start3A_80 = tpu.memref_slice %arg10[%dma_start3A_78, %dma_start3A_79] : memref<128x128xf32, #tpu.memory_space<vmem>> -> memref<16x128xf32, #tpu.memory_space<vmem>>
        tpu.enqueue_dma source(%dma_start3A_80 : memref<16x128xf32, #tpu.memory_space<vmem>>) target(%dma_start3A_77 : memref<16x128xf32, #tpu.memory_space<hbm>>) target_semaphore(%run_scoped3A : memref<!tpu.dma_semaphore, #tpu.memory_space<semaphore_mem>>)
        %dma_wait3A = arith.constant 0 : i32
        %dma_wait3A_81 = arith.constant 0 : i32
        %dma_wait3A_82 = tpu.memref_slice %arg10[%dma_wait3A, %dma_wait3A_81] : memref<128x128xf32, #tpu.memory_space<vmem>> -> memref<16x128xf32, #tpu.memory_space<vmem>>
        %dma_wait3A_83 = arith.constant 9984 : i32
        %dma_wait3A_84 = arith.constant 0 : i32
        %dma_wait3A_85 = tpu.memref_slice %arg7[%arg0, %dma_wait3A_83, %dma_wait3A_84] : memref<2x10000x128xf32, #tpu.memory_space<hbm>> -> memref<1x16x128xf32, #tpu.memory_space<hbm>>
        %dma_wait3A_86 = tpu.memref_squeeze %dma_wait3A_85 : memref<1x16x128xf32, #tpu.memory_space<hbm>> -> memref<16x128xf32, #tpu.memory_space<hbm>>
        %dma_wait3A_87 = arith.constant 9984 : i32
        %dma_wait3A_88 = arith.constant 0 : i32
        %dma_wait3A_89 = tpu.memref_slice %arg7[%arg0, %dma_wait3A_87, %dma_wait3A_88] : memref<2x10000x128xf32, #tpu.memory_space<hbm>> -> memref<1x16x128xf32, #tpu.memory_space<hbm>>
        %dma_wait3A_90 = tpu.memref_squeeze %dma_wait3A_89 : memref<1x16x128xf32, #tpu.memory_space<hbm>> -> memref<16x128xf32, #tpu.memory_space<hbm>>
        %dma_wait3A_91 = arith.constant 0 : i32
        %dma_wait3A_92 = arith.constant 0 : i32
        %dma_wait3A_93 = tpu.memref_slice %arg10[%dma_wait3A_91, %dma_wait3A_92] : memref<128x128xf32, #tpu.memory_space<vmem>> -> memref<16x128xf32, #tpu.memory_space<vmem>>
        tpu.wait_dma2 semaphore(%run_scoped3A : memref<!tpu.dma_semaphore, #tpu.memory_space<semaphore_mem>>) src(%dma_wait3A_93 : memref<16x128xf32, #tpu.memory_space<vmem>>) dst(%dma_wait3A_90 : memref<16x128xf32, #tpu.memory_space<hbm>>)
        tpu.yield
      }) : () -> ()
    } else {
    }
    return
  }
}

#map = affine_map<(d0, d1) -> (0, 0)>
#map1 = affine_map<(d0, d1) -> (0)>
module attributes {stable_mosaic.version = 14 : i64} {
  func.func @k(%arg0: i32, %arg1: i32, %arg2: memref<10000x128xf32, #tpu.memory_space<hbm>>, %arg3: memref<80000xi32, #tpu.memory_space<hbm>>, %arg4: memref<80000xi32, #tpu.memory_space<hbm>>, %arg5: memref<80000x128xf32, #tpu.memory_space<hbm>>, %arg6: memref<80000x128xf32, #tpu.memory_space<hbm>>, %arg7: memref<128xi32, #tpu.memory_space<vmem>>, %arg8: memref<128xi32, #tpu.memory_space<vmem>>, %arg9: memref<128x128xf32, #tpu.memory_space<vmem>>, %arg10: memref<128x128xf32, #tpu.memory_space<vmem>>, %arg11: memref<!tpu.dma_semaphore, #tpu.memory_space<semaphore_mem>>, %arg12: memref<!tpu.dma_semaphore, #tpu.memory_space<semaphore_mem>>) attributes {dimension_semantics = [#tpu.dimension_semantics<core_parallel>, #tpu.dimension_semantics<subcore_parallel>], iteration_bounds = array<i64: 2, 16>, scalar_prefetch = 0 : i64, scratch_operands = 6 : i64, tpu.core_type = #tpu.core_type<sc_vector_subcore>, window_params = [{transform_indices = #map}, {transform_indices = #map1}, {transform_indices = #map1}, {transform_indices = #map}, {transform_indices = #map}]} {
    %mul3A = arith.constant 2 : i32
    %mul3A_0 = arith.muli %arg1, %mul3A : i32
    %add3A = arith.addi %mul3A_0, %arg0 : i32
    %lt3A = arith.constant 17 : i32
    %lt3A_1 = arith.cmpi slt, %add3A, %lt3A : i32
    %jit3A = arith.constant 1 : i32
    %jit3A_2 = arith.constant 0 : i32
    %select_n3A = arith.select %lt3A_1, %jit3A, %jit3A_2 : i32
    %add3A_3 = arith.constant 19 : i32
    %add3A_4 = arith.addi %add3A_3, %select_n3A : i32
    %sub3A = arith.constant 0 : i32
    %sub3A_5 = arith.subi %add3A_4, %sub3A : i32
    %sub3A_6 = arith.constant 1 : i32
    %sub3A_7 = arith.constant 1 : i32
    %sub3A_8 = arith.subi %sub3A_6, %sub3A_7 : i32
    %add3A_9 = arith.addi %sub3A_5, %sub3A_8 : i32
    %div3A = arith.constant 1 : i32
    %div3A_10 = arith.divsi %add3A_9, %div3A : i32
    %while3A = arith.constant 1 : i32
    %while3A_11 = arith.constant 0 : i32
    %while3A_12 = arith.constant 0 : i32
    %while3A_13 = arith.subi %div3A_10, %while3A_12 : i32
    %while3A_14 = arith.addi %while3A_12, %while3A_13 : i32
    %while3A_15 = arith.constant 1 : i32
    %while3A_16 = arith.divsi %while3A_13, %while3A_15 : i32
    %while3A_17 = arith.muli %while3A_16, %while3A_15 : i32
    %while3A_18 = arith.addi %while3A_12, %while3A_17 : i32
    %while3A_19 = arith.constant 1 : i32
    scf.for %while3A_21 = %while3A_12 to %while3A_18 step %while3A_19  : i32 {
      %mul3A_22 = arith.muli %while3A_21, %while3A : i32
      %add3A_23 = arith.addi %while3A_11, %mul3A_22 : i32
      %mul3A_24 = arith.constant 32 : i32
      %mul3A_25 = arith.muli %mul3A_24, %add3A_23 : i32
      %add3A_26 = arith.addi %add3A, %mul3A_25 : i32
      %mul3A_27 = arith.constant 128 : i32
      %mul3A_28 = arith.muli %add3A_26, %mul3A_27 : i32
      "tpu.region"() ({
        %run_scoped3A = tpu.sem_alloc : memref<!tpu.dma_semaphore, #tpu.memory_space<semaphore_mem>>
        %dma_start3A_39 = tpu.memref_slice %arg3[%mul3A_28] : memref<80000xi32, #tpu.memory_space<hbm>> -> memref<128xi32, #tpu.memory_space<hbm>>
        %dma_start3A_40 = tpu.memref_slice %arg3[%mul3A_28] : memref<80000xi32, #tpu.memory_space<hbm>> -> memref<128xi32, #tpu.memory_space<hbm>>
        tpu.enqueue_dma source(%dma_start3A_40 : memref<128xi32, #tpu.memory_space<hbm>>) target(%arg7 : memref<128xi32, #tpu.memory_space<vmem>>) target_semaphore(%run_scoped3A : memref<!tpu.dma_semaphore, #tpu.memory_space<semaphore_mem>>)
        %dma_wait3A_41 = tpu.memref_slice %arg3[%mul3A_28] : memref<80000xi32, #tpu.memory_space<hbm>> -> memref<128xi32, #tpu.memory_space<hbm>>
        %dma_wait3A_42 = tpu.memref_slice %arg3[%mul3A_28] : memref<80000xi32, #tpu.memory_space<hbm>> -> memref<128xi32, #tpu.memory_space<hbm>>
        tpu.wait_dma2 semaphore(%run_scoped3A : memref<!tpu.dma_semaphore, #tpu.memory_space<semaphore_mem>>) src(%dma_wait3A_42 : memref<128xi32, #tpu.memory_space<hbm>>) dst(%arg7 : memref<128xi32, #tpu.memory_space<vmem>>)
        tpu.yield
      }) : () -> ()
      "tpu.region"() ({
        %run_scoped3A = tpu.sem_alloc : memref<!tpu.dma_semaphore, #tpu.memory_space<semaphore_mem>>
        %dma_start3A_39 = tpu.memref_slice %arg4[%mul3A_28] : memref<80000xi32, #tpu.memory_space<hbm>> -> memref<128xi32, #tpu.memory_space<hbm>>
        %dma_start3A_40 = tpu.memref_slice %arg4[%mul3A_28] : memref<80000xi32, #tpu.memory_space<hbm>> -> memref<128xi32, #tpu.memory_space<hbm>>
        tpu.enqueue_dma source(%dma_start3A_40 : memref<128xi32, #tpu.memory_space<hbm>>) target(%arg8 : memref<128xi32, #tpu.memory_space<vmem>>) target_semaphore(%run_scoped3A : memref<!tpu.dma_semaphore, #tpu.memory_space<semaphore_mem>>)
        %dma_wait3A_41 = tpu.memref_slice %arg4[%mul3A_28] : memref<80000xi32, #tpu.memory_space<hbm>> -> memref<128xi32, #tpu.memory_space<hbm>>
        %dma_wait3A_42 = tpu.memref_slice %arg4[%mul3A_28] : memref<80000xi32, #tpu.memory_space<hbm>> -> memref<128xi32, #tpu.memory_space<hbm>>
        tpu.wait_dma2 semaphore(%run_scoped3A : memref<!tpu.dma_semaphore, #tpu.memory_space<semaphore_mem>>) src(%dma_wait3A_42 : memref<128xi32, #tpu.memory_space<hbm>>) dst(%arg8 : memref<128xi32, #tpu.memory_space<vmem>>)
        tpu.yield
      }) : () -> ()
      %dma_start3A = arith.constant 0 : i32
      %dma_start3A_29 = arith.constant 0 : i32
      %dma_start3A_30 = tpu.memref_slice %arg2[%dma_start3A, %dma_start3A_29] : memref<10000x128xf32, #tpu.memory_space<hbm>> -> memref<10000x128xf32, #tpu.memory_space<hbm>>
      tpu.enqueue_indirect_dma source(%dma_start3A_30 : memref<10000x128xf32, #tpu.memory_space<hbm>>) target(%arg9 : memref<128x128xf32, #tpu.memory_space<vmem>>) offsets(%arg7 : memref<128xi32, #tpu.memory_space<vmem>>) semaphore(%arg11 : memref<!tpu.dma_semaphore, #tpu.memory_space<semaphore_mem>>)
      %dma_start3A_31 = arith.constant 0 : i32
      %dma_start3A_32 = arith.constant 0 : i32
      %dma_start3A_33 = tpu.memref_slice %arg2[%dma_start3A_31, %dma_start3A_32] : memref<10000x128xf32, #tpu.memory_space<hbm>> -> memref<10000x128xf32, #tpu.memory_space<hbm>>
      tpu.enqueue_indirect_dma source(%dma_start3A_33 : memref<10000x128xf32, #tpu.memory_space<hbm>>) target(%arg10 : memref<128x128xf32, #tpu.memory_space<vmem>>) offsets(%arg8 : memref<128xi32, #tpu.memory_space<vmem>>) semaphore(%arg12 : memref<!tpu.dma_semaphore, #tpu.memory_space<semaphore_mem>>)
      %dma_wait3A = arith.constant 0 : i32
      %dma_wait3A_34 = arith.constant 0 : i32
      %dma_wait3A_35 = tpu.memref_slice %arg2[%dma_wait3A, %dma_wait3A_34] : memref<10000x128xf32, #tpu.memory_space<hbm>> -> memref<10000x128xf32, #tpu.memory_space<hbm>>
      tpu.wait_indirect_dma semaphore(%arg11 : memref<!tpu.dma_semaphore, #tpu.memory_space<semaphore_mem>>) src(%dma_wait3A_35 : memref<10000x128xf32, #tpu.memory_space<hbm>>) dst(%arg9 : memref<128x128xf32, #tpu.memory_space<vmem>>)
      %dma_wait3A_36 = arith.constant 0 : i32
      %dma_wait3A_37 = arith.constant 0 : i32
      %dma_wait3A_38 = tpu.memref_slice %arg2[%dma_wait3A_36, %dma_wait3A_37] : memref<10000x128xf32, #tpu.memory_space<hbm>> -> memref<10000x128xf32, #tpu.memory_space<hbm>>
      tpu.wait_indirect_dma semaphore(%arg12 : memref<!tpu.dma_semaphore, #tpu.memory_space<semaphore_mem>>) src(%dma_wait3A_38 : memref<10000x128xf32, #tpu.memory_space<hbm>>) dst(%arg10 : memref<128x128xf32, #tpu.memory_space<vmem>>)
      "tpu.region"() ({
        %run_scoped3A = tpu.sem_alloc : memref<!tpu.dma_semaphore, #tpu.memory_space<semaphore_mem>>
        %dma_start3A_39 = arith.constant 0 : i32
        %dma_start3A_40 = tpu.memref_slice %arg5[%mul3A_28, %dma_start3A_39] : memref<80000x128xf32, #tpu.memory_space<hbm>> -> memref<128x128xf32, #tpu.memory_space<hbm>>
        %dma_start3A_41 = arith.constant 0 : i32
        %dma_start3A_42 = tpu.memref_slice %arg5[%mul3A_28, %dma_start3A_41] : memref<80000x128xf32, #tpu.memory_space<hbm>> -> memref<128x128xf32, #tpu.memory_space<hbm>>
        tpu.enqueue_dma source(%arg9 : memref<128x128xf32, #tpu.memory_space<vmem>>) target(%dma_start3A_42 : memref<128x128xf32, #tpu.memory_space<hbm>>) target_semaphore(%run_scoped3A : memref<!tpu.dma_semaphore, #tpu.memory_space<semaphore_mem>>)
        %dma_wait3A_43 = arith.constant 0 : i32
        %dma_wait3A_44 = tpu.memref_slice %arg5[%mul3A_28, %dma_wait3A_43] : memref<80000x128xf32, #tpu.memory_space<hbm>> -> memref<128x128xf32, #tpu.memory_space<hbm>>
        %dma_wait3A_45 = arith.constant 0 : i32
        %dma_wait3A_46 = tpu.memref_slice %arg5[%mul3A_28, %dma_wait3A_45] : memref<80000x128xf32, #tpu.memory_space<hbm>> -> memref<128x128xf32, #tpu.memory_space<hbm>>
        tpu.wait_dma2 semaphore(%run_scoped3A : memref<!tpu.dma_semaphore, #tpu.memory_space<semaphore_mem>>) src(%arg9 : memref<128x128xf32, #tpu.memory_space<vmem>>) dst(%dma_wait3A_46 : memref<128x128xf32, #tpu.memory_space<hbm>>)
        tpu.yield
      }) : () -> ()
      "tpu.region"() ({
        %run_scoped3A = tpu.sem_alloc : memref<!tpu.dma_semaphore, #tpu.memory_space<semaphore_mem>>
        %dma_start3A_39 = arith.constant 0 : i32
        %dma_start3A_40 = tpu.memref_slice %arg6[%mul3A_28, %dma_start3A_39] : memref<80000x128xf32, #tpu.memory_space<hbm>> -> memref<128x128xf32, #tpu.memory_space<hbm>>
        %dma_start3A_41 = arith.constant 0 : i32
        %dma_start3A_42 = tpu.memref_slice %arg6[%mul3A_28, %dma_start3A_41] : memref<80000x128xf32, #tpu.memory_space<hbm>> -> memref<128x128xf32, #tpu.memory_space<hbm>>
        tpu.enqueue_dma source(%arg10 : memref<128x128xf32, #tpu.memory_space<vmem>>) target(%dma_start3A_42 : memref<128x128xf32, #tpu.memory_space<hbm>>) target_semaphore(%run_scoped3A : memref<!tpu.dma_semaphore, #tpu.memory_space<semaphore_mem>>)
        %dma_wait3A_43 = arith.constant 0 : i32
        %dma_wait3A_44 = tpu.memref_slice %arg6[%mul3A_28, %dma_wait3A_43] : memref<80000x128xf32, #tpu.memory_space<hbm>> -> memref<128x128xf32, #tpu.memory_space<hbm>>
        %dma_wait3A_45 = arith.constant 0 : i32
        %dma_wait3A_46 = tpu.memref_slice %arg6[%mul3A_28, %dma_wait3A_45] : memref<80000x128xf32, #tpu.memory_space<hbm>> -> memref<128x128xf32, #tpu.memory_space<hbm>>
        tpu.wait_dma2 semaphore(%run_scoped3A : memref<!tpu.dma_semaphore, #tpu.memory_space<semaphore_mem>>) src(%arg10 : memref<128x128xf32, #tpu.memory_space<vmem>>) dst(%dma_wait3A_46 : memref<128x128xf32, #tpu.memory_space<hbm>>)
        tpu.yield
      }) : () -> ()
    }
    %while3A_20 = arith.constant 1 : i32
    scf.for %while3A_21 = %while3A_18 to %while3A_14 step %while3A_20  : i32 {
      %mul3A_22 = arith.muli %while3A_21, %while3A : i32
      %add3A_23 = arith.addi %while3A_11, %mul3A_22 : i32
      %mul3A_24 = arith.constant 32 : i32
      %mul3A_25 = arith.muli %mul3A_24, %add3A_23 : i32
      %add3A_26 = arith.addi %add3A, %mul3A_25 : i32
      %mul3A_27 = arith.constant 128 : i32
      %mul3A_28 = arith.muli %add3A_26, %mul3A_27 : i32
      "tpu.region"() ({
        %run_scoped3A = tpu.sem_alloc : memref<!tpu.dma_semaphore, #tpu.memory_space<semaphore_mem>>
        %dma_start3A_39 = tpu.memref_slice %arg3[%mul3A_28] : memref<80000xi32, #tpu.memory_space<hbm>> -> memref<128xi32, #tpu.memory_space<hbm>>
        %dma_start3A_40 = tpu.memref_slice %arg3[%mul3A_28] : memref<80000xi32, #tpu.memory_space<hbm>> -> memref<128xi32, #tpu.memory_space<hbm>>
        tpu.enqueue_dma source(%dma_start3A_40 : memref<128xi32, #tpu.memory_space<hbm>>) target(%arg7 : memref<128xi32, #tpu.memory_space<vmem>>) target_semaphore(%run_scoped3A : memref<!tpu.dma_semaphore, #tpu.memory_space<semaphore_mem>>)
        %dma_wait3A_41 = tpu.memref_slice %arg3[%mul3A_28] : memref<80000xi32, #tpu.memory_space<hbm>> -> memref<128xi32, #tpu.memory_space<hbm>>
        %dma_wait3A_42 = tpu.memref_slice %arg3[%mul3A_28] : memref<80000xi32, #tpu.memory_space<hbm>> -> memref<128xi32, #tpu.memory_space<hbm>>
        tpu.wait_dma2 semaphore(%run_scoped3A : memref<!tpu.dma_semaphore, #tpu.memory_space<semaphore_mem>>) src(%dma_wait3A_42 : memref<128xi32, #tpu.memory_space<hbm>>) dst(%arg7 : memref<128xi32, #tpu.memory_space<vmem>>)
        tpu.yield
      }) : () -> ()
      "tpu.region"() ({
        %run_scoped3A = tpu.sem_alloc : memref<!tpu.dma_semaphore, #tpu.memory_space<semaphore_mem>>
        %dma_start3A_39 = tpu.memref_slice %arg4[%mul3A_28] : memref<80000xi32, #tpu.memory_space<hbm>> -> memref<128xi32, #tpu.memory_space<hbm>>
        %dma_start3A_40 = tpu.memref_slice %arg4[%mul3A_28] : memref<80000xi32, #tpu.memory_space<hbm>> -> memref<128xi32, #tpu.memory_space<hbm>>
        tpu.enqueue_dma source(%dma_start3A_40 : memref<128xi32, #tpu.memory_space<hbm>>) target(%arg8 : memref<128xi32, #tpu.memory_space<vmem>>) target_semaphore(%run_scoped3A : memref<!tpu.dma_semaphore, #tpu.memory_space<semaphore_mem>>)
        %dma_wait3A_41 = tpu.memref_slice %arg4[%mul3A_28] : memref<80000xi32, #tpu.memory_space<hbm>> -> memref<128xi32, #tpu.memory_space<hbm>>
        %dma_wait3A_42 = tpu.memref_slice %arg4[%mul3A_28] : memref<80000xi32, #tpu.memory_space<hbm>> -> memref<128xi32, #tpu.memory_space<hbm>>
        tpu.wait_dma2 semaphore(%run_scoped3A : memref<!tpu.dma_semaphore, #tpu.memory_space<semaphore_mem>>) src(%dma_wait3A_42 : memref<128xi32, #tpu.memory_space<hbm>>) dst(%arg8 : memref<128xi32, #tpu.memory_space<vmem>>)
        tpu.yield
      }) : () -> ()
      %dma_start3A = arith.constant 0 : i32
      %dma_start3A_29 = arith.constant 0 : i32
      %dma_start3A_30 = tpu.memref_slice %arg2[%dma_start3A, %dma_start3A_29] : memref<10000x128xf32, #tpu.memory_space<hbm>> -> memref<10000x128xf32, #tpu.memory_space<hbm>>
      tpu.enqueue_indirect_dma source(%dma_start3A_30 : memref<10000x128xf32, #tpu.memory_space<hbm>>) target(%arg9 : memref<128x128xf32, #tpu.memory_space<vmem>>) offsets(%arg7 : memref<128xi32, #tpu.memory_space<vmem>>) semaphore(%arg11 : memref<!tpu.dma_semaphore, #tpu.memory_space<semaphore_mem>>)
      %dma_start3A_31 = arith.constant 0 : i32
      %dma_start3A_32 = arith.constant 0 : i32
      %dma_start3A_33 = tpu.memref_slice %arg2[%dma_start3A_31, %dma_start3A_32] : memref<10000x128xf32, #tpu.memory_space<hbm>> -> memref<10000x128xf32, #tpu.memory_space<hbm>>
      tpu.enqueue_indirect_dma source(%dma_start3A_33 : memref<10000x128xf32, #tpu.memory_space<hbm>>) target(%arg10 : memref<128x128xf32, #tpu.memory_space<vmem>>) offsets(%arg8 : memref<128xi32, #tpu.memory_space<vmem>>) semaphore(%arg12 : memref<!tpu.dma_semaphore, #tpu.memory_space<semaphore_mem>>)
      %dma_wait3A = arith.constant 0 : i32
      %dma_wait3A_34 = arith.constant 0 : i32
      %dma_wait3A_35 = tpu.memref_slice %arg2[%dma_wait3A, %dma_wait3A_34] : memref<10000x128xf32, #tpu.memory_space<hbm>> -> memref<10000x128xf32, #tpu.memory_space<hbm>>
      tpu.wait_indirect_dma semaphore(%arg11 : memref<!tpu.dma_semaphore, #tpu.memory_space<semaphore_mem>>) src(%dma_wait3A_35 : memref<10000x128xf32, #tpu.memory_space<hbm>>) dst(%arg9 : memref<128x128xf32, #tpu.memory_space<vmem>>)
      %dma_wait3A_36 = arith.constant 0 : i32
      %dma_wait3A_37 = arith.constant 0 : i32
      %dma_wait3A_38 = tpu.memref_slice %arg2[%dma_wait3A_36, %dma_wait3A_37] : memref<10000x128xf32, #tpu.memory_space<hbm>> -> memref<10000x128xf32, #tpu.memory_space<hbm>>
      tpu.wait_indirect_dma semaphore(%arg12 : memref<!tpu.dma_semaphore, #tpu.memory_space<semaphore_mem>>) src(%dma_wait3A_38 : memref<10000x128xf32, #tpu.memory_space<hbm>>) dst(%arg10 : memref<128x128xf32, #tpu.memory_space<vmem>>)
      "tpu.region"() ({
        %run_scoped3A = tpu.sem_alloc : memref<!tpu.dma_semaphore, #tpu.memory_space<semaphore_mem>>
        %dma_start3A_39 = arith.constant 0 : i32
        %dma_start3A_40 = tpu.memref_slice %arg5[%mul3A_28, %dma_start3A_39] : memref<80000x128xf32, #tpu.memory_space<hbm>> -> memref<128x128xf32, #tpu.memory_space<hbm>>
        %dma_start3A_41 = arith.constant 0 : i32
        %dma_start3A_42 = tpu.memref_slice %arg5[%mul3A_28, %dma_start3A_41] : memref<80000x128xf32, #tpu.memory_space<hbm>> -> memref<128x128xf32, #tpu.memory_space<hbm>>
        tpu.enqueue_dma source(%arg9 : memref<128x128xf32, #tpu.memory_space<vmem>>) target(%dma_start3A_42 : memref<128x128xf32, #tpu.memory_space<hbm>>) target_semaphore(%run_scoped3A : memref<!tpu.dma_semaphore, #tpu.memory_space<semaphore_mem>>)
        %dma_wait3A_43 = arith.constant 0 : i32
        %dma_wait3A_44 = tpu.memref_slice %arg5[%mul3A_28, %dma_wait3A_43] : memref<80000x128xf32, #tpu.memory_space<hbm>> -> memref<128x128xf32, #tpu.memory_space<hbm>>
        %dma_wait3A_45 = arith.constant 0 : i32
        %dma_wait3A_46 = tpu.memref_slice %arg5[%mul3A_28, %dma_wait3A_45] : memref<80000x128xf32, #tpu.memory_space<hbm>> -> memref<128x128xf32, #tpu.memory_space<hbm>>
        tpu.wait_dma2 semaphore(%run_scoped3A : memref<!tpu.dma_semaphore, #tpu.memory_space<semaphore_mem>>) src(%arg9 : memref<128x128xf32, #tpu.memory_space<vmem>>) dst(%dma_wait3A_46 : memref<128x128xf32, #tpu.memory_space<hbm>>)
        tpu.yield
      }) : () -> ()
      "tpu.region"() ({
        %run_scoped3A = tpu.sem_alloc : memref<!tpu.dma_semaphore, #tpu.memory_space<semaphore_mem>>
        %dma_start3A_39 = arith.constant 0 : i32
        %dma_start3A_40 = tpu.memref_slice %arg6[%mul3A_28, %dma_start3A_39] : memref<80000x128xf32, #tpu.memory_space<hbm>> -> memref<128x128xf32, #tpu.memory_space<hbm>>
        %dma_start3A_41 = arith.constant 0 : i32
        %dma_start3A_42 = tpu.memref_slice %arg6[%mul3A_28, %dma_start3A_41] : memref<80000x128xf32, #tpu.memory_space<hbm>> -> memref<128x128xf32, #tpu.memory_space<hbm>>
        tpu.enqueue_dma source(%arg10 : memref<128x128xf32, #tpu.memory_space<vmem>>) target(%dma_start3A_42 : memref<128x128xf32, #tpu.memory_space<hbm>>) target_semaphore(%run_scoped3A : memref<!tpu.dma_semaphore, #tpu.memory_space<semaphore_mem>>)
        %dma_wait3A_43 = arith.constant 0 : i32
        %dma_wait3A_44 = tpu.memref_slice %arg6[%mul3A_28, %dma_wait3A_43] : memref<80000x128xf32, #tpu.memory_space<hbm>> -> memref<128x128xf32, #tpu.memory_space<hbm>>
        %dma_wait3A_45 = arith.constant 0 : i32
        %dma_wait3A_46 = tpu.memref_slice %arg6[%mul3A_28, %dma_wait3A_45] : memref<80000x128xf32, #tpu.memory_space<hbm>> -> memref<128x128xf32, #tpu.memory_space<hbm>>
        tpu.wait_dma2 semaphore(%run_scoped3A : memref<!tpu.dma_semaphore, #tpu.memory_space<semaphore_mem>>) src(%arg10 : memref<128x128xf32, #tpu.memory_space<vmem>>) dst(%dma_wait3A_46 : memref<128x128xf32, #tpu.memory_space<hbm>>)
        tpu.yield
      }) : () -> ()
    }
    return
  }
}

#map = affine_map<(d0, d1) -> (0, 0)>
#map1 = affine_map<(d0, d1) -> (0)>
module attributes {stable_mosaic.version = 14 : i64} {
  func.func @k(%arg0: i32, %arg1: i32, %arg2: memref<10000x128xf32, #tpu.memory_space<hbm>>, %arg3: memref<80000xi32, #tpu.memory_space<hbm>>, %arg4: memref<80000xi32, #tpu.memory_space<hbm>>, %arg5: memref<80000x128xf32, #tpu.memory_space<hbm>>, %arg6: memref<80000x128xf32, #tpu.memory_space<hbm>>, %arg7: memref<128xi32, #tpu.memory_space<vmem>>, %arg8: memref<128xi32, #tpu.memory_space<vmem>>, %arg9: memref<128x128xf32, #tpu.memory_space<vmem>>, %arg10: memref<128x128xf32, #tpu.memory_space<vmem>>, %arg11: memref<!tpu.dma_semaphore, #tpu.memory_space<semaphore_mem>>, %arg12: memref<!tpu.dma_semaphore, #tpu.memory_space<semaphore_mem>>) attributes {dimension_semantics = [#tpu.dimension_semantics<core_parallel>, #tpu.dimension_semantics<subcore_parallel>], iteration_bounds = array<i64: 2, 16>, scalar_prefetch = 0 : i64, scratch_operands = 6 : i64, tpu.core_type = #tpu.core_type<sc_vector_subcore>, window_params = [{transform_indices = #map}, {transform_indices = #map1}, {transform_indices = #map1}, {transform_indices = #map}, {transform_indices = #map}]} {
    %mul3A = arith.constant 2 : i32
    %mul3A_0 = arith.muli %arg1, %mul3A : i32
    %add3A = arith.addi %mul3A_0, %arg0 : i32
    %lt3A = arith.constant 17 : i32
    %lt3A_1 = arith.cmpi slt, %add3A, %lt3A : i32
    %jit3A = arith.constant 1 : i32
    %jit3A_2 = arith.constant 0 : i32
    %select_n3A = arith.select %lt3A_1, %jit3A, %jit3A_2 : i32
    %add3A_3 = arith.constant 19 : i32
    %add3A_4 = arith.addi %add3A_3, %select_n3A : i32
    %sub3A = arith.constant 0 : i32
    %sub3A_5 = arith.subi %add3A_4, %sub3A : i32
    %sub3A_6 = arith.constant 1 : i32
    %sub3A_7 = arith.constant 1 : i32
    %sub3A_8 = arith.subi %sub3A_6, %sub3A_7 : i32
    %add3A_9 = arith.addi %sub3A_5, %sub3A_8 : i32
    %div3A = arith.constant 1 : i32
    %div3A_10 = arith.divsi %add3A_9, %div3A : i32
    %while3A = arith.constant 1 : i32
    %while3A_11 = arith.constant 0 : i32
    %while3A_12 = arith.constant 0 : i32
    %while3A_13 = arith.subi %div3A_10, %while3A_12 : i32
    %while3A_14 = arith.addi %while3A_12, %while3A_13 : i32
    %while3A_15 = arith.constant 1 : i32
    %while3A_16 = arith.divsi %while3A_13, %while3A_15 : i32
    %while3A_17 = arith.muli %while3A_16, %while3A_15 : i32
    %while3A_18 = arith.addi %while3A_12, %while3A_17 : i32
    %while3A_19 = arith.constant 1 : i32
    scf.for %while3A_21 = %while3A_12 to %while3A_18 step %while3A_19  : i32 {
      %mul3A_22 = arith.muli %while3A_21, %while3A : i32
      %add3A_23 = arith.addi %while3A_11, %mul3A_22 : i32
      %mul3A_24 = arith.constant 32 : i32
      %mul3A_25 = arith.muli %mul3A_24, %add3A_23 : i32
      %add3A_26 = arith.addi %add3A, %mul3A_25 : i32
      %mul3A_27 = arith.constant 128 : i32
      %mul3A_28 = arith.muli %add3A_26, %mul3A_27 : i32
      "tpu.region"() ({
        %run_scoped3A = tpu.sem_alloc : memref<!tpu.dma_semaphore, #tpu.memory_space<semaphore_mem>>
        %dma_start3A_39 = tpu.memref_slice %arg3[%mul3A_28] : memref<80000xi32, #tpu.memory_space<hbm>> -> memref<128xi32, #tpu.memory_space<hbm>>
        %dma_start3A_40 = tpu.memref_slice %arg3[%mul3A_28] : memref<80000xi32, #tpu.memory_space<hbm>> -> memref<128xi32, #tpu.memory_space<hbm>>
        tpu.enqueue_dma source(%dma_start3A_40 : memref<128xi32, #tpu.memory_space<hbm>>) target(%arg7 : memref<128xi32, #tpu.memory_space<vmem>>) target_semaphore(%run_scoped3A : memref<!tpu.dma_semaphore, #tpu.memory_space<semaphore_mem>>)
        %dma_wait3A_41 = tpu.memref_slice %arg3[%mul3A_28] : memref<80000xi32, #tpu.memory_space<hbm>> -> memref<128xi32, #tpu.memory_space<hbm>>
        %dma_wait3A_42 = tpu.memref_slice %arg3[%mul3A_28] : memref<80000xi32, #tpu.memory_space<hbm>> -> memref<128xi32, #tpu.memory_space<hbm>>
        tpu.wait_dma2 semaphore(%run_scoped3A : memref<!tpu.dma_semaphore, #tpu.memory_space<semaphore_mem>>) src(%dma_wait3A_42 : memref<128xi32, #tpu.memory_space<hbm>>) dst(%arg7 : memref<128xi32, #tpu.memory_space<vmem>>)
        tpu.yield
      }) : () -> ()
      "tpu.region"() ({
        %run_scoped3A = tpu.sem_alloc : memref<!tpu.dma_semaphore, #tpu.memory_space<semaphore_mem>>
        %dma_start3A_39 = tpu.memref_slice %arg4[%mul3A_28] : memref<80000xi32, #tpu.memory_space<hbm>> -> memref<128xi32, #tpu.memory_space<hbm>>
        %dma_start3A_40 = tpu.memref_slice %arg4[%mul3A_28] : memref<80000xi32, #tpu.memory_space<hbm>> -> memref<128xi32, #tpu.memory_space<hbm>>
        tpu.enqueue_dma source(%dma_start3A_40 : memref<128xi32, #tpu.memory_space<hbm>>) target(%arg8 : memref<128xi32, #tpu.memory_space<vmem>>) target_semaphore(%run_scoped3A : memref<!tpu.dma_semaphore, #tpu.memory_space<semaphore_mem>>)
        %dma_wait3A_41 = tpu.memref_slice %arg4[%mul3A_28] : memref<80000xi32, #tpu.memory_space<hbm>> -> memref<128xi32, #tpu.memory_space<hbm>>
        %dma_wait3A_42 = tpu.memref_slice %arg4[%mul3A_28] : memref<80000xi32, #tpu.memory_space<hbm>> -> memref<128xi32, #tpu.memory_space<hbm>>
        tpu.wait_dma2 semaphore(%run_scoped3A : memref<!tpu.dma_semaphore, #tpu.memory_space<semaphore_mem>>) src(%dma_wait3A_42 : memref<128xi32, #tpu.memory_space<hbm>>) dst(%arg8 : memref<128xi32, #tpu.memory_space<vmem>>)
        tpu.yield
      }) : () -> ()
      %dma_start3A = arith.constant 0 : i32
      %dma_start3A_29 = arith.constant 0 : i32
      %dma_start3A_30 = tpu.memref_slice %arg2[%dma_start3A, %dma_start3A_29] : memref<10000x128xf32, #tpu.memory_space<hbm>> -> memref<10000x128xf32, #tpu.memory_space<hbm>>
      tpu.enqueue_indirect_dma source(%dma_start3A_30 : memref<10000x128xf32, #tpu.memory_space<hbm>>) target(%arg9 : memref<128x128xf32, #tpu.memory_space<vmem>>) offsets(%arg7 : memref<128xi32, #tpu.memory_space<vmem>>) semaphore(%arg11 : memref<!tpu.dma_semaphore, #tpu.memory_space<semaphore_mem>>)
      %dma_start3A_31 = arith.constant 0 : i32
      %dma_start3A_32 = arith.constant 0 : i32
      %dma_start3A_33 = tpu.memref_slice %arg2[%dma_start3A_31, %dma_start3A_32] : memref<10000x128xf32, #tpu.memory_space<hbm>> -> memref<10000x128xf32, #tpu.memory_space<hbm>>
      tpu.enqueue_indirect_dma source(%dma_start3A_33 : memref<10000x128xf32, #tpu.memory_space<hbm>>) target(%arg10 : memref<128x128xf32, #tpu.memory_space<vmem>>) offsets(%arg8 : memref<128xi32, #tpu.memory_space<vmem>>) semaphore(%arg12 : memref<!tpu.dma_semaphore, #tpu.memory_space<semaphore_mem>>)
      %dma_wait3A = arith.constant 0 : i32
      %dma_wait3A_34 = arith.constant 0 : i32
      %dma_wait3A_35 = tpu.memref_slice %arg2[%dma_wait3A, %dma_wait3A_34] : memref<10000x128xf32, #tpu.memory_space<hbm>> -> memref<10000x128xf32, #tpu.memory_space<hbm>>
      tpu.wait_indirect_dma semaphore(%arg11 : memref<!tpu.dma_semaphore, #tpu.memory_space<semaphore_mem>>) src(%dma_wait3A_35 : memref<10000x128xf32, #tpu.memory_space<hbm>>) dst(%arg9 : memref<128x128xf32, #tpu.memory_space<vmem>>)
      %dma_wait3A_36 = arith.constant 0 : i32
      %dma_wait3A_37 = arith.constant 0 : i32
      %dma_wait3A_38 = tpu.memref_slice %arg2[%dma_wait3A_36, %dma_wait3A_37] : memref<10000x128xf32, #tpu.memory_space<hbm>> -> memref<10000x128xf32, #tpu.memory_space<hbm>>
      tpu.wait_indirect_dma semaphore(%arg12 : memref<!tpu.dma_semaphore, #tpu.memory_space<semaphore_mem>>) src(%dma_wait3A_38 : memref<10000x128xf32, #tpu.memory_space<hbm>>) dst(%arg10 : memref<128x128xf32, #tpu.memory_space<vmem>>)
      "tpu.region"() ({
        %run_scoped3A = tpu.sem_alloc : memref<!tpu.dma_semaphore, #tpu.memory_space<semaphore_mem>>
        %dma_start3A_39 = arith.constant 0 : i32
        %dma_start3A_40 = tpu.memref_slice %arg5[%mul3A_28, %dma_start3A_39] : memref<80000x128xf32, #tpu.memory_space<hbm>> -> memref<128x128xf32, #tpu.memory_space<hbm>>
        %dma_start3A_41 = arith.constant 0 : i32
        %dma_start3A_42 = tpu.memref_slice %arg5[%mul3A_28, %dma_start3A_41] : memref<80000x128xf32, #tpu.memory_space<hbm>> -> memref<128x128xf32, #tpu.memory_space<hbm>>
        tpu.enqueue_dma source(%arg9 : memref<128x128xf32, #tpu.memory_space<vmem>>) target(%dma_start3A_42 : memref<128x128xf32, #tpu.memory_space<hbm>>) target_semaphore(%run_scoped3A : memref<!tpu.dma_semaphore, #tpu.memory_space<semaphore_mem>>)
        %dma_wait3A_43 = arith.constant 0 : i32
        %dma_wait3A_44 = tpu.memref_slice %arg5[%mul3A_28, %dma_wait3A_43] : memref<80000x128xf32, #tpu.memory_space<hbm>> -> memref<128x128xf32, #tpu.memory_space<hbm>>
        %dma_wait3A_45 = arith.constant 0 : i32
        %dma_wait3A_46 = tpu.memref_slice %arg5[%mul3A_28, %dma_wait3A_45] : memref<80000x128xf32, #tpu.memory_space<hbm>> -> memref<128x128xf32, #tpu.memory_space<hbm>>
        tpu.wait_dma2 semaphore(%run_scoped3A : memref<!tpu.dma_semaphore, #tpu.memory_space<semaphore_mem>>) src(%arg9 : memref<128x128xf32, #tpu.memory_space<vmem>>) dst(%dma_wait3A_46 : memref<128x128xf32, #tpu.memory_space<hbm>>)
        tpu.yield
      }) : () -> ()
      "tpu.region"() ({
        %run_scoped3A = tpu.sem_alloc : memref<!tpu.dma_semaphore, #tpu.memory_space<semaphore_mem>>
        %dma_start3A_39 = arith.constant 0 : i32
        %dma_start3A_40 = tpu.memref_slice %arg6[%mul3A_28, %dma_start3A_39] : memref<80000x128xf32, #tpu.memory_space<hbm>> -> memref<128x128xf32, #tpu.memory_space<hbm>>
        %dma_start3A_41 = arith.constant 0 : i32
        %dma_start3A_42 = tpu.memref_slice %arg6[%mul3A_28, %dma_start3A_41] : memref<80000x128xf32, #tpu.memory_space<hbm>> -> memref<128x128xf32, #tpu.memory_space<hbm>>
        tpu.enqueue_dma source(%arg10 : memref<128x128xf32, #tpu.memory_space<vmem>>) target(%dma_start3A_42 : memref<128x128xf32, #tpu.memory_space<hbm>>) target_semaphore(%run_scoped3A : memref<!tpu.dma_semaphore, #tpu.memory_space<semaphore_mem>>)
        %dma_wait3A_43 = arith.constant 0 : i32
        %dma_wait3A_44 = tpu.memref_slice %arg6[%mul3A_28, %dma_wait3A_43] : memref<80000x128xf32, #tpu.memory_space<hbm>> -> memref<128x128xf32, #tpu.memory_space<hbm>>
        %dma_wait3A_45 = arith.constant 0 : i32
        %dma_wait3A_46 = tpu.memref_slice %arg6[%mul3A_28, %dma_wait3A_45] : memref<80000x128xf32, #tpu.memory_space<hbm>> -> memref<128x128xf32, #tpu.memory_space<hbm>>
        tpu.wait_dma2 semaphore(%run_scoped3A : memref<!tpu.dma_semaphore, #tpu.memory_space<semaphore_mem>>) src(%arg10 : memref<128x128xf32, #tpu.memory_space<vmem>>) dst(%dma_wait3A_46 : memref<128x128xf32, #tpu.memory_space<hbm>>)
        tpu.yield
      }) : () -> ()
    }
    %while3A_20 = arith.constant 1 : i32
    scf.for %while3A_21 = %while3A_18 to %while3A_14 step %while3A_20  : i32 {
      %mul3A_22 = arith.muli %while3A_21, %while3A : i32
      %add3A_23 = arith.addi %while3A_11, %mul3A_22 : i32
      %mul3A_24 = arith.constant 32 : i32
      %mul3A_25 = arith.muli %mul3A_24, %add3A_23 : i32
      %add3A_26 = arith.addi %add3A, %mul3A_25 : i32
      %mul3A_27 = arith.constant 128 : i32
      %mul3A_28 = arith.muli %add3A_26, %mul3A_27 : i32
      "tpu.region"() ({
        %run_scoped3A = tpu.sem_alloc : memref<!tpu.dma_semaphore, #tpu.memory_space<semaphore_mem>>
        %dma_start3A_39 = tpu.memref_slice %arg3[%mul3A_28] : memref<80000xi32, #tpu.memory_space<hbm>> -> memref<128xi32, #tpu.memory_space<hbm>>
        %dma_start3A_40 = tpu.memref_slice %arg3[%mul3A_28] : memref<80000xi32, #tpu.memory_space<hbm>> -> memref<128xi32, #tpu.memory_space<hbm>>
        tpu.enqueue_dma source(%dma_start3A_40 : memref<128xi32, #tpu.memory_space<hbm>>) target(%arg7 : memref<128xi32, #tpu.memory_space<vmem>>) target_semaphore(%run_scoped3A : memref<!tpu.dma_semaphore, #tpu.memory_space<semaphore_mem>>)
        %dma_wait3A_41 = tpu.memref_slice %arg3[%mul3A_28] : memref<80000xi32, #tpu.memory_space<hbm>> -> memref<128xi32, #tpu.memory_space<hbm>>
        %dma_wait3A_42 = tpu.memref_slice %arg3[%mul3A_28] : memref<80000xi32, #tpu.memory_space<hbm>> -> memref<128xi32, #tpu.memory_space<hbm>>
        tpu.wait_dma2 semaphore(%run_scoped3A : memref<!tpu.dma_semaphore, #tpu.memory_space<semaphore_mem>>) src(%dma_wait3A_42 : memref<128xi32, #tpu.memory_space<hbm>>) dst(%arg7 : memref<128xi32, #tpu.memory_space<vmem>>)
        tpu.yield
      }) : () -> ()
      "tpu.region"() ({
        %run_scoped3A = tpu.sem_alloc : memref<!tpu.dma_semaphore, #tpu.memory_space<semaphore_mem>>
        %dma_start3A_39 = tpu.memref_slice %arg4[%mul3A_28] : memref<80000xi32, #tpu.memory_space<hbm>> -> memref<128xi32, #tpu.memory_space<hbm>>
        %dma_start3A_40 = tpu.memref_slice %arg4[%mul3A_28] : memref<80000xi32, #tpu.memory_space<hbm>> -> memref<128xi32, #tpu.memory_space<hbm>>
        tpu.enqueue_dma source(%dma_start3A_40 : memref<128xi32, #tpu.memory_space<hbm>>) target(%arg8 : memref<128xi32, #tpu.memory_space<vmem>>) target_semaphore(%run_scoped3A : memref<!tpu.dma_semaphore, #tpu.memory_space<semaphore_mem>>)
        %dma_wait3A_41 = tpu.memref_slice %arg4[%mul3A_28] : memref<80000xi32, #tpu.memory_space<hbm>> -> memref<128xi32, #tpu.memory_space<hbm>>
        %dma_wait3A_42 = tpu.memref_slice %arg4[%mul3A_28] : memref<80000xi32, #tpu.memory_space<hbm>> -> memref<128xi32, #tpu.memory_space<hbm>>
        tpu.wait_dma2 semaphore(%run_scoped3A : memref<!tpu.dma_semaphore, #tpu.memory_space<semaphore_mem>>) src(%dma_wait3A_42 : memref<128xi32, #tpu.memory_space<hbm>>) dst(%arg8 : memref<128xi32, #tpu.memory_space<vmem>>)
        tpu.yield
      }) : () -> ()
      %dma_start3A = arith.constant 0 : i32
      %dma_start3A_29 = arith.constant 0 : i32
      %dma_start3A_30 = tpu.memref_slice %arg2[%dma_start3A, %dma_start3A_29] : memref<10000x128xf32, #tpu.memory_space<hbm>> -> memref<10000x128xf32, #tpu.memory_space<hbm>>
      tpu.enqueue_indirect_dma source(%dma_start3A_30 : memref<10000x128xf32, #tpu.memory_space<hbm>>) target(%arg9 : memref<128x128xf32, #tpu.memory_space<vmem>>) offsets(%arg7 : memref<128xi32, #tpu.memory_space<vmem>>) semaphore(%arg11 : memref<!tpu.dma_semaphore, #tpu.memory_space<semaphore_mem>>)
      %dma_start3A_31 = arith.constant 0 : i32
      %dma_start3A_32 = arith.constant 0 : i32
      %dma_start3A_33 = tpu.memref_slice %arg2[%dma_start3A_31, %dma_start3A_32] : memref<10000x128xf32, #tpu.memory_space<hbm>> -> memref<10000x128xf32, #tpu.memory_space<hbm>>
      tpu.enqueue_indirect_dma source(%dma_start3A_33 : memref<10000x128xf32, #tpu.memory_space<hbm>>) target(%arg10 : memref<128x128xf32, #tpu.memory_space<vmem>>) offsets(%arg8 : memref<128xi32, #tpu.memory_space<vmem>>) semaphore(%arg12 : memref<!tpu.dma_semaphore, #tpu.memory_space<semaphore_mem>>)
      %dma_wait3A = arith.constant 0 : i32
      %dma_wait3A_34 = arith.constant 0 : i32
      %dma_wait3A_35 = tpu.memref_slice %arg2[%dma_wait3A, %dma_wait3A_34] : memref<10000x128xf32, #tpu.memory_space<hbm>> -> memref<10000x128xf32, #tpu.memory_space<hbm>>
      tpu.wait_indirect_dma semaphore(%arg11 : memref<!tpu.dma_semaphore, #tpu.memory_space<semaphore_mem>>) src(%dma_wait3A_35 : memref<10000x128xf32, #tpu.memory_space<hbm>>) dst(%arg9 : memref<128x128xf32, #tpu.memory_space<vmem>>)
      %dma_wait3A_36 = arith.constant 0 : i32
      %dma_wait3A_37 = arith.constant 0 : i32
      %dma_wait3A_38 = tpu.memref_slice %arg2[%dma_wait3A_36, %dma_wait3A_37] : memref<10000x128xf32, #tpu.memory_space<hbm>> -> memref<10000x128xf32, #tpu.memory_space<hbm>>
      tpu.wait_indirect_dma semaphore(%arg12 : memref<!tpu.dma_semaphore, #tpu.memory_space<semaphore_mem>>) src(%dma_wait3A_38 : memref<10000x128xf32, #tpu.memory_space<hbm>>) dst(%arg10 : memref<128x128xf32, #tpu.memory_space<vmem>>)
      "tpu.region"() ({
        %run_scoped3A = tpu.sem_alloc : memref<!tpu.dma_semaphore, #tpu.memory_space<semaphore_mem>>
        %dma_start3A_39 = arith.constant 0 : i32
        %dma_start3A_40 = tpu.memref_slice %arg5[%mul3A_28, %dma_start3A_39] : memref<80000x128xf32, #tpu.memory_space<hbm>> -> memref<128x128xf32, #tpu.memory_space<hbm>>
        %dma_start3A_41 = arith.constant 0 : i32
        %dma_start3A_42 = tpu.memref_slice %arg5[%mul3A_28, %dma_start3A_41] : memref<80000x128xf32, #tpu.memory_space<hbm>> -> memref<128x128xf32, #tpu.memory_space<hbm>>
        tpu.enqueue_dma source(%arg9 : memref<128x128xf32, #tpu.memory_space<vmem>>) target(%dma_start3A_42 : memref<128x128xf32, #tpu.memory_space<hbm>>) target_semaphore(%run_scoped3A : memref<!tpu.dma_semaphore, #tpu.memory_space<semaphore_mem>>)
        %dma_wait3A_43 = arith.constant 0 : i32
        %dma_wait3A_44 = tpu.memref_slice %arg5[%mul3A_28, %dma_wait3A_43] : memref<80000x128xf32, #tpu.memory_space<hbm>> -> memref<128x128xf32, #tpu.memory_space<hbm>>
        %dma_wait3A_45 = arith.constant 0 : i32
        %dma_wait3A_46 = tpu.memref_slice %arg5[%mul3A_28, %dma_wait3A_45] : memref<80000x128xf32, #tpu.memory_space<hbm>> -> memref<128x128xf32, #tpu.memory_space<hbm>>
        tpu.wait_dma2 semaphore(%run_scoped3A : memref<!tpu.dma_semaphore, #tpu.memory_space<semaphore_mem>>) src(%arg9 : memref<128x128xf32, #tpu.memory_space<vmem>>) dst(%dma_wait3A_46 : memref<128x128xf32, #tpu.memory_space<hbm>>)
        tpu.yield
      }) : () -> ()
      "tpu.region"() ({
        %run_scoped3A = tpu.sem_alloc : memref<!tpu.dma_semaphore, #tpu.memory_space<semaphore_mem>>
        %dma_start3A_39 = arith.constant 0 : i32
        %dma_start3A_40 = tpu.memref_slice %arg6[%mul3A_28, %dma_start3A_39] : memref<80000x128xf32, #tpu.memory_space<hbm>> -> memref<128x128xf32, #tpu.memory_space<hbm>>
        %dma_start3A_41 = arith.constant 0 : i32
        %dma_start3A_42 = tpu.memref_slice %arg6[%mul3A_28, %dma_start3A_41] : memref<80000x128xf32, #tpu.memory_space<hbm>> -> memref<128x128xf32, #tpu.memory_space<hbm>>
        tpu.enqueue_dma source(%arg10 : memref<128x128xf32, #tpu.memory_space<vmem>>) target(%dma_start3A_42 : memref<128x128xf32, #tpu.memory_space<hbm>>) target_semaphore(%run_scoped3A : memref<!tpu.dma_semaphore, #tpu.memory_space<semaphore_mem>>)
        %dma_wait3A_43 = arith.constant 0 : i32
        %dma_wait3A_44 = tpu.memref_slice %arg6[%mul3A_28, %dma_wait3A_43] : memref<80000x128xf32, #tpu.memory_space<hbm>> -> memref<128x128xf32, #tpu.memory_space<hbm>>
        %dma_wait3A_45 = arith.constant 0 : i32
        %dma_wait3A_46 = tpu.memref_slice %arg6[%mul3A_28, %dma_wait3A_45] : memref<80000x128xf32, #tpu.memory_space<hbm>> -> memref<128x128xf32, #tpu.memory_space<hbm>>
        tpu.wait_dma2 semaphore(%run_scoped3A : memref<!tpu.dma_semaphore, #tpu.memory_space<semaphore_mem>>) src(%arg10 : memref<128x128xf32, #tpu.memory_space<vmem>>) dst(%dma_wait3A_46 : memref<128x128xf32, #tpu.memory_space<hbm>>)
        tpu.yield
      }) : () -> ()
    }
    return
  }
}

module attributes {stable_mosaic.version = 14 : i64} {
  func.func @_mlp_body(%arg0: i32, %arg1: memref<2000x128xf32, #tpu.memory_space<vmem>>, %arg2: memref<2000x128xf32, #tpu.memory_space<vmem>>, %arg3: memref<2000x128xf32, #tpu.memory_space<vmem>>, %arg4: memref<384x128xf32, #tpu.memory_space<vmem>>, %arg5: memref<1x128xf32, #tpu.memory_space<vmem>>, %arg6: memref<128x384xf32, #tpu.memory_space<vmem>>, %arg7: memref<1x384xf32, #tpu.memory_space<vmem>>, %arg8: memref<2000x128xf32, #tpu.memory_space<vmem>>, %arg9: memref<2000x128xf32, #tpu.memory_space<vmem>>, %arg10: memref<2000x128xf32, #tpu.memory_space<vmem>>) attributes {dimension_semantics = [#tpu.dimension_semantics<arbitrary>], iteration_bounds = array<i64: 40>, scalar_prefetch = 0 : i64, scratch_operands = 0 : i64, tpu.core_type = #tpu.core_type<tc>, window_params = [{transform_indices = @transform_0, window_bounds = array<i64: 2000, 128>}, {transform_indices = @transform_1, window_bounds = array<i64: 2000, 128>}, {transform_indices = @transform_2, window_bounds = array<i64: 2000, 128>}, {pipeline_mode = #tpu.pipeline_mode<synchronous>, transform_indices = @transform_3, window_bounds = array<i64: 384, 128>}, {pipeline_mode = #tpu.pipeline_mode<synchronous>, transform_indices = @transform_4, window_bounds = array<i64: 1, 128>}, {pipeline_mode = #tpu.pipeline_mode<synchronous>, transform_indices = @transform_5, window_bounds = array<i64: 128, 384>}, {pipeline_mode = #tpu.pipeline_mode<synchronous>, transform_indices = @transform_6, window_bounds = array<i64: 1, 384>}, {transform_indices = @transform_7, window_bounds = array<i64: 2000, 128>}, {transform_indices = @transform_8, window_bounds = array<i64: 2000, 128>}, {transform_indices = @transform_9, window_bounds = array<i64: 2000, 128>}]} {
    %get3A = arith.constant 0 : index
    %get3A_0 = arith.constant 0 : index
    %get3A_1 = vector.load %arg1[%get3A, %get3A_0] : memref<2000x128xf32, #tpu.memory_space<vmem>>, vector<2000x128xf32>
    %get3A_2 = arith.constant 0 : index
    %get3A_3 = arith.constant 0 : index
    %get3A_4 = vector.load %arg2[%get3A_2, %get3A_3] : memref<2000x128xf32, #tpu.memory_space<vmem>>, vector<2000x128xf32>
    %get3A_5 = arith.constant 0 : index
    %get3A_6 = arith.constant 0 : index
    %get3A_7 = vector.load %arg3[%get3A_5, %get3A_6] : memref<2000x128xf32, #tpu.memory_space<vmem>>, vector<2000x128xf32>
    %concatenate3A = tpu.concatenate %get3A_1, %get3A_4, %get3A_7 in 1 : vector<2000x128xf32>, vector<2000x128xf32>, vector<2000x128xf32> -> vector<2000x384xf32>
    %get3A_8 = arith.constant 0 : index
    %get3A_9 = arith.constant 0 : index
    %get3A_10 = vector.load %arg4[%get3A_8, %get3A_9] : memref<384x128xf32, #tpu.memory_space<vmem>>, vector<384x128xf32>
    %dot_general3A = arith.constant dense<0.000000e+00> : vector<2000x128xf32>
    %dot_general3A_11 = tpu.matmul %concatenate3A, %get3A_10, %dot_general3A {dimension_numbers = #tpu.dot_dimension_numbers<[1], [0], [0], [1], [0, 0, 1, 1], [], []>, precision = #tpu.contract_precision<fp32>, transpose_lhs_hint = false} : vector<2000x384xf32>, vector<384x128xf32>, vector<2000x128xf32> -> vector<2000x128xf32>
    %get3A_12 = arith.constant 0 : index
    %get3A_13 = arith.constant 0 : index
    %get3A_14 = vector.load %arg5[%get3A_12, %get3A_13] : memref<1x128xf32, #tpu.memory_space<vmem>>, vector<1x128xf32>
    %add3A = vector.broadcast %get3A_14 : vector<1x128xf32> to vector<2000x128xf32>
    %add3A_15 = arith.addf %dot_general3A_11, %add3A : vector<2000x128xf32>
    %max3A = arith.constant 0.000000e+00 : f32
    %max3A_16 = vector.broadcast %max3A : f32 to vector<2000x128xf32>
    %max3A_17 = arith.maximumf %add3A_15, %max3A_16 : vector<2000x128xf32>
    %get3A_18 = arith.constant 0 : index
    %get3A_19 = arith.constant 0 : index
    %get3A_20 = vector.load %arg6[%get3A_18, %get3A_19] : memref<128x384xf32, #tpu.memory_space<vmem>>, vector<128x384xf32>
    %dot_general3A_21 = arith.constant dense<0.000000e+00> : vector<2000x384xf32>
    %dot_general3A_22 = tpu.matmul %max3A_17, %get3A_20, %dot_general3A_21 {dimension_numbers = #tpu.dot_dimension_numbers<[1], [0], [0], [1], [0, 0, 1, 1], [], []>, precision = #tpu.contract_precision<fp32>, transpose_lhs_hint = false} : vector<2000x128xf32>, vector<128x384xf32>, vector<2000x384xf32> -> vector<2000x384xf32>
    %get3A_23 = arith.constant 0 : index
    %get3A_24 = arith.constant 0 : index
    %get3A_25 = vector.load %arg7[%get3A_23, %get3A_24] : memref<1x384xf32, #tpu.memory_space<vmem>>, vector<1x384xf32>
    %add3A_26 = vector.broadcast %get3A_25 : vector<1x384xf32> to vector<2000x384xf32>
    %add3A_27 = arith.addf %dot_general3A_22, %add3A_26 : vector<2000x384xf32>
    %max3A_28 = arith.constant 0.000000e+00 : f32
    %max3A_29 = vector.broadcast %max3A_28 : f32 to vector<2000x384xf32>
    %max3A_30 = arith.maximumf %add3A_27, %max3A_29 : vector<2000x384xf32>
    %slice3A = vector.extract_strided_slice %max3A_30 {offsets = [0, 0], sizes = [2000, 128], strides = [1, 1]} : vector<2000x384xf32> to vector<2000x128xf32>
    %swap3A = arith.constant 0 : index
    %swap3A_31 = arith.constant 0 : index
    %swap3A_32 = vector.load %arg8[%swap3A, %swap3A_31] : memref<2000x128xf32, #tpu.memory_space<vmem>>, vector<2000x128xf32>
    tpu.vector_store %arg8[%swap3A, %swap3A_31], %slice3A {strides = array<i32>} : memref<2000x128xf32, #tpu.memory_space<vmem>>, vector<2000x128xf32>,
    %slice3A_33 = vector.extract_strided_slice %max3A_30 {offsets = [0, 128], sizes = [2000, 128], strides = [1, 1]} : vector<2000x384xf32> to vector<2000x128xf32>
    %swap3A_34 = arith.constant 0 : index
    %swap3A_35 = arith.constant 0 : index
    %swap3A_36 = vector.load %arg9[%swap3A_34, %swap3A_35] : memref<2000x128xf32, #tpu.memory_space<vmem>>, vector<2000x128xf32>
    tpu.vector_store %arg9[%swap3A_34, %swap3A_35], %slice3A_33 {strides = array<i32>} : memref<2000x128xf32, #tpu.memory_space<vmem>>, vector<2000x128xf32>,
    %slice3A_37 = vector.extract_strided_slice %max3A_30 {offsets = [0, 256], sizes = [2000, 128], strides = [1, 1]} : vector<2000x384xf32> to vector<2000x128xf32>
    %swap3A_38 = arith.constant 0 : index
    %swap3A_39 = arith.constant 0 : index
    %swap3A_40 = vector.load %arg10[%swap3A_38, %swap3A_39] : memref<2000x128xf32, #tpu.memory_space<vmem>>, vector<2000x128xf32>
    tpu.vector_store %arg10[%swap3A_38, %swap3A_39], %slice3A_37 {strides = array<i32>} : memref<2000x128xf32, #tpu.memory_space<vmem>>, vector<2000x128xf32>,
    return
  }
  func.func @transform_0(%arg0: i32) -> (i32, i32) {
    %c0_i32 = arith.constant 0 : i32
    %c0_i32_0 = arith.constant 0 : i32
    return %arg0, %c0_i32 : i32, i32
  }
  func.func @transform_1(%arg0: i32) -> (i32, i32) {
    %c0_i32 = arith.constant 0 : i32
    %c0_i32_0 = arith.constant 0 : i32
    return %arg0, %c0_i32 : i32, i32
  }
  func.func @transform_2(%arg0: i32) -> (i32, i32) {
    %c0_i32 = arith.constant 0 : i32
    %c0_i32_0 = arith.constant 0 : i32
    return %arg0, %c0_i32 : i32, i32
  }
  func.func @transform_3(%arg0: i32) -> (i32, i32) {
    %c0_i32 = arith.constant 0 : i32
    %c0_i32_0 = arith.constant 0 : i32
    %c0_i32_1 = arith.constant 0 : i32
    return %c0_i32, %c0_i32_0 : i32, i32
  }
  func.func @transform_4(%arg0: i32) -> (i32, i32) {
    %c0_i32 = arith.constant 0 : i32
    %c0_i32_0 = arith.constant 0 : i32
    %c0_i32_1 = arith.constant 0 : i32
    return %c0_i32, %c0_i32_0 : i32, i32
  }
  func.func @transform_5(%arg0: i32) -> (i32, i32) {
    %c0_i32 = arith.constant 0 : i32
    %c0_i32_0 = arith.constant 0 : i32
    %c0_i32_1 = arith.constant 0 : i32
    return %c0_i32, %c0_i32_0 : i32, i32
  }
  func.func @transform_6(%arg0: i32) -> (i32, i32) {
    %c0_i32 = arith.constant 0 : i32
    %c0_i32_0 = arith.constant 0 : i32
    %c0_i32_1 = arith.constant 0 : i32
    return %c0_i32, %c0_i32_0 : i32, i32
  }
  func.func @transform_7(%arg0: i32) -> (i32, i32) {
    %c0_i32 = arith.constant 0 : i32
    %c0_i32_0 = arith.constant 0 : i32
    return %arg0, %c0_i32 : i32, i32
  }
  func.func @transform_8(%arg0: i32) -> (i32, i32) {
    %c0_i32 = arith.constant 0 : i32
    %c0_i32_0 = arith.constant 0 : i32
    return %arg0, %c0_i32 : i32, i32
  }
  func.func @transform_9(%arg0: i32) -> (i32, i32) {
    %c0_i32 = arith.constant 0 : i32
    %c0_i32_0 = arith.constant 0 : i32
    return %arg0, %c0_i32 : i32, i32
  }
}

module attributes {stable_mosaic.version = 14 : i64} {
  func.func @_final_body(%arg0: i32, %arg1: memref<4x2000x128xf32, #tpu.memory_space<vmem>>, %arg2: memref<1x64x2000xf32, #tpu.memory_space<vmem>>, %arg3: memref<128x128xf32, #tpu.memory_space<vmem>>, %arg4: memref<1x128xf32, #tpu.memory_space<vmem>>, %arg5: memref<128x128xf32, #tpu.memory_space<vmem>>, %arg6: memref<1x128xf32, #tpu.memory_space<vmem>>, %arg7: memref<2000x128xf32, #tpu.memory_space<vmem>>) attributes {dimension_semantics = [#tpu.dimension_semantics<arbitrary>], iteration_bounds = array<i64: 5>, scalar_prefetch = 0 : i64, scratch_operands = 0 : i64, tpu.core_type = #tpu.core_type<tc>, window_params = [{transform_indices = @transform_0, window_bounds = array<i64: 4, 2000, 128>}, {transform_indices = @transform_1, window_bounds = array<i64: 1, 64, 2000>}, {pipeline_mode = #tpu.pipeline_mode<synchronous>, transform_indices = @transform_2, window_bounds = array<i64: 128, 128>}, {pipeline_mode = #tpu.pipeline_mode<synchronous>, transform_indices = @transform_3, window_bounds = array<i64: 1, 128>}, {pipeline_mode = #tpu.pipeline_mode<synchronous>, transform_indices = @transform_4, window_bounds = array<i64: 128, 128>}, {pipeline_mode = #tpu.pipeline_mode<synchronous>, transform_indices = @transform_5, window_bounds = array<i64: 1, 128>}, {transform_indices = @transform_6, window_bounds = array<i64: 2000, 128>}]} {
    %get3A = arith.constant 0 : index
    %get3A_0 = arith.constant 0 : index
    %get3A_1 = arith.constant 0 : index
    %get3A_2 = vector.load %arg1[%get3A, %get3A_0, %get3A_1] : memref<4x2000x128xf32, #tpu.memory_space<vmem>>, vector<4x2000x128xf32>
    %reduce_sum3A = arith.constant dense<0.000000e+00> : vector<2000x128xf32>
    %reduce_sum3A_3 = vector.multi_reduction <add>, %get3A_2, %reduce_sum3A [0] : vector<4x2000x128xf32> to vector<2000x128xf32>
    %get3A_4 = arith.constant 0 : index
    %get3A_5 = arith.constant 0 : index
    %get3A_6 = arith.constant 0 : index
    %get3A_7 = vector.load %arg2[%get3A_4, %get3A_5, %get3A_6] : memref<1x64x2000xf32, #tpu.memory_space<vmem>>, vector<1x64x2000xf32>
    %get3A_8 = vector.shape_cast %get3A_7 : vector<1x64x2000xf32> to vector<64x2000xf32>
    %reduce_sum3A_9 = arith.constant dense<0.000000e+00> : vector<2000xf32>
    %reduce_sum3A_10 = vector.multi_reduction <add>, %get3A_8, %reduce_sum3A_9 [0] : vector<64x2000xf32> to vector<2000xf32>
    %broadcast_in_dim3A = vector.shape_cast %reduce_sum3A_10 : vector<2000xf32> to vector<2000x1xf32>
    %jit3A = arith.constant 1.000000e+00 : f32
    %jit3A_11 = arith.constant 1.000000e+04 : f32
    %max3A = vector.broadcast %jit3A : f32 to vector<2000x1xf32>
    %max3A_12 = arith.maximumf %max3A, %broadcast_in_dim3A : vector<2000x1xf32>
    %min3A = vector.broadcast %jit3A_11 : f32 to vector<2000x1xf32>
    %min3A_13 = arith.minimumf %min3A, %max3A_12 : vector<2000x1xf32>
    %div3A = vector.broadcast %min3A_13 : vector<2000x1xf32> to vector<2000x128xf32>
    %div3A_14 = arith.divf %reduce_sum3A_3, %div3A : vector<2000x128xf32>
    %get3A_15 = arith.constant 0 : index
    %get3A_16 = arith.constant 0 : index
    %get3A_17 = vector.load %arg3[%get3A_15, %get3A_16] : memref<128x128xf32, #tpu.memory_space<vmem>>, vector<128x128xf32>
    %dot_general3A = arith.constant dense<0.000000e+00> : vector<2000x128xf32>
    %dot_general3A_18 = tpu.matmul %div3A_14, %get3A_17, %dot_general3A {dimension_numbers = #tpu.dot_dimension_numbers<[1], [0], [0], [1], [0, 0, 1, 1], [], []>, precision = #tpu.contract_precision<fp32>, transpose_lhs_hint = false} : vector<2000x128xf32>, vector<128x128xf32>, vector<2000x128xf32> -> vector<2000x128xf32>
    %get3A_19 = arith.constant 0 : index
    %get3A_20 = arith.constant 0 : index
    %get3A_21 = vector.load %arg4[%get3A_19, %get3A_20] : memref<1x128xf32, #tpu.memory_space<vmem>>, vector<1x128xf32>
    %add3A = vector.broadcast %get3A_21 : vector<1x128xf32> to vector<2000x128xf32>
    %add3A_22 = arith.addf %dot_general3A_18, %add3A : vector<2000x128xf32>
    %max3A_23 = arith.constant 0.000000e+00 : f32
    %max3A_24 = vector.broadcast %max3A_23 : f32 to vector<2000x128xf32>
    %max3A_25 = arith.maximumf %add3A_22, %max3A_24 : vector<2000x128xf32>
    %get3A_26 = arith.constant 0 : index
    %get3A_27 = arith.constant 0 : index
    %get3A_28 = vector.load %arg5[%get3A_26, %get3A_27] : memref<128x128xf32, #tpu.memory_space<vmem>>, vector<128x128xf32>
    %dot_general3A_29 = arith.constant dense<0.000000e+00> : vector<2000x128xf32>
    %dot_general3A_30 = tpu.matmul %max3A_25, %get3A_28, %dot_general3A_29 {dimension_numbers = #tpu.dot_dimension_numbers<[1], [0], [0], [1], [0, 0, 1, 1], [], []>, precision = #tpu.contract_precision<fp32>, transpose_lhs_hint = false} : vector<2000x128xf32>, vector<128x128xf32>, vector<2000x128xf32> -> vector<2000x128xf32>
    %get3A_31 = arith.constant 0 : index
    %get3A_32 = arith.constant 0 : index
    %get3A_33 = vector.load %arg6[%get3A_31, %get3A_32] : memref<1x128xf32, #tpu.memory_space<vmem>>, vector<1x128xf32>
    %add3A_34 = vector.broadcast %get3A_33 : vector<1x128xf32> to vector<2000x128xf32>
    %add3A_35 = arith.addf %dot_general3A_30, %add3A_34 : vector<2000x128xf32>
    %max3A_36 = arith.constant 0.000000e+00 : f32
    %max3A_37 = vector.broadcast %max3A_36 : f32 to vector<2000x128xf32>
    %max3A_38 = arith.maximumf %add3A_35, %max3A_37 : vector<2000x128xf32>
    %swap3A = arith.constant 0 : index
    %swap3A_39 = arith.constant 0 : index
    %swap3A_40 = vector.load %arg7[%swap3A, %swap3A_39] : memref<2000x128xf32, #tpu.memory_space<vmem>>, vector<2000x128xf32>
    tpu.vector_store %arg7[%swap3A, %swap3A_39], %max3A_38 {strides = array<i32>} : memref<2000x128xf32, #tpu.memory_space<vmem>>, vector<2000x128xf32>,
    return
  }
  func.func @transform_0(%arg0: i32) -> (i32, i32, i32) {
    %c0_i32 = arith.constant 0 : i32
    %c0_i32_0 = arith.constant 0 : i32
    %c0_i32_1 = arith.constant 0 : i32
    return %c0_i32, %arg0, %c0_i32_0 : i32, i32, i32
  }
  func.func @transform_1(%arg0: i32) -> (i32, i32, i32) {
    %c0_i32 = arith.constant 0 : i32
    %c0_i32_0 = arith.constant 0 : i32
    %c0_i32_1 = arith.constant 0 : i32
    return %arg0, %c0_i32, %c0_i32_0 : i32, i32, i32
  }
  func.func @transform_2(%arg0: i32) -> (i32, i32) {
    %c0_i32 = arith.constant 0 : i32
    %c0_i32_0 = arith.constant 0 : i32
    %c0_i32_1 = arith.constant 0 : i32
    return %c0_i32, %c0_i32_0 : i32, i32
  }
  func.func @transform_3(%arg0: i32) -> (i32, i32) {
    %c0_i32 = arith.constant 0 : i32
    %c0_i32_0 = arith.constant 0 : i32
    %c0_i32_1 = arith.constant 0 : i32
    return %c0_i32, %c0_i32_0 : i32, i32
  }
  func.func @transform_4(%arg0: i32) -> (i32, i32) {
    %c0_i32 = arith.constant 0 : i32
    %c0_i32_0 = arith.constant 0 : i32
    %c0_i32_1 = arith.constant 0 : i32
    return %c0_i32, %c0_i32_0 : i32, i32
  }
  func.func @transform_5(%arg0: i32) -> (i32, i32) {
    %c0_i32 = arith.constant 0 : i32
    %c0_i32_0 = arith.constant 0 : i32
    %c0_i32_1 = arith.constant 0 : i32
    return %c0_i32, %c0_i32_0 : i32, i32
  }
  func.func @transform_6(%arg0: i32) -> (i32, i32) {
    %c0_i32 = arith.constant 0 : i32
    %c0_i32_0 = arith.constant 0 : i32
    return %arg0, %c0_i32 : i32, i32
  }
}

</mosaic_0001>

<sc_bundles>
// kernel: kernel.12.cloned.1.call-start
scs
__scs_entry_jumppad:
0x0: {  	(pc) =	sbr.rel $0x88, $3  }
0x1: {  	(tag) =	ssettag $0x0;
	lr =	simm.s32 $0x1  }
0x2: {  	[smem:$0x3F96] =	sst lr;
	_ =	strace $0xD0000000  }
0x3: {  	_ = 	snop  }
0x4: {  	_ = 	snop  }
0x5: {  	_ = 	snop  }
0x6: {  	_ = 	snop  }
0x7: {  	_ = 	snop  }
__scs_overlays_trampoline_lowered:
0x8: {  	[smem:$0x3FA5] =	sst s0  }
0x9: {  	[smem:$0x3FA6] =	sst s1  }
0xa: {  	[smem:$0x3FA7] =	sst s2  }
0xb: {  	[smem:$0x3FA8] =	sst s3  }
0xc: {  	[smem:$0x3FA9] =	sst s4  }
0xd: {  	[smem:$0x3FAA] =	sst s5  }
0xe: {  	[smem:$0x3FAB] =	sst s6  }
0xf: {  	[smem:$0x3FAC] =	sst s7  }
0x10: {  	[smem:$0x3FAD] =	sst s8  }
0x11: {  	[smem:$0x3FAE] =	sst s9;
	s0 =	simm.s32 @!p0 $0x0  }
0x12: {  	s1 =	sld [smem:$0x3F94];
	s0 =	simm.s32 @p0 $0x1  }
0x13: {  	[smem:$0x3FAF] =	sst s0;
	s0 =	simm.s32 @!p1 $0x0  }
0x14: {  	s2 =	sld [smem:$0x3F93];
	s0 =	simm.s32 @p1 $0x1  }
0x15: {  	[smem:$0x3FB0] =	sst s0;
	s0 =	simm.s32 @!p2 $0x0  }
0x16: {  	s3 =	sld [smem:$0x3FDB];
	s0 =	simm.s32 @p2 $0x1  }
0x17: {  	s4 =	simm.s32 $0x1BF5;
	[smem:$0x3FB2] =	sst s0  }
0x18: {  	s0 =	sld [smem:$0x3F95];
	_ =	swait.ge [sflag:s4], $0x0  }
0x19: {  	s7 =	sld [smem:$0x3F96]  }
0x1a: {  	s8 =	sadd.s32 $0xFFFFE003, lr  }
0x1b: {  	s9 =	sadd.s32 $0xFFFFFEF7, lr;
	s5 =	simm.s32 $0xFFFFFFFF;
	p2 =	slt.u32 s8, $0xFFFFF086  }
0x1c: {  	p1 =	slt.u32 s9, $0xF7A;
	s5 =	simm.s32 @!p2 $0x0  }
0x1d: {  	s5 =	simm.s32 @p1 $0x1;
	p0 =	seq.s32 s7, s2  }
0x1e: {  	s7 =	smul.u32 @!p0 $0xF7A, s2;
	p2 =	seq.s32 @!p0 s5, $0x0  }
0x1f: {  	s9 =	smul.u32 $0xF7A, s1;
	s8 =	simm.s32 @!p0 $0x1BF5;
	p2 =	por !p2, p0  }
0x20: {  	[sflag:s8] =	ssyncset.s32 @!p0 $0xFFFFF086;
	s6 =	sadd.s32 @!p0 s3, s7;
	s7 =	simm.s32 @!p0 $0x108  }
0x21: {  	s3 =	sadd.s32 s3, s9;
	s6 =	sadd.s32 @!p0 $0x88, s6;
	s7 =	simm.s32 @p2 $0x1082  }
0x22: {  	[simem:s7], [sflag:s8] =	dma.local @!p0 [hbm:s6], $0xF7A  }
0x23: {  	s9 =	sor.u32 $0xD0000000, s2;
	s6 =	simm.s32 $0x108;
	_ =	swait.ge @!p0 [sflag:s8], $0x0  }
0x24: {  	s3 =	sadd.s32 $0x88, s3;
	s6 =	simm.s32 @!p1 $0x1082;
	[sflag:s4] =	ssyncset.s32 $0xFFFFF086  }
0x25: {  	[simem:s6], [sflag:s4] =	dma.local [hbm:s3], $0xF7A  }
0x26: {  	[smem:$0x3F96] =	sst s1;
	(tag) =	ssettag s2;
	_ =	strace s9  }
0x27: {  	s1 =	sld [smem:$0x3FA6]  }
0x28: {  	s2 =	sld [smem:$0x3FA7]  }
0x29: {  	s4 =	sld [smem:$0x3FA9]  }
0x2a: {  	p0 =	seq.s32 s5, $0x0;
	s5 =	sld [smem:$0x3FAA]  }
0x2b: {  	s6 =	sld [smem:$0x3FAB]  }
0x2c: {  	s7 =	sld [smem:$0x3FAC]  }
0x2d: {  	s3 =	simm.s32 $0x108;
	s8 =	sld [smem:$0x3FAD]  }
0x2e: {  	s3 =	simm.s32 @!p0 $0x1082;
	s9 =	sld [smem:$0x3FAE]  }
0x2f: {  	lr =	sadd.s32 s0, s3;
	s0 =	sld [smem:$0x3FA5]  }
0x30: {  	s3 =	sld [smem:$0x3FA8]  }
0x31: {  	[smem:$0x3FB1] =	sst s10  }
0x32: {  	s10 =	sld [smem:$0x3FAF];
	_ =	sdelay $0x3  }
0x33: {  	p0 =	seq.s32 s10, $0x1;
	s10 =	sld [smem:$0x3FB1];
	_ =	sdelay $0x3  }
0x34: {  	[smem:$0x3FB1] =	sst s10  }
0x35: {  	s10 =	sld [smem:$0x3FB0];
	_ =	sdelay $0x3  }
0x36: {  	p1 =	seq.s32 s10, $0x1;
	s10 =	sld [smem:$0x3FB1];
	_ =	sdelay $0x3  }
0x37: {  	[smem:$0x3FB1] =	sst s10  }
0x38: {  	s10 =	sld [smem:$0x3FB2]  }
0x39: {  	_ = 	snop;
	(pc) =	sbr.ind lr, $3  }
0x3a: {  	_ = 	snop  }
0x3b: {  	_ = 	snop  }
0x3c: {  	p2 =	seq.s32 s10, $0x1;
	s10 =	sld [smem:$0x3FB1]  }
0x3d: {  	_ =	shalt  }
0x3e: {  	_ =	shalt  }
0x3f: {  	_ =	shalt  }
0x40: {  	_ =	shalt  }
0x41: {  	_ =	shalt  }
0x42: {  	_ =	shalt  }
0x43: {  	_ =	shalt  }
0x44: {  	_ =	shalt  }
0x45: {  	_ =	shalt  }
0x46: {  	_ =	shalt  }
0x47: {  	_ =	shalt  }
0x48: {  	_ =	shalt  }
0x49: {  	_ =	shalt  }
0x4a: {  	_ =	shalt  }
0x4b: {  	_ =	shalt  }
0x4c: {  	_ =	shalt  }
0x4d: {  	_ =	shalt  }
0x4e: {  	_ =	shalt  }
0x4f: {  	_ =	shalt  }
0x50: {  	_ =	shalt  }
0x51: {  	_ =	shalt  }
0x52: {  	_ =	shalt  }
0x53: {  	_ =	shalt  }
0x54: {  	_ =	shalt  }
0x55: {  	_ =	shalt  }
0x56: {  	_ =	shalt  }
0x57: {  	_ =	shalt  }
0x58: {  	_ =	shalt  }
0x59: {  	_ =	shalt  }
0x5a: {  	_ =	shalt  }
0x5b: {  	_ =	shalt  }
0x5c: {  	_ =	shalt  }
0x5d: {  	_ =	shalt  }
0x5e: {  	_ =	shalt  }
0x5f: {  	_ =	shalt  }
0x60: {  	_ =	shalt  }
0x61: {  	_ =	shalt  }
0x62: {  	_ =	shalt  }
0x63: {  	_ =	shalt  }
0x64: {  	_ =	shalt  }
0x65: {  	_ =	shalt  }
0x66: {  	_ =	shalt  }
0x67: {  	_ =	shalt  }
0x68: {  	_ =	shalt  }
0x69: {  	_ =	shalt  }
0x6a: {  	_ =	shalt  }
0x6b: {  	_ =	shalt  }
0x6c: {  	_ =	shalt  }
0x6d: {  	_ =	shalt  }
0x6e: {  	_ =	shalt  }
0x6f: {  	_ =	shalt  }
0x70: {  	_ =	shalt  }
0x71: {  	_ =	shalt  }
0x72: {  	_ =	shalt  }
0x73: {  	_ =	shalt  }
0x74: {  	_ =	shalt  }
0x75: {  	_ =	shalt  }
0x76: {  	_ =	shalt  }
0x77: {  	_ =	shalt  }
0x78: {  	_ =	shalt  }
0x79: {  	_ =	shalt  }
0x7a: {  	_ =	shalt  }
0x7b: {  	_ =	shalt  }
0x7c: {  	_ =	shalt  }
0x7d: {  	_ =	shalt  }
0x7e: {  	_ =	shalt  }
0x7f: {  	_ =	shalt  }
0x80: {  	_ =	shalt  }
0x81: {  	_ =	shalt  }
0x82: {  	_ =	shalt  }
0x83: {  	_ =	shalt  }
0x84: {  	_ =	shalt  }
0x85: {  	_ =	shalt  }
0x86: {  	_ =	shalt  }
0x87: {  	_ =	shalt  }
.Lfunc_end0:
.L_simem_size_0:
called_computation.1_lowered:
.L_overlay_start_0:
0x88: {  	s2 =	sld [smem:$0x3FD9]  }
0x89: {  	s3 =	sld [smem:$0x3FFE];
	_ =	sdelay $0x1  }
0x8a: {  	s1 =	srdreg.scid  }
0x8b: {  	s0 =	sand.u32 $0x1, s1  }
0x8c: {  	s15 =	sshll.u32 s0, $0xA;
	s2 =	sadd.s32 s3, s2  }
0x8d: {  	s2 =	sadd.s32 s2, s15  }
0x8e: {  	[smem:$0x3FBD] =	sst s2  }
0x8f: {  	_ = 	snop  }
0x90: {  	s2 =	sld [smem:$0x3FD0];
	_ =	sdelay $0x2  }
0x91: {  	s16 =	simm.s32 $0xB;
	s4 =	simm.s32 $0x10  }
0x92: {  	[smem:s4], [sflag:s16] =	dma.local [hbm:s2], $0x1  }
0x93: {  	_ =	swait.eq [sflag:s16], $0x1  }
0x94: {  	[sflag:s16] =	ssyncset.done $0x0  }
0x95: {  	[sflag:s16] =	ssyncadd.s32 $0xFFFFFFFF  }
0x96: {  	s17 =	sld [smem:$0x10];
	(tm) =	ssettm $0x1  }
0x97: {  	s18 =	sld [smem:$0x3FFB];
	_ =	sdelay $0x3  }
0x98: {  	_ =	strace s18  }
0x99: {  	s2 =	sld [smem:$0x3FFC];
	_ =	sdelay $0x3  }
0x9a: {  	_ =	strace s2  }
0x9b: {  	s2 =	sld [smem:$0x3FFD];
	_ =	sdelay $0x3  }
0x9c: {  	_ =	strace s2  }
0x9d: {  	_ =	strace $0x8FFFFFFF  }
0x9e: {  	s19 =	sld [smem:$0x3FDB];
	_ =	sdelay $0x1  }
0x9f: {  	s20 =	simm.s32 $_scs_section_size  }
0xa0: {  	s5 =	simm.s32 $_size__tile_overlayer_lowered;
	s6 =	simm.s32 $_tile_overlayer_lowered  }
0xa1: {  	s7 =	simm.s32 $0x1BFF;
	s21 =	sshll.u32 s6, $0x1;
	s4 =	sadd.s32 s20, s19  }
0xa2: {  	s22 =	simm.s32 $0x0;
	s5 =	sshll.u32 s5, $0x1;
	s6 =	sadd.s32 s21, s4  }
0xa3: {  	[timem:s22], [sflag:s7] =	dma.local [hbm:s6], s5  }
0xa4: {  	_ =	swait.ge [sflag:s7], s5  }
0xa5: {  	s5 =	ssub.s32 $0x0, s5;
	[sflag:s7] =	ssyncset.done $0x0  }
0xa6: {  	[sflag:s7] =	ssyncadd.s32 s5;
	_ =	sdelay $0x1  }
0xa7: {  	s23 =	simm.s32 $0x1B8B  }
0xa8: {  	_ =	swait.ge [sflag:s23], $0x1  }
0xa9: {  	[sflag:s23] =	ssyncset.done $0x0  }
0xaa: {  	[sflag:s23] =	ssyncadd.s32 $0xFFFFFFFF  }
0xab: {  	s5 =	sld [smem:$0x0]  }
0xac: {  	s6 =	sand.u32 $0xFFFFFFFE, s1  }
0xad: {  	p0 =	sne.s32 s1, s6  }
0xae: {  	s6 =	sshll.u32 @p0 s6, $0xE  }
0xaf: {  	s6 =	sadd.s32 @p0 $0x11B8D, s6;
	s7 =	sshll.u32 @p0 s5, $0x11  }
0xb0: {  	s6 =	sor.u32 @p0 s7, s6  }
0xb1: {  	[sflag:s6] =	ssyncadd.remote.s32 @p0 $0x1;
	_ =	sdelay $0x1  }
0xb2: {  	s6 =	simm.s32 @p0 $0x1B8D  }
0xb3: {  	_ =	swait.eq @p0 [sflag:s6], $0x1  }
0xb4: {  	[sflag:s6] =	ssyncadd.s32 @p0 $0xFFFFFFFF  }
0xb5: {  	s7 =	sshll.u32 @!p0 s1, $0xE  }
0xb6: {  	s7 =	sor.u32 @!p0 $0x4000, s7;
	s6 =	simm.s32 @!p0 $0x1B8D  }
0xb7: {  	s5 =	sshll.u32 @!p0 s5, $0x11;
	s7 =	sadd.s32 @!p0 $0x11B8D, s7;
	_ =	swait.eq @!p0 [sflag:s6], $0x1  }
0xb8: {  	s5 =	sor.u32 @!p0 s5, s7;
	[sflag:s6] =	ssyncadd.s32 @!p0 $0xFFFFFFFF  }
0xb9: {  	s25 =	simm.s32 $0x1B8E;
	s24 =	sld [smem:$0x3FFE];
	[sflag:s5] =	ssyncadd.remote.s32 @!p0 $0x1  }
0xba: {  	s26 =	simm.s32 $execute0_lowered;
	[smem:$0x3FD2] =	sst s25  }
0xbb: {  	s6 =	sshll.u32 s26, $0x1;
	_ =	strace $0x8000004F;
	[dreg:$0x1] =	wrdreg $0xFFFFFFFF  }
0xbc: {  	s28 =	simm.s32 $_size_execute0_lowered;
	s4 =	sadd.s32 s4, s6;
	[dreg:$0x0] =	wrdreg $0x0  }
0xbd: {  	s6 =	sshll.u32 s28, $0x1;
	[dreg:$0x2] =	wrdreg s4  }
0xbe: {  	[dreg:$0x3] =	wrdreg s6  }
0xbf: {  	[dreg:$0x4] =	wrdreg $0xC0  }
0xc0: {  	_ =	task [dreg:s22], $0x5FFFF  }
0xc1: {  	[dreg:$0x1] =	wrdreg $0xFFFFFFFF  }
0xc2: {  	[dreg:$0x0] =	wrdreg $0x60  }
0xc3: {  	[dreg:$0x2] =	wrdreg s24  }
0xc4: {  	[dreg:$0x3] =	wrdreg s17  }
0xc5: {  	[dreg:$0x4] =	wrdreg $0x68000  }
0xc6: {  	[dreg:$0x5] =	wrdreg $0x9  }
0xc7: {  	_ =	task.clear_ibuf [dreg:s22], $0x6FFFF;
	_ =	strace $0x9000004F  }
0xc8: {  	s29 =	simm.s32 $0x9;
	_ =	strace $0x80000051  }
0xc9: {  	_ =	swait.ge [sflag:s29], $0x1  }
0xca: {  	[sflag:s29] =	ssyncadd.s32 $0xFFFFFFFF  }
0xcb: {  	_ =	strace $0x90000051  }
0xcc: {  	_ =	sfence  }
0xcd: {  	s30 =	sld [smem:$0x0];
	_ =	sdelay $0x2  }
0xce: {  	s31 =	sshll.u32 s1, $0xD;
	s1 =	sshrl.u32 s1, $0x2  }
0xcf: {  	s4 =	sand.u32 $0x4000, s31;
	s1 =	sadd.s32 s1, s30  }
0xd0: {  	s0 =	sor.u32 s4, s0;
	s1 =	sshll.u32 s1, $0x11  }
0xd1: {  	s0 =	sor.u32 s1, s0  }
0xd2: {  	s0 =	sadd.s32 $0x8F2B, s0  }
0xd3: {  	[sflag:s0] =	ssyncadd.remote.s32 $0x1  }
0xd4: {  	_ =	sfence.sel $0xFFFF  }
0xd5: {  	[dreg:$0x0] =	wrdreg $0xFFFFFFFF;
	(pc) =	sbr.abs _section_cstart, $3  }
0xd6: {  	[dreg:$0x1] =	wrdreg $0xFFFFFFFF  }
0xd7: {  	_ =	task.clear_ibuf [dreg:s22], $0x2FFFF;
	_ =	strace $0x9FFFFFFF  }
0xd8: {  	(tm) =	ssettm $0x7FFFFFFF  }
0xd9: {  	_ =	shalt  }
tec
execute0_lowered:
.L_overlay_start_1:
0x0: {  	(tag) =	ssettag $0x1  }
0x1: {  	s0 =	rddreg [dreg:$0x0]  }
0x2: {  	s1 =	rddreg [dreg:$0x1]  }
0x3: {  	s2 =	rddreg [dreg:$0x2]  }
0x4: {  	s3 =	srdreg.scid;
	s24 =	stileid.u32  }
0x5: {  	s28 =	simm.s32 $0x14;
	s29 =	simm.s32 $0x0;
	s11 =	sand.u32 $0x1, s3  }
0x6: {  	s3 =	simm.s32 $0x0;
	s4 =	sshll.u32 s24, $0x8;
	s23 =	smul.u32 $0x4E000, s24  }
0x7: {  	s6 =	sshll.u32 s24, $0xC;
	s13 =	smul.u32 $0x13800, s24;
	s25 =	sshll.u32 s24, $0x1  }
0x8: {  	s8 =	sshrl.u32 s24, $0x2;
	s5 =	sshll.u32 s11, $0x7;
	[smem:$0x7FF] =	sst s3  }
0x9: {  	s20 =	sadd.s32 s6, s0;
	s22 =	ssub.s32 $0x2, s11;
	s18 =	smul.u32 $0x13C00, s8  }
0xa: {  	s12 =	sor.u32 s11, s25;
	s30 =	smul.u32 $0x138800, s11;
	s4 =	sor.u32 s5, s4  }
0xb: {  	_ =	strace $0x80000050;
	s7 =	sshrl.u32 s22, $0x1;
	s26 =	sshrl.u32 s23, $0x2  }
0xc: {  	s14 =	sadd.s32 $0x4000, s13;
	s15 =	sadd.s32 $0x8000, s13;
	s16 =	sadd.s32 $0xC000, s13  }
0xd: {  	s17 =	sadd.s32 $0x10000, s13;
	s10 =	sshll.u32 s12, $0x7;
	p0 =	slt.u32 s12, $0x11  }
0xe: {  	s4 =	sshrl.u32 s4, $0x3;
	s19 =	ssub.s32 s22, s7;
	s5 =	sadd.s32 s26, s2  }
0xf: {  	s6 =	sadd.s32 s14, s2;
	s7 =	sadd.s32 s15, s2;
	s8 =	sadd.s32 s16, s2  }
0x10: {  	s9 =	sadd.s32 s17, s2;
	s22 =	sand.u32 $0x380, s10;
	s10 =	sadd.s32 $0x138000, s2  }
0x11: {  	s28 =	simm.s32 @!p0 $0x13;
	s14 =	sadd.s32 s30, s14;
	s15 =	sadd.s32 s30, s15  }
0x12: {  	s25 =	sadd.s32 s30, s16;
	s17 =	sadd.s32 s30, s17;
	s26 =	sshrl.u32 s30, $0x3  }
0x13: {  	p0 =	sne.s32 s24, $0xF;
	s24 =	simm.s32 $0x80;
	s21 =	sadd.s32 s4, s0  }
0x14: {  	s4 =	sadd.s32 $0x4EE800, s0;
	s0 =	sadd.s32 $0x547000, s0;
	s18 =	sor.u32 s18, s22  }
0x15: {  	s23 =	sshrl.u32 s14, $0x3;
	s15 =	sshrl.u32 s15, $0x3;
	s19 =	smax.u32 s19, $0x1  }
0x16: {  	s31 =	sshrl.u32 s18, $0x3;
	s18 =	sadd.s32 s13, s30;
	s14 =	sadd.s32 s0, s23  }
0x17: {  	s15 =	sadd.s32 s0, s15;
	s30 =	sshrl.u32 s17, $0x3;
	s12 =	sadd.s32 s1, s31  }
0x18: {  	s1 =	sshrl.u32 s18, $0x3;
	s18 =	sadd.s32 s0, s26;
	s17 =	sadd.s32 s0, s30  }
0x19: {  	s31 =	sshll.u32 s11, $0xB;
	s26 =	simm.s32 $0x4080;
	s13 =	sadd.s32 s0, s1  }
0x1a: {  	s1 =	sshrl.u32 s25, $0x3;
	s18 =	sadd.s32 $0x27000, s18;
	s11 =	sadd.s32 s31, s20  }
0x1b: {  	s25 =	simm.s32 $0x1;
	s16 =	sadd.s32 s0, s1;
	s1 =	sadd.s32 $0x278800, s21  }
0x1c: {  	v0 =	vimm.f32 $0.0e+00;
	v1 =	vimm.f32 $1.000000000e+00;
	s0 =	sadd.s32 $0x27B000, s21;
	s22 =	sadd.s32 $0x140000, s11;
	s23 =	sadd.s32 $0x9D0800, s11  }
.LBB2_1:
0x1d: {  	s11 =	simm.s32 $0x40;
	s20 =	simm.s32 $0x0  }
.LBB2_2:
0x1e: {  	p1 =	sne.s32 s11, $0x9C00;
	[tilespmem:s20+$0x4080] =	vst v0;
	s20 =	smov.u32 s11;
	s11 =	sadd.s32 $0x40, s11  }
.Ltmp0:
0x1f: {  	(pc) =	sbr.rel @p1 .LBB2_2-.Ltmp0, $2  }
0x20: {  	_ =	sdelay $0x2  }
0x21: {  	s20 =	sshra.s32 s20, $0x2  }
0x22: {  	[tilespmem:s20+$0x4080] =	vst v0  }
0x23: {  	[tilespmem:s24], [sflag:$0x1] =	stream.linear.gather [hbm4b:s4+s3], $0x4000, $0x38;
	[tilespmem:$0x1A080] =	vst v63  }
0x24: {  	_ =	swait.ge [sflag:s25], $0x4000  }
0x25: {  	[sflag:s25] =	ssyncset.done $0x0  }
0x26: {  	[sflag:s25] =	ssyncadd.s32 $0xFFFFC000  }
0x27: {  	[spmem:s5] =	stream.linear.scatter [tilespmem:s24], [sflag:$0x1], $0x4000, $0x38;
	[tilespmem:$0x1A080] =	vst v63  }
0x28: {  	_ =	swait.ge [sflag:s25], $0x4000  }
0x29: {  	[sflag:s25] =	ssyncset.done $0x0  }
0x2a: {  	[sflag:s25] =	ssyncadd.s32 $0xFFFFC000  }
0x2b: {  	[spmem:s6] =	stream.linear.scatter [tilespmem:s24], [sflag:$0x1], $0x4000, $0x38;
	[tilespmem:$0x1A080] =	vst v63  }
0x2c: {  	_ =	swait.ge [sflag:s25], $0x4000  }
0x2d: {  	[sflag:s25] =	ssyncset.done $0x0  }
0x2e: {  	[sflag:s25] =	ssyncadd.s32 $0xFFFFC000  }
0x2f: {  	[spmem:s7] =	stream.linear.scatter [tilespmem:s24], [sflag:$0x1], $0x4000, $0x38;
	[tilespmem:$0x1A080] =	vst v63  }
0x30: {  	_ =	swait.ge [sflag:s25], $0x4000  }
0x31: {  	[sflag:s25] =	ssyncset.done $0x0  }
0x32: {  	[sflag:s25] =	ssyncadd.s32 $0xFFFFC000  }
0x33: {  	[spmem:s8] =	stream.linear.scatter [tilespmem:s24], [sflag:$0x1], $0x4000, $0x38;
	[tilespmem:$0x1A080] =	vst v63  }
0x34: {  	_ =	swait.ge [sflag:s25], $0x4000  }
0x35: {  	[sflag:s25] =	ssyncset.done $0x0  }
0x36: {  	[sflag:s25] =	ssyncadd.s32 $0xFFFFC000  }
0x37: {  	[spmem:s9] =	stream.linear.scatter [tilespmem:s24], [sflag:$0x1], $0x3800, $0x38;
	[tilespmem:$0x1A080] =	vst v63  }
0x38: {  	_ =	swait.ge [sflag:s25], $0x3800  }
0x39: {  	[sflag:s25] =	ssyncset.done $0x0  }
0x3a: {  	s11 =	simm.s32 @!p0 $0x80;
	[sflag:s25] =	ssyncadd.s32 $0xFFFFC800  }
0x3b: {  	[spmem:s10] =	stream.linear.scatter @!p0 [tilespmem:s11], [sflag:$0x1], $0x800, $0x38;
	[tilespmem:$0x1A080] =	vst v63  }
0x3c: {  	s11 =	simm.s32 @!p0 $0x1  }
0x3d: {  	_ =	swait.ge @!p0 [sflag:s11], $0x800  }
0x3e: {  	s30 =	smov.u32 s23;
	[sflag:s11] =	ssyncset.done @!p0 $0x0  }
0x3f: {  	s31 =	smov.u32 s22;
	s21 =	smov.u32 s0;
	[sflag:s11] =	ssyncadd.s32 @!p0 $0xFFFFF800  }
0x40: {  	s20 =	smov.u32 s1;
	s11 =	smov.u32 s28;
	[bflag:$0x0] =	sbarrier.arrive $0xFFFF  }
.LBB2_4:
0x41: {  	[tilespmem:s3], [sflag:$0x1] =	stream.linear.gather [hbm4b:s21+s3], $0x80, $0x38;
	[tilespmem:$0x1A080] =	vst v63  }
0x42: {  	_ =	swait.ge [sflag:s25], $0x80  }
0x43: {  	[sflag:s25] =	ssyncset.done $0x0  }
0x44: {  	[sflag:s25] =	ssyncadd.s32 $0xFFFFFF80  }
0x45: {  	[tilespmem:s24], [sflag:$0x1] =	stream.linear.gather [hbm4b:s31+s3], $0x4000, $0x38;
	[tilespmem:$0x1A080] =	vst v63  }
0x46: {  	_ =	swait.ge [sflag:s25], $0x4000  }
0x47: {  	[sflag:s25] =	ssyncset.done $0x0  }
0x48: {  	[sflag:s25] =	ssyncadd.s32 $0xFFFFC000  }
0x49: {  	[spmem:s2] =	stream.indirect.scatter.add.f32 [tilespmem:s24], [sflag:$0x1], $0x80, s3, s24, $0xb8;
	[tilespmem:$0x1A080] =	vst v63  }
0x4a: {  	_ =	swait.ge [sflag:s25], $0x4000  }
0x4b: {  	[sflag:s25] =	ssyncset.done $0x0  }
0x4c: {  	[sflag:s25] =	ssyncadd.s32 $0xFFFFC000  }
0x4d: {  	v2 =	vld [tilespmem:$0x0];
	_ =	sdelay $0x7  }
0x4e: {  	[tilespmem:v2+s26+$0x0] =	vst.idx.add.f32.msk $0xffff, v1  }
0x4f: {  	v2 =	vld [tilespmem:$0x10];
	_ =	sdelay $0x7  }
0x50: {  	[tilespmem:v2+s26+$0x0] =	vst.idx.add.f32.msk $0xffff, v1  }
0x51: {  	v2 =	vld [tilespmem:$0x20];
	_ =	sdelay $0x7  }
0x52: {  	[tilespmem:v2+s26+$0x0] =	vst.idx.add.f32.msk $0xffff, v1  }
0x53: {  	v2 =	vld [tilespmem:$0x30];
	_ =	sdelay $0x7  }
0x54: {  	[tilespmem:v2+s26+$0x0] =	vst.idx.add.f32.msk $0xffff, v1  }
0x55: {  	v2 =	vld [tilespmem:$0x40];
	_ =	sdelay $0x7  }
0x56: {  	[tilespmem:v2+s26+$0x0] =	vst.idx.add.f32.msk $0xffff, v1  }
0x57: {  	v2 =	vld [tilespmem:$0x50];
	_ =	sdelay $0x7  }
0x58: {  	[tilespmem:v2+s26+$0x0] =	vst.idx.add.f32.msk $0xffff, v1  }
0x59: {  	v2 =	vld [tilespmem:$0x60];
	_ =	sdelay $0x7  }
0x5a: {  	[tilespmem:v2+s26+$0x0] =	vst.idx.add.f32.msk $0xffff, v1  }
0x5b: {  	v2 =	vld [tilespmem:$0x70];
	_ =	sdelay $0x7  }
0x5c: {  	[tilespmem:v2+s26+$0x0] =	vst.idx.add.f32.msk $0xffff, v1  }
0x5d: {  	[tilespmem:s3], [sflag:$0x1] =	stream.linear.gather [hbm4b:s20+s3], $0x80, $0x38;
	[tilespmem:$0x1A080] =	vst v63  }
0x5e: {  	_ =	swait.ge [sflag:s25], $0x80  }
0x5f: {  	[sflag:s25] =	ssyncset.done $0x0  }
0x60: {  	[sflag:s25] =	ssyncadd.s32 $0xFFFFFF80  }
0x61: {  	[tilespmem:s24], [sflag:$0x1] =	stream.linear.gather [hbm4b:s30+s3], $0x4000, $0x38;
	[tilespmem:$0x1A080] =	vst v63  }
0x62: {  	_ =	swait.ge [sflag:s25], $0x4000  }
0x63: {  	[sflag:s25] =	ssyncset.done $0x0  }
0x64: {  	[sflag:s25] =	ssyncadd.s32 $0xFFFFC000  }
0x65: {  	[spmem:s2] =	stream.indirect.scatter.add.f32 [tilespmem:s24], [sflag:$0x1], $0x80, s3, s24, $0xb8;
	[tilespmem:$0x1A080] =	vst v63  }
0x66: {  	_ =	swait.ge [sflag:s25], $0x4000  }
0x67: {  	[sflag:s25] =	ssyncset.done $0x0  }
0x68: {  	[sflag:s25] =	ssyncadd.s32 $0xFFFFC000  }
0x69: {  	v2 =	vld [tilespmem:$0x0];
	_ =	sdelay $0x7  }
0x6a: {  	[tilespmem:v2+s26+$0x0] =	vst.idx.add.f32.msk $0xffff, v1  }
0x6b: {  	v2 =	vld [tilespmem:$0x10];
	_ =	sdelay $0x7  }
0x6c: {  	[tilespmem:v2+s26+$0x0] =	vst.idx.add.f32.msk $0xffff, v1  }
0x6d: {  	v2 =	vld [tilespmem:$0x20];
	_ =	sdelay $0x7  }
0x6e: {  	[tilespmem:v2+s26+$0x0] =	vst.idx.add.f32.msk $0xffff, v1  }
0x6f: {  	v2 =	vld [tilespmem:$0x30];
	_ =	sdelay $0x7  }
0x70: {  	[tilespmem:v2+s26+$0x0] =	vst.idx.add.f32.msk $0xffff, v1  }
0x71: {  	v2 =	vld [tilespmem:$0x40];
	_ =	sdelay $0x7  }
0x72: {  	[tilespmem:v2+s26+$0x0] =	vst.idx.add.f32.msk $0xffff, v1  }
0x73: {  	v2 =	vld [tilespmem:$0x50];
	_ =	sdelay $0x7  }
0x74: {  	[tilespmem:v2+s26+$0x0] =	vst.idx.add.f32.msk $0xffff, v1  }
0x75: {  	v2 =	vld [tilespmem:$0x60];
	_ =	sdelay $0x7  }
0x76: {  	[tilespmem:v2+s26+$0x0] =	vst.idx.add.f32.msk $0xffff, v1  }
0x77: {  	v2 =	vld [tilespmem:$0x70];
	_ =	sdelay $0x2  }
0x78: {  	p1 =	sne.s32 s11, $0x1  }
.Ltmp1:
0x79: {  	_ = 	snop;
	(pc) =	sbr.rel @p1 .LBB2_4-.Ltmp1, $3  }
0x7a: {  	_ =	sdelay $0x1  }
0x7b: {  	s21 =	sadd.s32 $0x200, s21;
	s11 =	sadd.s32 $0xFFFFFFFF, s11  }
0x7c: {  	s31 =	sadd.s32 $0x10000, s31;
	s20 =	sadd.s32 $0x200, s20;
	s30 =	sadd.s32 $0x10000, s30;
	[tilespmem:v2+s26+$0x0] =	vst.idx.add.f32.msk $0xffff, v1  }
0x7d: {  	s11 =	simm.s32 $0x400  }
0x7e: {  	[hbm4b:s12+s24] =	stream.strided.scatter [tilespmem:s26], [sflag:$0x1], $0x2780, s11, s24, $0x38;
	[tilespmem:$0x1A080] =	vst v63  }
0x7f: {  	_ =	swait.ge [sflag:s25], $0x2780  }
0x80: {  	[sflag:s25] =	ssyncset.done $0x0  }
0x81: {  	[sflag:s25] =	ssyncadd.s32 $0xFFFFD880  }
0x82: {  	[bflag:$0x0] =	sbarrier.arrive $0xFFFF  }
0x83: {  	[tilespmem:s24], [sflag:$0x1] =	stream.linear.gather [spmem:s5], $0x4000, $0x38;
	[tilespmem:$0x1A080] =	vst v63  }
0x84: {  	_ =	swait.ge [sflag:s25], $0x4000  }
0x85: {  	[sflag:s25] =	ssyncset.done $0x0  }
0x86: {  	[sflag:s25] =	ssyncadd.s32 $0xFFFFC000  }
0x87: {  	[hbm4b:s13+s3] =	stream.linear.scatter [tilespmem:s24], [sflag:$0x1], $0x4000, $0x38;
	[tilespmem:$0x1A080] =	vst v63  }
0x88: {  	_ =	swait.ge [sflag:s25], $0x4000  }
0x89: {  	[sflag:s25] =	ssyncset.done $0x0  }
0x8a: {  	[sflag:s25] =	ssyncadd.s32 $0xFFFFC000  }
0x8b: {  	[tilespmem:s24], [sflag:$0x1] =	stream.linear.gather [spmem:s6], $0x4000, $0x38;
	[tilespmem:$0x1A080] =	vst v63  }
0x8c: {  	_ =	swait.ge [sflag:s25], $0x4000  }
0x8d: {  	[sflag:s25] =	ssyncset.done $0x0  }
0x8e: {  	[sflag:s25] =	ssyncadd.s32 $0xFFFFC000  }
0x8f: {  	[hbm4b:s14+s3] =	stream.linear.scatter [tilespmem:s24], [sflag:$0x1], $0x4000, $0x38;
	[tilespmem:$0x1A080] =	vst v63  }
0x90: {  	_ =	swait.ge [sflag:s25], $0x4000  }
0x91: {  	[sflag:s25] =	ssyncset.done $0x0  }
0x92: {  	[sflag:s25] =	ssyncadd.s32 $0xFFFFC000  }
0x93: {  	[tilespmem:s24], [sflag:$0x1] =	stream.linear.gather [spmem:s7], $0x4000, $0x38;
	[tilespmem:$0x1A080] =	vst v63  }
0x94: {  	_ =	swait.ge [sflag:s25], $0x4000  }
0x95: {  	[sflag:s25] =	ssyncset.done $0x0  }
0x96: {  	[sflag:s25] =	ssyncadd.s32 $0xFFFFC000  }
0x97: {  	[hbm4b:s15+s3] =	stream.linear.scatter [tilespmem:s24], [sflag:$0x1], $0x4000, $0x38;
	[tilespmem:$0x1A080] =	vst v63  }
0x98: {  	_ =	swait.ge [sflag:s25], $0x4000  }
0x99: {  	[sflag:s25] =	ssyncset.done $0x0  }
0x9a: {  	[sflag:s25] =	ssyncadd.s32 $0xFFFFC000  }
0x9b: {  	[tilespmem:s24], [sflag:$0x1] =	stream.linear.gather [spmem:s8], $0x4000, $0x38;
	[tilespmem:$0x1A080] =	vst v63  }
0x9c: {  	_ =	swait.ge [sflag:s25], $0x4000  }
0x9d: {  	[sflag:s25] =	ssyncset.done $0x0  }
0x9e: {  	[sflag:s25] =	ssyncadd.s32 $0xFFFFC000  }
0x9f: {  	[hbm4b:s16+s3] =	stream.linear.scatter [tilespmem:s24], [sflag:$0x1], $0x4000, $0x38;
	[tilespmem:$0x1A080] =	vst v63  }
0xa0: {  	_ =	swait.ge [sflag:s25], $0x4000  }
0xa1: {  	[sflag:s25] =	ssyncset.done $0x0  }
0xa2: {  	[sflag:s25] =	ssyncadd.s32 $0xFFFFC000  }
0xa3: {  	[tilespmem:s24], [sflag:$0x1] =	stream.linear.gather [spmem:s9], $0x3800, $0x38;
	[tilespmem:$0x1A080] =	vst v63  }
0xa4: {  	_ =	swait.ge [sflag:s25], $0x3800  }
0xa5: {  	[sflag:s25] =	ssyncset.done $0x0  }
0xa6: {  	[sflag:s25] =	ssyncadd.s32 $0xFFFFC800  }
0xa7: {  	[hbm4b:s17+s3] =	stream.linear.scatter [tilespmem:s24], [sflag:$0x1], $0x3800, $0x38;
	[tilespmem:$0x1A080] =	vst v63  }
0xa8: {  	_ =	swait.ge [sflag:s25], $0x3800  }
0xa9: {  	[sflag:s25] =	ssyncset.done $0x0  }
0xaa: {  	s20 =	simm.s32 @!p0 $0x1;
	s11 =	simm.s32 @!p0 $0x80;
	[sflag:s25] =	ssyncadd.s32 $0xFFFFC800  }
0xab: {  	[tilespmem:s11], [sflag:$0x1] =	stream.linear.gather @!p0 [spmem:s10], $0x800, $0x38;
	[tilespmem:$0x1A080] =	vst v63  }
0xac: {  	s29 =	sadd.s32 $0x1, s29;
	_ =	swait.ge @!p0 [sflag:s20], $0x800  }
0xad: {  	p1 =	sne.s32 s29, s19;
	[sflag:s20] =	ssyncset.done @!p0 $0x0  }
.Ltmp2:
0xae: {  	s21 =	simm.s32 @!p0 $0x0;
	[sflag:s20] =	ssyncadd.s32 @!p0 $0xFFFFF800;
	(pc) =	sbr.rel @p1 .LBB2_1-.Ltmp2, $4  }
0xaf: {  	[hbm4b:s18+s21] =	stream.linear.scatter @!p0 [tilespmem:s11], [sflag:$0x1], $0x800, $0x38;
	[tilespmem:$0x1A080] =	vst v63  }
0xb0: {  	_ =	swait.ge @!p0 [sflag:s20], $0x800  }
0xb1: {  	[sflag:s20] =	ssyncset.done @!p0 $0x0  }
0xb2: {  	[sflag:s20] =	ssyncadd.s32 @!p0 $0xFFFFF800  }
0xb3: {  	_ =	sfence.sel $0x180000  }
0xb4: {  	[bflag:$0x0] =	sbarrier.arrive $0xFFFF  }
0xb5: {  	_ =	strace $0x90000050  }
0xb6: {  	s0 =	stileid.u32;
	[bflag:$0x2] =	sbarrier.arrive $0xFFFF  }
0xb7: {  	p0 =	sne.s32 s0, $0x0;
	s0 =	rddreg [dreg:$0x3]  }
0xb8: {  	s0 =	sadd.s32 @!p0 $0x100000, s0  }
0xb9: {  	[sflag:s0] =	ssyncadd.tile.s32 @!p0 $0x1;
	_ =	shalt  }
.Lfunc_end2:
_tile_overlayer_lowered:
.L_overlay_start_2:
0xba: {  	(tag) =	ssettag $0x2  }
0xbb: {  	s0 =	rddreg [dreg:$0x0];
	s2 =	stileid.u32  }
0xbc: {  	s1 =	rddreg [dreg:$0x1];
	p0 =	sne.s32 s2, $0x0  }
0xbd: {  	s3 =	rddreg [dreg:$0x2];
	[bflag:$0x3] =	sbarrier.arrive $0xFFFF;
	s2 =	simm.s32 @!p0 $0x1C01  }
0xbe: {  	[timem:s3], [sflag:s2] =	dma.local @!p0 [hbm:s0], s1  }
0xbf: {  	s0 =	simm.s32 @!p0 $0x1  }
0xc0: {  	_ =	swait.ge @!p0 [sflag:s0], s1  }
0xc1: {  	s1 =	ssub.s32 @!p0 $0x0, s1;
	[sflag:s0] =	ssyncset.done @!p0 $0x0  }
0xc2: {  	[sflag:s0] =	ssyncadd.s32 @!p0 s1  }
0xc3: {  	[bflag:$0x3] =	sbarrier.arrive $0xFFFF  }
0xc4: {  	_ =	shalt  }

// kernel: kernel.15.cloned.1.call-start
scs
__scs_entry_jumppad:
0x0: {  	(pc) =	sbr.rel $0x88, $3  }
0x1: {  	(tag) =	ssettag $0x0;
	lr =	simm.s32 $0x1  }
0x2: {  	[smem:$0x3F96] =	sst lr;
	_ =	strace $0xD0000000  }
0x3: {  	_ = 	snop  }
0x4: {  	_ = 	snop  }
0x5: {  	_ = 	snop  }
0x6: {  	_ = 	snop  }
0x7: {  	_ = 	snop  }
__scs_overlays_trampoline_lowered:
0x8: {  	[smem:$0x3FA5] =	sst s0  }
0x9: {  	[smem:$0x3FA6] =	sst s1  }
0xa: {  	[smem:$0x3FA7] =	sst s2  }
0xb: {  	[smem:$0x3FA8] =	sst s3  }
0xc: {  	[smem:$0x3FA9] =	sst s4  }
0xd: {  	[smem:$0x3FAA] =	sst s5  }
0xe: {  	[smem:$0x3FAB] =	sst s6  }
0xf: {  	[smem:$0x3FAC] =	sst s7  }
0x10: {  	[smem:$0x3FAD] =	sst s8  }
0x11: {  	[smem:$0x3FAE] =	sst s9;
	s0 =	simm.s32 @!p0 $0x0  }
0x12: {  	s1 =	sld [smem:$0x3F94];
	s0 =	simm.s32 @p0 $0x1  }
0x13: {  	[smem:$0x3FAF] =	sst s0;
	s0 =	simm.s32 @!p1 $0x0  }
0x14: {  	s2 =	sld [smem:$0x3F93];
	s0 =	simm.s32 @p1 $0x1  }
0x15: {  	[smem:$0x3FB0] =	sst s0;
	s0 =	simm.s32 @!p2 $0x0  }
0x16: {  	s3 =	sld [smem:$0x3FDB];
	s0 =	simm.s32 @p2 $0x1  }
0x17: {  	s4 =	simm.s32 $0x1BF5;
	[smem:$0x3FB2] =	sst s0  }
0x18: {  	s0 =	sld [smem:$0x3F95];
	_ =	swait.ge [sflag:s4], $0x0  }
0x19: {  	s7 =	sld [smem:$0x3F96]  }
0x1a: {  	s8 =	sadd.s32 $0xFFFFE003, lr  }
0x1b: {  	s9 =	sadd.s32 $0xFFFFFEF7, lr;
	s5 =	simm.s32 $0xFFFFFFFF;
	p2 =	slt.u32 s8, $0xFFFFF086  }
0x1c: {  	p1 =	slt.u32 s9, $0xF7A;
	s5 =	simm.s32 @!p2 $0x0  }
0x1d: {  	s5 =	simm.s32 @p1 $0x1;
	p0 =	seq.s32 s7, s2  }
0x1e: {  	s7 =	smul.u32 @!p0 $0xF7A, s2;
	p2 =	seq.s32 @!p0 s5, $0x0  }
0x1f: {  	s9 =	smul.u32 $0xF7A, s1;
	s8 =	simm.s32 @!p0 $0x1BF5;
	p2 =	por !p2, p0  }
0x20: {  	[sflag:s8] =	ssyncset.s32 @!p0 $0xFFFFF086;
	s6 =	sadd.s32 @!p0 s3, s7;
	s7 =	simm.s32 @!p0 $0x108  }
0x21: {  	s3 =	sadd.s32 s3, s9;
	s6 =	sadd.s32 @!p0 $0x88, s6;
	s7 =	simm.s32 @p2 $0x1082  }
0x22: {  	[simem:s7], [sflag:s8] =	dma.local @!p0 [hbm:s6], $0xF7A  }
0x23: {  	s9 =	sor.u32 $0xD0000000, s2;
	s6 =	simm.s32 $0x108;
	_ =	swait.ge @!p0 [sflag:s8], $0x0  }
0x24: {  	s3 =	sadd.s32 $0x88, s3;
	s6 =	simm.s32 @!p1 $0x1082;
	[sflag:s4] =	ssyncset.s32 $0xFFFFF086  }
0x25: {  	[simem:s6], [sflag:s4] =	dma.local [hbm:s3], $0xF7A  }
0x26: {  	[smem:$0x3F96] =	sst s1;
	(tag) =	ssettag s2;
	_ =	strace s9  }
0x27: {  	s1 =	sld [smem:$0x3FA6]  }
0x28: {  	s2 =	sld [smem:$0x3FA7]  }
0x29: {  	s4 =	sld [smem:$0x3FA9]  }
0x2a: {  	p0 =	seq.s32 s5, $0x0;
	s5 =	sld [smem:$0x3FAA]  }
0x2b: {  	s6 =	sld [smem:$0x3FAB]  }
0x2c: {  	s7 =	sld [smem:$0x3FAC]  }
0x2d: {  	s3 =	simm.s32 $0x108;
	s8 =	sld [smem:$0x3FAD]  }
0x2e: {  	s3 =	simm.s32 @!p0 $0x1082;
	s9 =	sld [smem:$0x3FAE]  }
0x2f: {  	lr =	sadd.s32 s0, s3;
	s0 =	sld [smem:$0x3FA5]  }
0x30: {  	s3 =	sld [smem:$0x3FA8]  }
0x31: {  	[smem:$0x3FB1] =	sst s10  }
0x32: {  	s10 =	sld [smem:$0x3FAF];
	_ =	sdelay $0x3  }
0x33: {  	p0 =	seq.s32 s10, $0x1;
	s10 =	sld [smem:$0x3FB1];
	_ =	sdelay $0x3  }
0x34: {  	[smem:$0x3FB1] =	sst s10  }
0x35: {  	s10 =	sld [smem:$0x3FB0];
	_ =	sdelay $0x3  }
0x36: {  	p1 =	seq.s32 s10, $0x1;
	s10 =	sld [smem:$0x3FB1];
	_ =	sdelay $0x3  }
0x37: {  	[smem:$0x3FB1] =	sst s10  }
0x38: {  	s10 =	sld [smem:$0x3FB2]  }
0x39: {  	_ = 	snop;
	(pc) =	sbr.ind lr, $3  }
0x3a: {  	_ = 	snop  }
0x3b: {  	_ = 	snop  }
0x3c: {  	p2 =	seq.s32 s10, $0x1;
	s10 =	sld [smem:$0x3FB1]  }
0x3d: {  	_ =	shalt  }
0x3e: {  	_ =	shalt  }
0x3f: {  	_ =	shalt  }
0x40: {  	_ =	shalt  }
0x41: {  	_ =	shalt  }
0x42: {  	_ =	shalt  }
0x43: {  	_ =	shalt  }
0x44: {  	_ =	shalt  }
0x45: {  	_ =	shalt  }
0x46: {  	_ =	shalt  }
0x47: {  	_ =	shalt  }
0x48: {  	_ =	shalt  }
0x49: {  	_ =	shalt  }
0x4a: {  	_ =	shalt  }
0x4b: {  	_ =	shalt  }
0x4c: {  	_ =	shalt  }
0x4d: {  	_ =	shalt  }
0x4e: {  	_ =	shalt  }
0x4f: {  	_ =	shalt  }
0x50: {  	_ =	shalt  }
0x51: {  	_ =	shalt  }
0x52: {  	_ =	shalt  }
0x53: {  	_ =	shalt  }
0x54: {  	_ =	shalt  }
0x55: {  	_ =	shalt  }
0x56: {  	_ =	shalt  }
0x57: {  	_ =	shalt  }
0x58: {  	_ =	shalt  }
0x59: {  	_ =	shalt  }
0x5a: {  	_ =	shalt  }
0x5b: {  	_ =	shalt  }
0x5c: {  	_ =	shalt  }
0x5d: {  	_ =	shalt  }
0x5e: {  	_ =	shalt  }
0x5f: {  	_ =	shalt  }
0x60: {  	_ =	shalt  }
0x61: {  	_ =	shalt  }
0x62: {  	_ =	shalt  }
0x63: {  	_ =	shalt  }
0x64: {  	_ =	shalt  }
0x65: {  	_ =	shalt  }
0x66: {  	_ =	shalt  }
0x67: {  	_ =	shalt  }
0x68: {  	_ =	shalt  }
0x69: {  	_ =	shalt  }
0x6a: {  	_ =	shalt  }
0x6b: {  	_ =	shalt  }
0x6c: {  	_ =	shalt  }
0x6d: {  	_ =	shalt  }
0x6e: {  	_ =	shalt  }
0x6f: {  	_ =	shalt  }
0x70: {  	_ =	shalt  }
0x71: {  	_ =	shalt  }
0x72: {  	_ =	shalt  }
0x73: {  	_ =	shalt  }
0x74: {  	_ =	shalt  }
0x75: {  	_ =	shalt  }
0x76: {  	_ =	shalt  }
0x77: {  	_ =	shalt  }
0x78: {  	_ =	shalt  }
0x79: {  	_ =	shalt  }
0x7a: {  	_ =	shalt  }
0x7b: {  	_ =	shalt  }
0x7c: {  	_ =	shalt  }
0x7d: {  	_ =	shalt  }
0x7e: {  	_ =	shalt  }
0x7f: {  	_ =	shalt  }
0x80: {  	_ =	shalt  }
0x81: {  	_ =	shalt  }
0x82: {  	_ =	shalt  }
0x83: {  	_ =	shalt  }
0x84: {  	_ =	shalt  }
0x85: {  	_ =	shalt  }
0x86: {  	_ =	shalt  }
0x87: {  	_ =	shalt  }
.Lfunc_end0:
.L_simem_size_0:
called_computation.2_lowered:
.L_overlay_start_0:
0x88: {  	s2 =	sld [smem:$0x3FD9]  }
0x89: {  	s3 =	sld [smem:$0x3FFE];
	_ =	sdelay $0x1  }
0x8a: {  	s1 =	srdreg.scid  }
0x8b: {  	s0 =	sand.u32 $0x1, s1  }
0x8c: {  	s17 =	sshll.u32 s0, $0xA;
	s2 =	sadd.s32 s3, s2  }
0x8d: {  	s2 =	sadd.s32 s2, s17  }
0x8e: {  	[smem:$0x3FBD] =	sst s2  }
0x8f: {  	_ = 	snop  }
0x90: {  	s2 =	sld [smem:$0x3FC9];
	(tm) =	ssettm $0x1  }
0x91: {  	s18 =	sld [smem:$0x3FFB];
	_ =	sdelay $0x3  }
0x92: {  	_ =	strace s18  }
0x93: {  	s3 =	sld [smem:$0x3FFC];
	_ =	sdelay $0x3  }
0x94: {  	_ =	strace s3  }
0x95: {  	s3 =	sld [smem:$0x3FFD];
	_ =	sdelay $0x3  }
0x96: {  	_ =	strace s3  }
0x97: {  	_ =	strace $0x8FFFFFFF  }
0x98: {  	s19 =	sld [smem:$0x3FDB];
	_ =	sdelay $0x1  }
0x99: {  	s4 =	simm.s32 $_scs_section_size  }
0x9a: {  	s5 =	simm.s32 $_size__tile_overlayer_lowered;
	s6 =	simm.s32 $_tile_overlayer_lowered  }
0x9b: {  	s22 =	simm.s32 $0x1BFF;
	s21 =	sshll.u32 s6, $0x1;
	s3 =	sadd.s32 s4, s19  }
0x9c: {  	s7 =	simm.s32 $0x0;
	s20 =	sshll.u32 s5, $0x1;
	s5 =	sadd.s32 s21, s3  }
0x9d: {  	[timem:s7], [sflag:s22] =	dma.local [hbm:s5], s20  }
0x9e: {  	_ =	swait.ge [sflag:s22], s20  }
0x9f: {  	s4 =	ssub.s32 $0x0, s20;
	[sflag:s22] =	ssyncset.done $0x0  }
0xa0: {  	[sflag:s22] =	ssyncadd.s32 s4;
	_ =	sdelay $0x1  }
0xa1: {  	s23 =	simm.s32 $0x1B8B  }
0xa2: {  	_ =	swait.ge [sflag:s23], $0x1  }
0xa3: {  	[sflag:s23] =	ssyncset.done $0x0  }
0xa4: {  	s25 =	simm.s32 $0x1B8E;
	s24 =	sld [smem:$0x3FFE];
	[sflag:s23] =	ssyncadd.s32 $0xFFFFFFFF  }
0xa5: {  	s26 =	simm.s32 $execute0_lowered;
	[smem:$0x3FD2] =	sst s25  }
0xa6: {  	s5 =	sshll.u32 s26, $0x1;
	_ =	strace $0x80000046;
	[dreg:$0x1] =	wrdreg $0xFFFFFFFF  }
0xa7: {  	s28 =	simm.s32 $_size_execute0_lowered;
	s3 =	sadd.s32 s3, s5;
	[dreg:$0x0] =	wrdreg $0x0  }
0xa8: {  	s5 =	sshll.u32 s28, $0x1;
	[dreg:$0x2] =	wrdreg s3  }
0xa9: {  	[dreg:$0x3] =	wrdreg s5  }
0xaa: {  	[dreg:$0x4] =	wrdreg $0xC0  }
0xab: {  	_ =	task [dreg:s7], $0x5FFFF  }
0xac: {  	[dreg:$0x1] =	wrdreg $0xFFFFFFFF  }
0xad: {  	[dreg:$0x0] =	wrdreg $0x60  }
0xae: {  	[dreg:$0x2] =	wrdreg s2  }
0xaf: {  	[dreg:$0x3] =	wrdreg s24  }
0xb0: {  	[dreg:$0x4] =	wrdreg $0xA  }
0xb1: {  	_ =	task.clear_ibuf [dreg:s7], $0x5FFFF;
	_ =	strace $0x90000046  }
0xb2: {  	s29 =	simm.s32 $0xA;
	_ =	strace $0x80000048  }
0xb3: {  	_ =	swait.ge [sflag:s29], $0x1  }
0xb4: {  	[sflag:s29] =	ssyncadd.s32 $0xFFFFFFFF  }
0xb5: {  	_ =	strace $0x90000048  }
0xb6: {  	_ =	sfence  }
0xb7: {  	s30 =	sld [smem:$0x0];
	_ =	sdelay $0x2  }
0xb8: {  	s31 =	sshll.u32 s1, $0xD;
	s1 =	sshrl.u32 s1, $0x2  }
0xb9: {  	s3 =	sand.u32 $0x4000, s31;
	s1 =	sadd.s32 s1, s30  }
0xba: {  	s0 =	sor.u32 s3, s0;
	s1 =	sshll.u32 s1, $0x11  }
0xbb: {  	s0 =	sor.u32 s1, s0  }
0xbc: {  	s0 =	sadd.s32 $0x8F2B, s0  }
0xbd: {  	[sflag:s0] =	ssyncadd.remote.s32 $0x1  }
0xbe: {  	_ =	sfence.sel $0xFFFF  }
0xbf: {  	[dreg:$0x0] =	wrdreg $0xFFFFFFFF;
	(pc) =	sbr.abs _section_cstart, $3  }
0xc0: {  	[dreg:$0x1] =	wrdreg $0xFFFFFFFF  }
0xc1: {  	_ =	task.clear_ibuf [dreg:s7], $0x2FFFF;
	_ =	strace $0x9FFFFFFF  }
0xc2: {  	(tm) =	ssettm $0x7FFFFFFF  }
0xc3: {  	_ =	shalt  }
tec
execute0_lowered:
.L_overlay_start_1:
0x0: {  	(tag) =	ssettag $0x1  }
0x1: {  	s1 =	srdreg.scid;
	s2 =	rddreg [dreg:$0x0]  }
0x2: {  	s0 =	stileid.u32;
	s4 =	rddreg [dreg:$0x1];
	s3 =	simm.s32 $0x0  }
0x3: {  	s11 =	simm.s32 $0x80;
	s12 =	simm.s32 $0x100;
	s13 =	simm.s32 $0x4100  }
0x4: {  	s14 =	simm.s32 $0x1;
	s15 =	simm.s32 $0x2;
	s16 =	simm.s32 $0x0  }
0x5: {  	s6 =	sand.u32 $0x1, s1;
	s5 =	sshll.u32 s0, $0x8;
	s1 =	rddreg [dreg:$0x2]  }
0x6: {  	[smem:$0x7FF] =	sst s3;
	s26 =	sshll.u32 s0, $0xC;
	s9 =	sshll.u32 s0, $0x1  }
0x7: {  	s7 =	sshll.u32 s6, $0x7;
	_ =	strace $0x80000047;
	s8 =	ssub.s32 $0x2, s6  }
0x8: {  	s10 =	sadd.s32 s26, s4;
	s29 =	sor.u32 s6, s9;
	s30 =	sshll.u32 s6, $0xB  }
0x9: {  	s5 =	sor.u32 s7, s5;
	s28 =	sshrl.u32 s8, $0x1;
	p0 =	slt.u32 s29, $0x11  }
0xa: {  	s31 =	sadd.s32 s30, s10;
	s10 =	simm.s32 $0x3;
	s5 =	sshrl.u32 s5, $0x3  }
0xb: {  	s8 =	ssub.s32 s8, s28;
	s9 =	sadd.s32 $0x140000, s31;
	s25 =	sadd.s32 s5, s4  }
0xc: {  	s4 =	simm.s32 $0x14;
	s5 =	smax.u32 s8, $0x1;
	s8 =	sadd.s32 $0x7800, s31  }
0xd: {  	s4 =	simm.s32 @!p0 $0x13;
	s6 =	sadd.s32 $0x2800, s25;
	s7 =	sadd.s32 $0x5000, s25  }
.LBB2_1:
0xe: {  	[tilespmem:s3], [sflag:$0x3] =	stream.linear.gather [hbm4b:s7+s3], $0x80, $0x38;
	[tilespmem:$0x8100] =	vst v63  }
0xf: {  	_ =	swait.ge [sflag:s10], $0x80  }
0x10: {  	[sflag:s10] =	ssyncset.done $0x0  }
0x11: {  	[sflag:s10] =	ssyncadd.s32 $0xFFFFFF80  }
0x12: {  	[tilespmem:s11], [sflag:$0x3] =	stream.linear.gather [hbm4b:s6+s3], $0x80, $0x38;
	[tilespmem:$0x8100] =	vst v63  }
0x13: {  	_ =	swait.ge [sflag:s10], $0x80  }
0x14: {  	[sflag:s10] =	ssyncset.done $0x0  }
0x15: {  	[sflag:s10] =	ssyncadd.s32 $0xFFFFFF80  }
0x16: {  	[tilespmem:s12], [sflag:$0x1] =	stream.indirect.gather [hbm4b:s2+s11], $0x80, s3, s11, $0xb8;
	[tilespmem:$0x8100] =	vst v63  }
0x17: {  	_ = 	snop  }
0x18: {  	[tilespmem:s13], [sflag:$0x2] =	stream.indirect.gather [hbm4b:s2+s11], $0x80, s11, s11, $0xb8;
	[tilespmem:$0x8100] =	vst v63  }
0x19: {  	_ =	swait.ge [sflag:s14], $0x4000  }
0x1a: {  	[sflag:s14] =	ssyncset.done $0x0  }
0x1b: {  	[sflag:s14] =	ssyncadd.s32 $0xFFFFC000  }
0x1c: {  	_ =	swait.ge [sflag:s15], $0x4000  }
0x1d: {  	[sflag:s15] =	ssyncset.done $0x0  }
0x1e: {  	[sflag:s15] =	ssyncadd.s32 $0xFFFFC000  }
0x1f: {  	[hbm4b:s8+s3] =	stream.linear.scatter [tilespmem:s12], [sflag:$0x3], $0x4000, $0x38;
	[tilespmem:$0x8100] =	vst v63  }
0x20: {  	p0 =	sne.s32 s4, $0x1;
	_ =	swait.ge [sflag:s10], $0x4000  }
.Ltmp0:
0x21: {  	[sflag:s10] =	ssyncset.done $0x0;
	(pc) =	sbr.rel @!p0 .LBB2_3-.Ltmp0, $4  }
0x22: {  	s17 =	sadd.s32 $0xFFFFFFFF, s4;
	[sflag:s10] =	ssyncadd.s32 $0xFFFFC000  }
0x23: {  	[hbm4b:s9+s3] =	stream.linear.scatter [tilespmem:s13], [sflag:$0x3], $0x4000, $0x38;
	[tilespmem:$0x8100] =	vst v63  }
0x24: {  	s18 =	sadd.s32 $0x10000, s8;
	s19 =	sadd.s32 $0x10000, s9;
	_ =	swait.ge [sflag:s10], $0x4000  }
0x25: {  	s20 =	smov.u32 s6;
	s21 =	smov.u32 s7;
	[sflag:s10] =	ssyncset.done $0x0  }
.LBB2_2:
0x26: {  	[sflag:s10] =	ssyncadd.s32 $0xFFFFC000;
	s20 =	sadd.s32 $0x200, s20;
	s21 =	sadd.s32 $0x200, s21  }
0x27: {  	[tilespmem:s3], [sflag:$0x3] =	stream.linear.gather [hbm4b:s21+s3], $0x80, $0x38;
	[tilespmem:$0x8100] =	vst v63  }
0x28: {  	p0 =	sne.s32 s17, $0x1;
	s17 =	sadd.s32 $0xFFFFFFFF, s17;
	_ =	swait.ge [sflag:s10], $0x80  }
0x29: {  	[sflag:s10] =	ssyncset.done $0x0  }
0x2a: {  	[sflag:s10] =	ssyncadd.s32 $0xFFFFFF80  }
0x2b: {  	[tilespmem:s11], [sflag:$0x3] =	stream.linear.gather [hbm4b:s20+s3], $0x80, $0x38;
	[tilespmem:$0x8100] =	vst v63  }
0x2c: {  	_ =	swait.ge [sflag:s10], $0x80  }
0x2d: {  	[sflag:s10] =	ssyncset.done $0x0  }
0x2e: {  	[sflag:s10] =	ssyncadd.s32 $0xFFFFFF80  }
0x2f: {  	[tilespmem:s12], [sflag:$0x1] =	stream.indirect.gather [hbm4b:s2+s11], $0x80, s3, s11, $0xb8;
	[tilespmem:$0x8100] =	vst v63  }
0x30: {  	_ = 	snop  }
0x31: {  	[tilespmem:s13], [sflag:$0x2] =	stream.indirect.gather [hbm4b:s2+s11], $0x80, s11, s11, $0xb8;
	[tilespmem:$0x8100] =	vst v63  }
0x32: {  	_ =	swait.ge [sflag:s14], $0x4000  }
0x33: {  	[sflag:s14] =	ssyncset.done $0x0  }
0x34: {  	[sflag:s14] =	ssyncadd.s32 $0xFFFFC000  }
0x35: {  	_ =	swait.ge [sflag:s15], $0x4000  }
0x36: {  	[sflag:s15] =	ssyncset.done $0x0  }
0x37: {  	[sflag:s15] =	ssyncadd.s32 $0xFFFFC000  }
0x38: {  	[hbm4b:s18+s3] =	stream.linear.scatter [tilespmem:s12], [sflag:$0x3], $0x4000, $0x38;
	[tilespmem:$0x8100] =	vst v63  }
0x39: {  	_ =	swait.ge [sflag:s10], $0x4000  }
.Ltmp1:
0x3a: {  	[sflag:s10] =	ssyncset.done $0x0;
	(pc) =	sbr.rel @p0 .LBB2_2-.Ltmp1, $4  }
0x3b: {  	[sflag:s10] =	ssyncadd.s32 $0xFFFFC000  }
0x3c: {  	[hbm4b:s19+s3] =	stream.linear.scatter [tilespmem:s13], [sflag:$0x3], $0x4000, $0x38;
	[tilespmem:$0x8100] =	vst v63  }
0x3d: {  	_ =	swait.ge [sflag:s10], $0x4000  }
0x3e: {  	s18 =	sadd.s32 $0x10000, s18;
	s19 =	sadd.s32 $0x10000, s19;
	[sflag:s10] =	ssyncset.done $0x0  }
.LBB2_3:
0x3f: {  	s16 =	sadd.s32 $0x1, s16  }
0x40: {  	p0 =	sne.s32 s16, s5  }
.Ltmp2:
0x41: {  	_ = 	snop;
	(pc) =	sbr.rel @p0 .LBB2_1-.Ltmp2, $2  }
0x42: {  	_ =	sdelay $0x2  }
0x43: {  	[sflag:s10] =	ssyncadd.s32 $0xFFFFC000  }
0x44: {  	_ =	sfence.sel $0x180000  }
0x45: {  	[bflag:$0x0] =	sbarrier.arrive $0xFFFF  }
0x46: {  	p0 =	sne.s32 s0, $0x0;
	_ =	strace $0x90000047  }
0x47: {  	s0 =	sadd.s32 @!p0 $0x100000, s1;
	[bflag:$0x2] =	sbarrier.arrive $0xFFFF  }
0x48: {  	[sflag:s0] =	ssyncadd.tile.s32 @!p0 $0x1;
	_ =	shalt  }
.Lfunc_end2:
_tile_overlayer_lowered:
.L_overlay_start_2:
0x49: {  	(tag) =	ssettag $0x2  }
0x4a: {  	s0 =	rddreg [dreg:$0x0];
	s2 =	stileid.u32  }
0x4b: {  	s1 =	rddreg [dreg:$0x1];
	p0 =	sne.s32 s2, $0x0  }
0x4c: {  	s3 =	rddreg [dreg:$0x2];
	[bflag:$0x3] =	sbarrier.arrive $0xFFFF;
	s2 =	simm.s32 @!p0 $0x1C03  }
0x4d: {  	[timem:s3], [sflag:s2] =	dma.local @!p0 [hbm:s0], s1  }
0x4e: {  	s0 =	simm.s32 @!p0 $0x3  }
0x4f: {  	_ =	swait.ge @!p0 [sflag:s0], s1  }
0x50: {  	s1 =	ssub.s32 @!p0 $0x0, s1;
	[sflag:s0] =	ssyncset.done @!p0 $0x0  }
0x51: {  	[sflag:s0] =	ssyncadd.s32 @!p0 s1  }
0x52: {  	[bflag:$0x3] =	sbarrier.arrive $0xFFFF  }
0x53: {  	_ =	shalt  }

// kernel: kernel.18.cloned.1.call-start
scs
__scs_entry_jumppad:
0x0: {  	(pc) =	sbr.rel $0x88, $3  }
0x1: {  	(tag) =	ssettag $0x0;
	lr =	simm.s32 $0x1  }
0x2: {  	[smem:$0x3F96] =	sst lr;
	_ =	strace $0xD0000000  }
0x3: {  	_ = 	snop  }
0x4: {  	_ = 	snop  }
0x5: {  	_ = 	snop  }
0x6: {  	_ = 	snop  }
0x7: {  	_ = 	snop  }
__scs_overlays_trampoline_lowered:
0x8: {  	[smem:$0x3FA5] =	sst s0  }
0x9: {  	[smem:$0x3FA6] =	sst s1  }
0xa: {  	[smem:$0x3FA7] =	sst s2  }
0xb: {  	[smem:$0x3FA8] =	sst s3  }
0xc: {  	[smem:$0x3FA9] =	sst s4  }
0xd: {  	[smem:$0x3FAA] =	sst s5  }
0xe: {  	[smem:$0x3FAB] =	sst s6  }
0xf: {  	[smem:$0x3FAC] =	sst s7  }
0x10: {  	[smem:$0x3FAD] =	sst s8  }
0x11: {  	[smem:$0x3FAE] =	sst s9;
	s0 =	simm.s32 @!p0 $0x0  }
0x12: {  	s1 =	sld [smem:$0x3F94];
	s0 =	simm.s32 @p0 $0x1  }
0x13: {  	[smem:$0x3FAF] =	sst s0;
	s0 =	simm.s32 @!p1 $0x0  }
0x14: {  	s2 =	sld [smem:$0x3F93];
	s0 =	simm.s32 @p1 $0x1  }
0x15: {  	[smem:$0x3FB0] =	sst s0;
	s0 =	simm.s32 @!p2 $0x0  }
0x16: {  	s3 =	sld [smem:$0x3FDB];
	s0 =	simm.s32 @p2 $0x1  }
0x17: {  	s4 =	simm.s32 $0x1BF5;
	[smem:$0x3FB2] =	sst s0  }
0x18: {  	s0 =	sld [smem:$0x3F95];
	_ =	swait.ge [sflag:s4], $0x0  }
0x19: {  	s7 =	sld [smem:$0x3F96]  }
0x1a: {  	s8 =	sadd.s32 $0xFFFFE003, lr  }
0x1b: {  	s9 =	sadd.s32 $0xFFFFFEF7, lr;
	s5 =	simm.s32 $0xFFFFFFFF;
	p2 =	slt.u32 s8, $0xFFFFF086  }
0x1c: {  	p1 =	slt.u32 s9, $0xF7A;
	s5 =	simm.s32 @!p2 $0x0  }
0x1d: {  	s5 =	simm.s32 @p1 $0x1;
	p0 =	seq.s32 s7, s2  }
0x1e: {  	s7 =	smul.u32 @!p0 $0xF7A, s2;
	p2 =	seq.s32 @!p0 s5, $0x0  }
0x1f: {  	s9 =	smul.u32 $0xF7A, s1;
	s8 =	simm.s32 @!p0 $0x1BF5;
	p2 =	por !p2, p0  }
0x20: {  	[sflag:s8] =	ssyncset.s32 @!p0 $0xFFFFF086;
	s6 =	sadd.s32 @!p0 s3, s7;
	s7 =	simm.s32 @!p0 $0x108  }
0x21: {  	s3 =	sadd.s32 s3, s9;
	s6 =	sadd.s32 @!p0 $0x88, s6;
	s7 =	simm.s32 @p2 $0x1082  }
0x22: {  	[simem:s7], [sflag:s8] =	dma.local @!p0 [hbm:s6], $0xF7A  }
0x23: {  	s9 =	sor.u32 $0xD0000000, s2;
	s6 =	simm.s32 $0x108;
	_ =	swait.ge @!p0 [sflag:s8], $0x0  }
0x24: {  	s3 =	sadd.s32 $0x88, s3;
	s6 =	simm.s32 @!p1 $0x1082;
	[sflag:s4] =	ssyncset.s32 $0xFFFFF086  }
0x25: {  	[simem:s6], [sflag:s4] =	dma.local [hbm:s3], $0xF7A  }
0x26: {  	[smem:$0x3F96] =	sst s1;
	(tag) =	ssettag s2;
	_ =	strace s9  }
0x27: {  	s1 =	sld [smem:$0x3FA6]  }
0x28: {  	s2 =	sld [smem:$0x3FA7]  }
0x29: {  	s4 =	sld [smem:$0x3FA9]  }
0x2a: {  	p0 =	seq.s32 s5, $0x0;
	s5 =	sld [smem:$0x3FAA]  }
0x2b: {  	s6 =	sld [smem:$0x3FAB]  }
0x2c: {  	s7 =	sld [smem:$0x3FAC]  }
0x2d: {  	s3 =	simm.s32 $0x108;
	s8 =	sld [smem:$0x3FAD]  }
0x2e: {  	s3 =	simm.s32 @!p0 $0x1082;
	s9 =	sld [smem:$0x3FAE]  }
0x2f: {  	lr =	sadd.s32 s0, s3;
	s0 =	sld [smem:$0x3FA5]  }
0x30: {  	s3 =	sld [smem:$0x3FA8]  }
0x31: {  	[smem:$0x3FB1] =	sst s10  }
0x32: {  	s10 =	sld [smem:$0x3FAF];
	_ =	sdelay $0x3  }
0x33: {  	p0 =	seq.s32 s10, $0x1;
	s10 =	sld [smem:$0x3FB1];
	_ =	sdelay $0x3  }
0x34: {  	[smem:$0x3FB1] =	sst s10  }
0x35: {  	s10 =	sld [smem:$0x3FB0];
	_ =	sdelay $0x3  }
0x36: {  	p1 =	seq.s32 s10, $0x1;
	s10 =	sld [smem:$0x3FB1];
	_ =	sdelay $0x3  }
0x37: {  	[smem:$0x3FB1] =	sst s10  }
0x38: {  	s10 =	sld [smem:$0x3FB2]  }
0x39: {  	_ = 	snop;
	(pc) =	sbr.ind lr, $3  }
0x3a: {  	_ = 	snop  }
0x3b: {  	_ = 	snop  }
0x3c: {  	p2 =	seq.s32 s10, $0x1;
	s10 =	sld [smem:$0x3FB1]  }
0x3d: {  	_ =	shalt  }
0x3e: {  	_ =	shalt  }
0x3f: {  	_ =	shalt  }
0x40: {  	_ =	shalt  }
0x41: {  	_ =	shalt  }
0x42: {  	_ =	shalt  }
0x43: {  	_ =	shalt  }
0x44: {  	_ =	shalt  }
0x45: {  	_ =	shalt  }
0x46: {  	_ =	shalt  }
0x47: {  	_ =	shalt  }
0x48: {  	_ =	shalt  }
0x49: {  	_ =	shalt  }
0x4a: {  	_ =	shalt  }
0x4b: {  	_ =	shalt  }
0x4c: {  	_ =	shalt  }
0x4d: {  	_ =	shalt  }
0x4e: {  	_ =	shalt  }
0x4f: {  	_ =	shalt  }
0x50: {  	_ =	shalt  }
0x51: {  	_ =	shalt  }
0x52: {  	_ =	shalt  }
0x53: {  	_ =	shalt  }
0x54: {  	_ =	shalt  }
0x55: {  	_ =	shalt  }
0x56: {  	_ =	shalt  }
0x57: {  	_ =	shalt  }
0x58: {  	_ =	shalt  }
0x59: {  	_ =	shalt  }
0x5a: {  	_ =	shalt  }
0x5b: {  	_ =	shalt  }
0x5c: {  	_ =	shalt  }
0x5d: {  	_ =	shalt  }
0x5e: {  	_ =	shalt  }
0x5f: {  	_ =	shalt  }
0x60: {  	_ =	shalt  }
0x61: {  	_ =	shalt  }
0x62: {  	_ =	shalt  }
0x63: {  	_ =	shalt  }
0x64: {  	_ =	shalt  }
0x65: {  	_ =	shalt  }
0x66: {  	_ =	shalt  }
0x67: {  	_ =	shalt  }
0x68: {  	_ =	shalt  }
0x69: {  	_ =	shalt  }
0x6a: {  	_ =	shalt  }
0x6b: {  	_ =	shalt  }
0x6c: {  	_ =	shalt  }
0x6d: {  	_ =	shalt  }
0x6e: {  	_ =	shalt  }
0x6f: {  	_ =	shalt  }
0x70: {  	_ =	shalt  }
0x71: {  	_ =	shalt  }
0x72: {  	_ =	shalt  }
0x73: {  	_ =	shalt  }
0x74: {  	_ =	shalt  }
0x75: {  	_ =	shalt  }
0x76: {  	_ =	shalt  }
0x77: {  	_ =	shalt  }
0x78: {  	_ =	shalt  }
0x79: {  	_ =	shalt  }
0x7a: {  	_ =	shalt  }
0x7b: {  	_ =	shalt  }
0x7c: {  	_ =	shalt  }
0x7d: {  	_ =	shalt  }
0x7e: {  	_ =	shalt  }
0x7f: {  	_ =	shalt  }
0x80: {  	_ =	shalt  }
0x81: {  	_ =	shalt  }
0x82: {  	_ =	shalt  }
0x83: {  	_ =	shalt  }
0x84: {  	_ =	shalt  }
0x85: {  	_ =	shalt  }
0x86: {  	_ =	shalt  }
0x87: {  	_ =	shalt  }
.Lfunc_end0:
.L_simem_size_0:
called_computation.3_lowered:
.L_overlay_start_0:
0x88: {  	s2 =	sld [smem:$0x3FD9]  }
0x89: {  	s3 =	sld [smem:$0x3FFE];
	_ =	sdelay $0x1  }
0x8a: {  	s1 =	srdreg.scid  }
0x8b: {  	s0 =	sand.u32 $0x1, s1  }
0x8c: {  	s17 =	sshll.u32 s0, $0xA;
	s2 =	sadd.s32 s3, s2  }
0x8d: {  	s2 =	sadd.s32 s2, s17  }
0x8e: {  	[smem:$0x3FBD] =	sst s2  }
0x8f: {  	_ = 	snop  }
0x90: {  	(tm) =	ssettm $0x1  }
0x91: {  	s18 =	sld [smem:$0x3FFB];
	_ =	sdelay $0x3  }
0x92: {  	_ =	strace s18  }
0x93: {  	s2 =	sld [smem:$0x3FFC];
	_ =	sdelay $0x3  }
0x94: {  	_ =	strace s2  }
0x95: {  	s2 =	sld [smem:$0x3FFD];
	_ =	sdelay $0x3  }
0x96: {  	_ =	strace s2  }
0x97: {  	_ =	strace $0x8FFFFFFF  }
0x98: {  	s19 =	sld [smem:$0x3FDB];
	_ =	sdelay $0x1  }
0x99: {  	s20 =	simm.s32 $_scs_section_size  }
0x9a: {  	s4 =	simm.s32 $_size__tile_overlayer_lowered;
	s5 =	simm.s32 $_tile_overlayer_lowered  }
0x9b: {  	s6 =	simm.s32 $0x1BFF;
	s21 =	sshll.u32 s5, $0x1;
	s3 =	sadd.s32 s20, s19  }
0x9c: {  	s22 =	simm.s32 $0x0;
	s4 =	sshll.u32 s4, $0x1;
	s5 =	sadd.s32 s21, s3  }
0x9d: {  	[timem:s22], [sflag:s6] =	dma.local [hbm:s5], s4  }
0x9e: {  	_ =	swait.ge [sflag:s6], s4  }
0x9f: {  	s4 =	ssub.s32 $0x0, s4;
	[sflag:s6] =	ssyncset.done $0x0  }
0xa0: {  	[sflag:s6] =	ssyncadd.s32 s4;
	_ =	sdelay $0x1  }
0xa1: {  	s23 =	simm.s32 $0x1B8B  }
0xa2: {  	_ =	swait.ge [sflag:s23], $0x1  }
0xa3: {  	[sflag:s23] =	ssyncset.done $0x0  }
0xa4: {  	[sflag:s23] =	ssyncadd.s32 $0xFFFFFFFF  }
0xa5: {  	s4 =	sld [smem:$0x0]  }
0xa6: {  	s5 =	sand.u32 $0xFFFFFFFE, s1  }
0xa7: {  	p0 =	sne.s32 s1, s5  }
0xa8: {  	s5 =	sshll.u32 @p0 s5, $0xE  }
0xa9: {  	s5 =	sadd.s32 @p0 $0x11B8D, s5;
	s6 =	sshll.u32 @p0 s4, $0x11  }
0xaa: {  	s5 =	sor.u32 @p0 s6, s5  }
0xab: {  	[sflag:s5] =	ssyncadd.remote.s32 @p0 $0x1;
	_ =	sdelay $0x1  }
0xac: {  	s5 =	simm.s32 @p0 $0x1B8D  }
0xad: {  	_ =	swait.eq @p0 [sflag:s5], $0x1  }
0xae: {  	[sflag:s5] =	ssyncadd.s32 @p0 $0xFFFFFFFF  }
0xaf: {  	s6 =	sshll.u32 @!p0 s1, $0xE  }
0xb0: {  	s6 =	sor.u32 @!p0 $0x4000, s6;
	s5 =	simm.s32 @!p0 $0x1B8D  }
0xb1: {  	s4 =	sshll.u32 @!p0 s4, $0x11;
	s6 =	sadd.s32 @!p0 $0x11B8D, s6;
	_ =	swait.eq @!p0 [sflag:s5], $0x1  }
0xb2: {  	s4 =	sor.u32 @!p0 s4, s6;
	[sflag:s5] =	ssyncadd.s32 @!p0 $0xFFFFFFFF  }
0xb3: {  	s25 =	simm.s32 $0x1B8E;
	s24 =	sld [smem:$0x3FFE];
	[sflag:s4] =	ssyncadd.remote.s32 @!p0 $0x1  }
0xb4: {  	s26 =	simm.s32 $execute0_lowered;
	[smem:$0x3FD2] =	sst s25  }
0xb5: {  	s5 =	sshll.u32 s26, $0x1;
	_ =	strace $0x8000004C;
	[dreg:$0x1] =	wrdreg $0xFFFFFFFF  }
0xb6: {  	s28 =	simm.s32 $_size_execute0_lowered;
	s3 =	sadd.s32 s3, s5;
	[dreg:$0x0] =	wrdreg $0x0  }
0xb7: {  	s5 =	sshll.u32 s28, $0x1;
	[dreg:$0x2] =	wrdreg s3  }
0xb8: {  	[dreg:$0x3] =	wrdreg s5  }
0xb9: {  	[dreg:$0x4] =	wrdreg $0xC0  }
0xba: {  	_ =	task [dreg:s22], $0x5FFFF  }
0xbb: {  	[dreg:$0x1] =	wrdreg $0xFFFFFFFF  }
0xbc: {  	[dreg:$0x0] =	wrdreg $0x60  }
0xbd: {  	[dreg:$0x2] =	wrdreg s24  }
0xbe: {  	[dreg:$0x3] =	wrdreg $0x68000  }
0xbf: {  	[dreg:$0x4] =	wrdreg $0xA  }
0xc0: {  	_ =	task.clear_ibuf [dreg:s22], $0x5FFFF;
	_ =	strace $0x9000004C  }
0xc1: {  	s29 =	simm.s32 $0xA;
	_ =	strace $0x8000004E  }
0xc2: {  	_ =	swait.ge [sflag:s29], $0x1  }
0xc3: {  	[sflag:s29] =	ssyncadd.s32 $0xFFFFFFFF  }
0xc4: {  	_ =	strace $0x9000004E  }
0xc5: {  	_ =	sfence  }
0xc6: {  	s30 =	sld [smem:$0x0];
	_ =	sdelay $0x2  }
0xc7: {  	s31 =	sshll.u32 s1, $0xD;
	s1 =	sshrl.u32 s1, $0x2  }
0xc8: {  	s4 =	sand.u32 $0x4000, s31;
	s1 =	sadd.s32 s1, s30  }
0xc9: {  	s0 =	sor.u32 s4, s0;
	s1 =	sshll.u32 s1, $0x11  }
0xca: {  	s0 =	sor.u32 s1, s0  }
0xcb: {  	s0 =	sadd.s32 $0x8F2B, s0  }
0xcc: {  	[sflag:s0] =	ssyncadd.remote.s32 $0x1  }
0xcd: {  	_ =	sfence.sel $0xFFFF  }
0xce: {  	[dreg:$0x0] =	wrdreg $0xFFFFFFFF;
	(pc) =	sbr.abs _section_cstart, $3  }
0xcf: {  	[dreg:$0x1] =	wrdreg $0xFFFFFFFF  }
0xd0: {  	_ =	task.clear_ibuf [dreg:s22], $0x2FFFF;
	_ =	strace $0x9FFFFFFF  }
0xd1: {  	(tm) =	ssettm $0x7FFFFFFF  }
tec
execute0_lowered:
.L_overlay_start_1:
0x0: {  	(tag) =	ssettag $0x1  }
0x1: {  	s0 =	rddreg [dreg:$0x0]  }
0x2: {  	s2 =	rddreg [dreg:$0x1]  }
0x3: {  	s3 =	simm.s32 $0x0;
	s24 =	stileid.u32;
	s1 =	srdreg.scid  }
0x4: {  	s28 =	simm.s32 $0x14;
	s29 =	simm.s32 $0x0;
	[smem:$0x7FF] =	sst s3  }
0x5: {  	s4 =	sshll.u32 s24, $0xC;
	s1 =	sand.u32 $0x1, s1;
	s5 =	sshll.u32 s24, $0x8  }
0x6: {  	s7 =	sshll.u32 s24, $0x1;
	s16 =	sshrl.u32 s24, $0x2;
	s18 =	smul.u32 $0x4E000, s24  }
0x7: {  	s13 =	smul.u32 $0x13800, s24;
	s10 =	sadd.s32 $0x138000, s2;
	_ =	strace $0x8000004D  }
0x8: {  	s6 =	sshll.u32 s1, $0x7;
	s11 =	sor.u32 s1, s7;
	s20 =	sadd.s32 s4, s0  }
0x9: {  	s4 =	sadd.s32 $0x4EE800, s0;
	s22 =	ssub.s32 $0x2, s1;
	s5 =	sor.u32 s6, s5  }
0xa: {  	s7 =	sshll.u32 s11, $0x7;
	s6 =	smul.u32 $0x13C00, s16;
	s23 =	sshrl.u32 s22, $0x1  }
0xb: {  	s25 =	sshrl.u32 s18, $0x2;
	s14 =	sadd.s32 $0x4000, s13;
	s15 =	sadd.s32 $0x8000, s13  }
0xc: {  	s16 =	sadd.s32 $0xC000, s13;
	s18 =	sadd.s32 $0x10000, s13;
	p0 =	slt.u32 s11, $0x11  }
0xd: {  	s5 =	sshrl.u32 s5, $0x3;
	s17 =	sand.u32 $0x380, s7;
	s19 =	ssub.s32 s22, s23  }
0xe: {  	s7 =	sadd.s32 s15, s2;
	s8 =	sadd.s32 s16, s2;
	s9 =	sadd.s32 s18, s2  }
0xf: {  	s22 =	smul.u32 $0x138800, s1;
	s28 =	simm.s32 @!p0 $0x13;
	p0 =	sne.s32 s24, $0xF  }
0x10: {  	s24 =	simm.s32 $0x80;
	s21 =	sadd.s32 s5, s0;
	s5 =	sor.u32 s6, s17  }
0x11: {  	s17 =	sadd.s32 $0x4F8E00, s0;
	s6 =	sadd.s32 s14, s2;
	s19 =	smax.u32 s19, $0x1  }
0x12: {  	s5 =	sshrl.u32 s5, $0x3;
	s26 =	sadd.s32 s13, s22;
	s30 =	sadd.s32 s22, s14  }
0x13: {  	s31 =	sadd.s32 s22, s15;
	s16 =	sadd.s32 s22, s16;
	s18 =	sadd.s32 s22, s18  }
0x14: {  	s23 =	sshrl.u32 s22, $0x3;
	s0 =	sadd.s32 s5, s0;
	s5 =	sadd.s32 s25, s2  }
0x15: {  	s11 =	sshrl.u32 s30, $0x3;
	s15 =	sshrl.u32 s31, $0x3;
	s25 =	sshrl.u32 s18, $0x3  }
0x16: {  	s30 =	sshll.u32 s1, $0xB;
	s1 =	sadd.s32 $0x2800, s21;
	s12 =	sadd.s32 $0x4EF000, s0  }
0x17: {  	s0 =	sshrl.u32 s26, $0x3;
	s14 =	sadd.s32 s17, s11;
	s15 =	sadd.s32 s17, s15  }
0x18: {  	s26 =	sadd.s32 s17, s23;
	s31 =	sadd.s32 s30, s20;
	s13 =	sadd.s32 s17, s0  }
0x19: {  	s0 =	sshrl.u32 s16, $0x3;
	s18 =	sadd.s32 $0x27000, s26;
	s22 =	sadd.s32 $0x75F800, s31  }
0x1a: {  	s23 =	sadd.s32 $0x898000, s31;
	s26 =	simm.s32 $0x4080;
	s16 =	sadd.s32 s17, s0  }
0x1b: {  	v0 =	vimm.f32 $0.0e+00;
	v1 =	vimm.f32 $1.000000000e+00;
	s17 =	sadd.s32 s17, s25;
	s0 =	sadd.s32 $0x5000, s21;
	s25 =	simm.s32 $0x1  }
.LBB2_1:
0x1c: {  	s11 =	simm.s32 $0x40;
	s20 =	simm.s32 $0x0  }
.LBB2_2:
0x1d: {  	p1 =	sne.s32 s11, $0x9C00;
	[tilespmem:s20+$0x4080] =	vst v0;
	s20 =	smov.u32 s11;
	s11 =	sadd.s32 $0x40, s11  }
.Ltmp0:
0x1e: {  	(pc) =	sbr.rel @p1 .LBB2_2-.Ltmp0, $2  }
0x1f: {  	_ =	sdelay $0x2  }
0x20: {  	s20 =	sshra.s32 s20, $0x2  }
0x21: {  	[tilespmem:s20+$0x4080] =	vst v0  }
0x22: {  	[tilespmem:s24], [sflag:$0x1] =	stream.linear.gather [hbm4b:s4+s3], $0x4000, $0x38;
	[tilespmem:$0x1A080] =	vst v63  }
0x23: {  	_ =	swait.ge [sflag:s25], $0x4000  }
0x24: {  	[sflag:s25] =	ssyncset.done $0x0  }
0x25: {  	[sflag:s25] =	ssyncadd.s32 $0xFFFFC000  }
0x26: {  	[spmem:s5] =	stream.linear.scatter [tilespmem:s24], [sflag:$0x1], $0x4000, $0x38;
	[tilespmem:$0x1A080] =	vst v63  }
0x27: {  	_ =	swait.ge [sflag:s25], $0x4000  }
0x28: {  	[sflag:s25] =	ssyncset.done $0x0  }
0x29: {  	[sflag:s25] =	ssyncadd.s32 $0xFFFFC000  }
0x2a: {  	[spmem:s6] =	stream.linear.scatter [tilespmem:s24], [sflag:$0x1], $0x4000, $0x38;
	[tilespmem:$0x1A080] =	vst v63  }
0x2b: {  	_ =	swait.ge [sflag:s25], $0x4000  }
0x2c: {  	[sflag:s25] =	ssyncset.done $0x0  }
0x2d: {  	[sflag:s25] =	ssyncadd.s32 $0xFFFFC000  }
0x2e: {  	[spmem:s7] =	stream.linear.scatter [tilespmem:s24], [sflag:$0x1], $0x4000, $0x38;
	[tilespmem:$0x1A080] =	vst v63  }
0x2f: {  	_ =	swait.ge [sflag:s25], $0x4000  }
0x30: {  	[sflag:s25] =	ssyncset.done $0x0  }
0x31: {  	[sflag:s25] =	ssyncadd.s32 $0xFFFFC000  }
0x32: {  	[spmem:s8] =	stream.linear.scatter [tilespmem:s24], [sflag:$0x1], $0x4000, $0x38;
	[tilespmem:$0x1A080] =	vst v63  }
0x33: {  	_ =	swait.ge [sflag:s25], $0x4000  }
0x34: {  	[sflag:s25] =	ssyncset.done $0x0  }
0x35: {  	[sflag:s25] =	ssyncadd.s32 $0xFFFFC000  }
0x36: {  	[spmem:s9] =	stream.linear.scatter [tilespmem:s24], [sflag:$0x1], $0x3800, $0x38;
	[tilespmem:$0x1A080] =	vst v63  }
0x37: {  	_ =	swait.ge [sflag:s25], $0x3800  }
0x38: {  	[sflag:s25] =	ssyncset.done $0x0  }
0x39: {  	s11 =	simm.s32 @!p0 $0x80;
	[sflag:s25] =	ssyncadd.s32 $0xFFFFC800  }
0x3a: {  	[spmem:s10] =	stream.linear.scatter @!p0 [tilespmem:s11], [sflag:$0x1], $0x800, $0x38;
	[tilespmem:$0x1A080] =	vst v63  }
0x3b: {  	s11 =	simm.s32 @!p0 $0x1  }
0x3c: {  	_ =	swait.ge @!p0 [sflag:s11], $0x800  }
0x3d: {  	s30 =	smov.u32 s23;
	[sflag:s11] =	ssyncset.done @!p0 $0x0  }
0x3e: {  	s31 =	smov.u32 s22;
	s21 =	smov.u32 s0;
	[sflag:s11] =	ssyncadd.s32 @!p0 $0xFFFFF800  }
0x3f: {  	s20 =	smov.u32 s1;
	s11 =	smov.u32 s28;
	[bflag:$0x0] =	sbarrier.arrive $0xFFFF  }
.LBB2_4:
0x40: {  	[tilespmem:s3], [sflag:$0x1] =	stream.linear.gather [hbm4b:s21+s3], $0x80, $0x38;
	[tilespmem:$0x1A080] =	vst v63  }
0x41: {  	_ =	swait.ge [sflag:s25], $0x80  }
0x42: {  	[sflag:s25] =	ssyncset.done $0x0  }
0x43: {  	[sflag:s25] =	ssyncadd.s32 $0xFFFFFF80  }
0x44: {  	[tilespmem:s24], [sflag:$0x1] =	stream.linear.gather [hbm4b:s31+s3], $0x4000, $0x38;
	[tilespmem:$0x1A080] =	vst v63  }
0x45: {  	_ =	swait.ge [sflag:s25], $0x4000  }
0x46: {  	[sflag:s25] =	ssyncset.done $0x0  }
0x47: {  	[sflag:s25] =	ssyncadd.s32 $0xFFFFC000  }
0x48: {  	[spmem:s2] =	stream.indirect.scatter.add.f32 [tilespmem:s24], [sflag:$0x1], $0x80, s3, s24, $0xb8;
	[tilespmem:$0x1A080] =	vst v63  }
0x49: {  	_ =	swait.ge [sflag:s25], $0x4000  }
0x4a: {  	[sflag:s25] =	ssyncset.done $0x0  }
0x4b: {  	[sflag:s25] =	ssyncadd.s32 $0xFFFFC000  }
0x4c: {  	v2 =	vld [tilespmem:$0x0];
	_ =	sdelay $0x7  }
0x4d: {  	[tilespmem:v2+s26+$0x0] =	vst.idx.add.f32.msk $0xffff, v1  }
0x4e: {  	v2 =	vld [tilespmem:$0x10];
	_ =	sdelay $0x7  }
0x4f: {  	[tilespmem:v2+s26+$0x0] =	vst.idx.add.f32.msk $0xffff, v1  }
0x50: {  	v2 =	vld [tilespmem:$0x20];
	_ =	sdelay $0x7  }
0x51: {  	[tilespmem:v2+s26+$0x0] =	vst.idx.add.f32.msk $0xffff, v1  }
0x52: {  	v2 =	vld [tilespmem:$0x30];
	_ =	sdelay $0x7  }
0x53: {  	[tilespmem:v2+s26+$0x0] =	vst.idx.add.f32.msk $0xffff, v1  }
0x54: {  	v2 =	vld [tilespmem:$0x40];
	_ =	sdelay $0x7  }
0x55: {  	[tilespmem:v2+s26+$0x0] =	vst.idx.add.f32.msk $0xffff, v1  }
0x56: {  	v2 =	vld [tilespmem:$0x50];
	_ =	sdelay $0x7  }
0x57: {  	[tilespmem:v2+s26+$0x0] =	vst.idx.add.f32.msk $0xffff, v1  }
0x58: {  	v2 =	vld [tilespmem:$0x60];
	_ =	sdelay $0x7  }
0x59: {  	[tilespmem:v2+s26+$0x0] =	vst.idx.add.f32.msk $0xffff, v1  }
0x5a: {  	v2 =	vld [tilespmem:$0x70];
	_ =	sdelay $0x7  }
0x5b: {  	[tilespmem:v2+s26+$0x0] =	vst.idx.add.f32.msk $0xffff, v1  }
0x5c: {  	[tilespmem:s3], [sflag:$0x1] =	stream.linear.gather [hbm4b:s20+s3], $0x80, $0x38;
	[tilespmem:$0x1A080] =	vst v63  }
0x5d: {  	_ =	swait.ge [sflag:s25], $0x80  }
0x5e: {  	[sflag:s25] =	ssyncset.done $0x0  }
0x5f: {  	[sflag:s25] =	ssyncadd.s32 $0xFFFFFF80  }
0x60: {  	[tilespmem:s24], [sflag:$0x1] =	stream.linear.gather [hbm4b:s30+s3], $0x4000, $0x38;
	[tilespmem:$0x1A080] =	vst v63  }
0x61: {  	_ =	swait.ge [sflag:s25], $0x4000  }
0x62: {  	[sflag:s25] =	ssyncset.done $0x0  }
0x63: {  	[sflag:s25] =	ssyncadd.s32 $0xFFFFC000  }
0x64: {  	[spmem:s2] =	stream.indirect.scatter.add.f32 [tilespmem:s24], [sflag:$0x1], $0x80, s3, s24, $0xb8;
	[tilespmem:$0x1A080] =	vst v63  }
0x65: {  	_ =	swait.ge [sflag:s25], $0x4000  }
0x66: {  	[sflag:s25] =	ssyncset.done $0x0  }
0x67: {  	[sflag:s25] =	ssyncadd.s32 $0xFFFFC000  }
0x68: {  	v2 =	vld [tilespmem:$0x0];
	_ =	sdelay $0x7  }
0x69: {  	[tilespmem:v2+s26+$0x0] =	vst.idx.add.f32.msk $0xffff, v1  }
0x6a: {  	v2 =	vld [tilespmem:$0x10];
	_ =	sdelay $0x7  }
0x6b: {  	[tilespmem:v2+s26+$0x0] =	vst.idx.add.f32.msk $0xffff, v1  }
0x6c: {  	v2 =	vld [tilespmem:$0x20];
	_ =	sdelay $0x7  }
0x6d: {  	[tilespmem:v2+s26+$0x0] =	vst.idx.add.f32.msk $0xffff, v1  }
0x6e: {  	v2 =	vld [tilespmem:$0x30];
	_ =	sdelay $0x7  }
0x6f: {  	[tilespmem:v2+s26+$0x0] =	vst.idx.add.f32.msk $0xffff, v1  }
0x70: {  	v2 =	vld [tilespmem:$0x40];
	_ =	sdelay $0x7  }
0x71: {  	[tilespmem:v2+s26+$0x0] =	vst.idx.add.f32.msk $0xffff, v1  }
0x72: {  	v2 =	vld [tilespmem:$0x50];
	_ =	sdelay $0x7  }
0x73: {  	[tilespmem:v2+s26+$0x0] =	vst.idx.add.f32.msk $0xffff, v1  }
0x74: {  	v2 =	vld [tilespmem:$0x60];
	_ =	sdelay $0x7  }
0x75: {  	[tilespmem:v2+s26+$0x0] =	vst.idx.add.f32.msk $0xffff, v1  }
0x76: {  	v2 =	vld [tilespmem:$0x70];
	_ =	sdelay $0x2  }
0x77: {  	p1 =	sne.s32 s11, $0x1  }
.Ltmp1:
0x78: {  	_ = 	snop;
	(pc) =	sbr.rel @p1 .LBB2_4-.Ltmp1, $3  }
0x79: {  	_ =	sdelay $0x1  }
0x7a: {  	s21 =	sadd.s32 $0x200, s21;
	s11 =	sadd.s32 $0xFFFFFFFF, s11  }
0x7b: {  	s31 =	sadd.s32 $0x10000, s31;
	s20 =	sadd.s32 $0x200, s20;
	s30 =	sadd.s32 $0x10000, s30;
	[tilespmem:v2+s26+$0x0] =	vst.idx.add.f32.msk $0xffff, v1  }
0x7c: {  	s11 =	simm.s32 $0x400  }
0x7d: {  	[hbm4b:s12+s24] =	stream.strided.scatter [tilespmem:s26], [sflag:$0x1], $0x2780, s11, s24, $0x38;
	[tilespmem:$0x1A080] =	vst v63  }
0x7e: {  	_ =	swait.ge [sflag:s25], $0x2780  }
0x7f: {  	[sflag:s25] =	ssyncset.done $0x0  }
0x80: {  	[sflag:s25] =	ssyncadd.s32 $0xFFFFD880  }
0x81: {  	[bflag:$0x0] =	sbarrier.arrive $0xFFFF  }
0x82: {  	[tilespmem:s24], [sflag:$0x1] =	stream.linear.gather [spmem:s5], $0x4000, $0x38;
	[tilespmem:$0x1A080] =	vst v63  }
0x83: {  	_ =	swait.ge [sflag:s25], $0x4000  }
0x84: {  	[sflag:s25] =	ssyncset.done $0x0  }
0x85: {  	[sflag:s25] =	ssyncadd.s32 $0xFFFFC000  }
0x86: {  	[hbm4b:s13+s3] =	stream.linear.scatter [tilespmem:s24], [sflag:$0x1], $0x4000, $0x38;
	[tilespmem:$0x1A080] =	vst v63  }
0x87: {  	_ =	swait.ge [sflag:s25], $0x4000  }
0x88: {  	[sflag:s25] =	ssyncset.done $0x0  }
0x89: {  	[sflag:s25] =	ssyncadd.s32 $0xFFFFC000  }
0x8a: {  	[tilespmem:s24], [sflag:$0x1] =	stream.linear.gather [spmem:s6], $0x4000, $0x38;
	[tilespmem:$0x1A080] =	vst v63  }
0x8b: {  	_ =	swait.ge [sflag:s25], $0x4000  }
0x8c: {  	[sflag:s25] =	ssyncset.done $0x0  }
0x8d: {  	[sflag:s25] =	ssyncadd.s32 $0xFFFFC000  }
0x8e: {  	[hbm4b:s14+s3] =	stream.linear.scatter [tilespmem:s24], [sflag:$0x1], $0x4000, $0x38;
	[tilespmem:$0x1A080] =	vst v63  }
0x8f: {  	_ =	swait.ge [sflag:s25], $0x4000  }
0x90: {  	[sflag:s25] =	ssyncset.done $0x0  }
0x91: {  	[sflag:s25] =	ssyncadd.s32 $0xFFFFC000  }
0x92: {  	[tilespmem:s24], [sflag:$0x1] =	stream.linear.gather [spmem:s7], $0x4000, $0x38;
	[tilespmem:$0x1A080] =	vst v63  }
0x93: {  	_ =	swait.ge [sflag:s25], $0x4000  }
0x94: {  	[sflag:s25] =	ssyncset.done $0x0  }
0x95: {  	[sflag:s25] =	ssyncadd.s32 $0xFFFFC000  }
0x96: {  	[hbm4b:s15+s3] =	stream.linear.scatter [tilespmem:s24], [sflag:$0x1], $0x4000, $0x38;
	[tilespmem:$0x1A080] =	vst v63  }
0x97: {  	_ =	swait.ge [sflag:s25], $0x4000  }
0x98: {  	[sflag:s25] =	ssyncset.done $0x0  }
0x99: {  	[sflag:s25] =	ssyncadd.s32 $0xFFFFC000  }
0x9a: {  	[tilespmem:s24], [sflag:$0x1] =	stream.linear.gather [spmem:s8], $0x4000, $0x38;
	[tilespmem:$0x1A080] =	vst v63  }
0x9b: {  	_ =	swait.ge [sflag:s25], $0x4000  }
0x9c: {  	[sflag:s25] =	ssyncset.done $0x0  }
0x9d: {  	[sflag:s25] =	ssyncadd.s32 $0xFFFFC000  }
0x9e: {  	[hbm4b:s16+s3] =	stream.linear.scatter [tilespmem:s24], [sflag:$0x1], $0x4000, $0x38;
	[tilespmem:$0x1A080] =	vst v63  }
0x9f: {  	_ =	swait.ge [sflag:s25], $0x4000  }
0xa0: {  	[sflag:s25] =	ssyncset.done $0x0  }
0xa1: {  	[sflag:s25] =	ssyncadd.s32 $0xFFFFC000  }
0xa2: {  	[tilespmem:s24], [sflag:$0x1] =	stream.linear.gather [spmem:s9], $0x3800, $0x38;
	[tilespmem:$0x1A080] =	vst v63  }
0xa3: {  	_ =	swait.ge [sflag:s25], $0x3800  }
0xa4: {  	[sflag:s25] =	ssyncset.done $0x0  }
0xa5: {  	[sflag:s25] =	ssyncadd.s32 $0xFFFFC800  }
0xa6: {  	[hbm4b:s17+s3] =	stream.linear.scatter [tilespmem:s24], [sflag:$0x1], $0x3800, $0x38;
	[tilespmem:$0x1A080] =	vst v63  }
0xa7: {  	_ =	swait.ge [sflag:s25], $0x3800  }
0xa8: {  	[sflag:s25] =	ssyncset.done $0x0  }
0xa9: {  	s20 =	simm.s32 @!p0 $0x1;
	s11 =	simm.s32 @!p0 $0x80;
	[sflag:s25] =	ssyncadd.s32 $0xFFFFC800  }
0xaa: {  	[tilespmem:s11], [sflag:$0x1] =	stream.linear.gather @!p0 [spmem:s10], $0x800, $0x38;
	[tilespmem:$0x1A080] =	vst v63  }
0xab: {  	s29 =	sadd.s32 $0x1, s29;
	_ =	swait.ge @!p0 [sflag:s20], $0x800  }
0xac: {  	p1 =	sne.s32 s29, s19;
	[sflag:s20] =	ssyncset.done @!p0 $0x0  }
.Ltmp2:
0xad: {  	s21 =	simm.s32 @!p0 $0x0;
	[sflag:s20] =	ssyncadd.s32 @!p0 $0xFFFFF800;
	(pc) =	sbr.rel @p1 .LBB2_1-.Ltmp2, $4  }
0xae: {  	[hbm4b:s18+s21] =	stream.linear.scatter @!p0 [tilespmem:s11], [sflag:$0x1], $0x800, $0x38;
	[tilespmem:$0x1A080] =	vst v63  }
0xaf: {  	_ =	swait.ge @!p0 [sflag:s20], $0x800  }
0xb0: {  	[sflag:s20] =	ssyncset.done @!p0 $0x0  }
0xb1: {  	[sflag:s20] =	ssyncadd.s32 @!p0 $0xFFFFF800  }
0xb2: {  	_ =	sfence.sel $0x180000  }
0xb3: {  	[bflag:$0x0] =	sbarrier.arrive $0xFFFF  }
0xb4: {  	_ =	strace $0x9000004D  }
0xb5: {  	s0 =	stileid.u32;
	[bflag:$0x2] =	sbarrier.arrive $0xFFFF  }
0xb6: {  	p0 =	sne.s32 s0, $0x0;
	s0 =	rddreg [dreg:$0x2]  }
0xb7: {  	s0 =	sadd.s32 @!p0 $0x100000, s0  }
0xb8: {  	[sflag:s0] =	ssyncadd.tile.s32 @!p0 $0x1;
	_ =	shalt  }
.Lfunc_end2:
_tile_overlayer_lowered:
.L_overlay_start_2:
0xb9: {  	(tag) =	ssettag $0x2  }
0xba: {  	s0 =	rddreg [dreg:$0x0];
	s2 =	stileid.u32  }
0xbb: {  	s1 =	rddreg [dreg:$0x1];
	p0 =	sne.s32 s2, $0x0  }
0xbc: {  	s3 =	rddreg [dreg:$0x2];
	[bflag:$0x3] =	sbarrier.arrive $0xFFFF;
	s2 =	simm.s32 @!p0 $0x1C01  }
0xbd: {  	[timem:s3], [sflag:s2] =	dma.local @!p0 [hbm:s0], s1  }
0xbe: {  	s0 =	simm.s32 @!p0 $0x1  }
0xbf: {  	_ =	swait.ge @!p0 [sflag:s0], s1  }
0xc0: {  	s1 =	ssub.s32 @!p0 $0x0, s1;
	[sflag:s0] =	ssyncset.done @!p0 $0x0  }
0xc1: {  	[sflag:s0] =	ssyncadd.s32 @!p0 s1  }
0xc2: {  	[bflag:$0x3] =	sbarrier.arrive $0xFFFF  }
0xc3: {  	_ =	shalt  }

// kernel: kernel.9.cloned.1.call-start
scs
__scs_entry_jumppad:
0x0: {  	(pc) =	sbr.rel $0x88, $3  }
0x1: {  	(tag) =	ssettag $0x0;
	lr =	simm.s32 $0x1  }
0x2: {  	[smem:$0x3F96] =	sst lr;
	_ =	strace $0xD0000000  }
0x3: {  	_ = 	snop  }
0x4: {  	_ = 	snop  }
0x5: {  	_ = 	snop  }
0x6: {  	_ = 	snop  }
0x7: {  	_ = 	snop  }
__scs_overlays_trampoline_lowered:
0x8: {  	[smem:$0x3FA5] =	sst s0  }
0x9: {  	[smem:$0x3FA6] =	sst s1  }
0xa: {  	[smem:$0x3FA7] =	sst s2  }
0xb: {  	[smem:$0x3FA8] =	sst s3  }
0xc: {  	[smem:$0x3FA9] =	sst s4  }
0xd: {  	[smem:$0x3FAA] =	sst s5  }
0xe: {  	[smem:$0x3FAB] =	sst s6  }
0xf: {  	[smem:$0x3FAC] =	sst s7  }
0x10: {  	[smem:$0x3FAD] =	sst s8  }
0x11: {  	[smem:$0x3FAE] =	sst s9;
	s0 =	simm.s32 @!p0 $0x0  }
0x12: {  	s1 =	sld [smem:$0x3F94];
	s0 =	simm.s32 @p0 $0x1  }
0x13: {  	[smem:$0x3FAF] =	sst s0;
	s0 =	simm.s32 @!p1 $0x0  }
0x14: {  	s2 =	sld [smem:$0x3F93];
	s0 =	simm.s32 @p1 $0x1  }
0x15: {  	[smem:$0x3FB0] =	sst s0;
	s0 =	simm.s32 @!p2 $0x0  }
0x16: {  	s3 =	sld [smem:$0x3FDB];
	s0 =	simm.s32 @p2 $0x1  }
0x17: {  	s4 =	simm.s32 $0x1BF5;
	[smem:$0x3FB2] =	sst s0  }
0x18: {  	s0 =	sld [smem:$0x3F95];
	_ =	swait.ge [sflag:s4], $0x0  }
0x19: {  	s7 =	sld [smem:$0x3F96]  }
0x1a: {  	s8 =	sadd.s32 $0xFFFFE003, lr  }
0x1b: {  	s9 =	sadd.s32 $0xFFFFFEF7, lr;
	s5 =	simm.s32 $0xFFFFFFFF;
	p2 =	slt.u32 s8, $0xFFFFF086  }
0x1c: {  	p1 =	slt.u32 s9, $0xF7A;
	s5 =	simm.s32 @!p2 $0x0  }
0x1d: {  	s5 =	simm.s32 @p1 $0x1;
	p0 =	seq.s32 s7, s2  }
0x1e: {  	s7 =	smul.u32 @!p0 $0xF7A, s2;
	p2 =	seq.s32 @!p0 s5, $0x0  }
0x1f: {  	s9 =	smul.u32 $0xF7A, s1;
	s8 =	simm.s32 @!p0 $0x1BF5;
	p2 =	por !p2, p0  }
0x20: {  	[sflag:s8] =	ssyncset.s32 @!p0 $0xFFFFF086;
	s6 =	sadd.s32 @!p0 s3, s7;
	s7 =	simm.s32 @!p0 $0x108  }
0x21: {  	s3 =	sadd.s32 s3, s9;
	s6 =	sadd.s32 @!p0 $0x88, s6;
	s7 =	simm.s32 @p2 $0x1082  }
0x22: {  	[simem:s7], [sflag:s8] =	dma.local @!p0 [hbm:s6], $0xF7A  }
0x23: {  	s9 =	sor.u32 $0xD0000000, s2;
	s6 =	simm.s32 $0x108;
	_ =	swait.ge @!p0 [sflag:s8], $0x0  }
0x24: {  	s3 =	sadd.s32 $0x88, s3;
	s6 =	simm.s32 @!p1 $0x1082;
	[sflag:s4] =	ssyncset.s32 $0xFFFFF086  }
0x25: {  	[simem:s6], [sflag:s4] =	dma.local [hbm:s3], $0xF7A  }
0x26: {  	[smem:$0x3F96] =	sst s1;
	(tag) =	ssettag s2;
	_ =	strace s9  }
0x27: {  	s1 =	sld [smem:$0x3FA6]  }
0x28: {  	s2 =	sld [smem:$0x3FA7]  }
0x29: {  	s4 =	sld [smem:$0x3FA9]  }
0x2a: {  	p0 =	seq.s32 s5, $0x0;
	s5 =	sld [smem:$0x3FAA]  }
0x2b: {  	s6 =	sld [smem:$0x3FAB]  }
0x2c: {  	s7 =	sld [smem:$0x3FAC]  }
0x2d: {  	s3 =	simm.s32 $0x108;
	s8 =	sld [smem:$0x3FAD]  }
0x2e: {  	s3 =	simm.s32 @!p0 $0x1082;
	s9 =	sld [smem:$0x3FAE]  }
0x2f: {  	lr =	sadd.s32 s0, s3;
	s0 =	sld [smem:$0x3FA5]  }
0x30: {  	s3 =	sld [smem:$0x3FA8]  }
0x31: {  	[smem:$0x3FB1] =	sst s10  }
0x32: {  	s10 =	sld [smem:$0x3FAF];
	_ =	sdelay $0x3  }
0x33: {  	p0 =	seq.s32 s10, $0x1;
	s10 =	sld [smem:$0x3FB1];
	_ =	sdelay $0x3  }
0x34: {  	[smem:$0x3FB1] =	sst s10  }
0x35: {  	s10 =	sld [smem:$0x3FB0];
	_ =	sdelay $0x3  }
0x36: {  	p1 =	seq.s32 s10, $0x1;
	s10 =	sld [smem:$0x3FB1];
	_ =	sdelay $0x3  }
0x37: {  	[smem:$0x3FB1] =	sst s10  }
0x38: {  	s10 =	sld [smem:$0x3FB2]  }
0x39: {  	_ = 	snop;
	(pc) =	sbr.ind lr, $3  }
0x3a: {  	_ = 	snop  }
0x3b: {  	_ = 	snop  }
0x3c: {  	p2 =	seq.s32 s10, $0x1;
	s10 =	sld [smem:$0x3FB1]  }
0x3d: {  	_ =	shalt  }
0x3e: {  	_ =	shalt  }
0x3f: {  	_ =	shalt  }
0x40: {  	_ =	shalt  }
0x41: {  	_ =	shalt  }
0x42: {  	_ =	shalt  }
0x43: {  	_ =	shalt  }
0x44: {  	_ =	shalt  }
0x45: {  	_ =	shalt  }
0x46: {  	_ =	shalt  }
0x47: {  	_ =	shalt  }
0x48: {  	_ =	shalt  }
0x49: {  	_ =	shalt  }
0x4a: {  	_ =	shalt  }
0x4b: {  	_ =	shalt  }
0x4c: {  	_ =	shalt  }
0x4d: {  	_ =	shalt  }
0x4e: {  	_ =	shalt  }
0x4f: {  	_ =	shalt  }
0x50: {  	_ =	shalt  }
0x51: {  	_ =	shalt  }
0x52: {  	_ =	shalt  }
0x53: {  	_ =	shalt  }
0x54: {  	_ =	shalt  }
0x55: {  	_ =	shalt  }
0x56: {  	_ =	shalt  }
0x57: {  	_ =	shalt  }
0x58: {  	_ =	shalt  }
0x59: {  	_ =	shalt  }
0x5a: {  	_ =	shalt  }
0x5b: {  	_ =	shalt  }
0x5c: {  	_ =	shalt  }
0x5d: {  	_ =	shalt  }
0x5e: {  	_ =	shalt  }
0x5f: {  	_ =	shalt  }
0x60: {  	_ =	shalt  }
0x61: {  	_ =	shalt  }
0x62: {  	_ =	shalt  }
0x63: {  	_ =	shalt  }
0x64: {  	_ =	shalt  }
0x65: {  	_ =	shalt  }
0x66: {  	_ =	shalt  }
0x67: {  	_ =	shalt  }
0x68: {  	_ =	shalt  }
0x69: {  	_ =	shalt  }
0x6a: {  	_ =	shalt  }
0x6b: {  	_ =	shalt  }
0x6c: {  	_ =	shalt  }
0x6d: {  	_ =	shalt  }
0x6e: {  	_ =	shalt  }
0x6f: {  	_ =	shalt  }
0x70: {  	_ =	shalt  }
0x71: {  	_ =	shalt  }
0x72: {  	_ =	shalt  }
0x73: {  	_ =	shalt  }
0x74: {  	_ =	shalt  }
0x75: {  	_ =	shalt  }
0x76: {  	_ =	shalt  }
0x77: {  	_ =	shalt  }
0x78: {  	_ =	shalt  }
0x79: {  	_ =	shalt  }
0x7a: {  	_ =	shalt  }
0x7b: {  	_ =	shalt  }
0x7c: {  	_ =	shalt  }
0x7d: {  	_ =	shalt  }
0x7e: {  	_ =	shalt  }
0x7f: {  	_ =	shalt  }
0x80: {  	_ =	shalt  }
0x81: {  	_ =	shalt  }
0x82: {  	_ =	shalt  }
0x83: {  	_ =	shalt  }
0x84: {  	_ =	shalt  }
0x85: {  	_ =	shalt  }
0x86: {  	_ =	shalt  }
0x87: {  	_ =	shalt  }
.Lfunc_end0:
.L_simem_size_0:
called_computation_lowered:
.L_overlay_start_0:
0x88: {  	s2 =	sld [smem:$0x3FD9]  }
0x89: {  	s3 =	sld [smem:$0x3FFE];
	_ =	sdelay $0x1  }
0x8a: {  	s1 =	srdreg.scid  }
0x8b: {  	s0 =	sand.u32 $0x1, s1  }
0x8c: {  	s17 =	sshll.u32 s0, $0xA;
	s2 =	sadd.s32 s3, s2  }
0x8d: {  	s2 =	sadd.s32 s2, s17  }
0x8e: {  	[smem:$0x3FBD] =	sst s2  }
0x8f: {  	_ = 	snop  }
0x90: {  	s18 =	sld [smem:$0x3FC9];
	(tm) =	ssettm $0x1  }
0x91: {  	s19 =	sld [smem:$0x3FFB];
	_ =	sdelay $0x3  }
0x92: {  	_ =	strace s19  }
0x93: {  	s2 =	sld [smem:$0x3FFC];
	_ =	sdelay $0x3  }
0x94: {  	_ =	strace s2  }
0x95: {  	s2 =	sld [smem:$0x3FFD];
	_ =	sdelay $0x3  }
0x96: {  	_ =	strace s2  }
0x97: {  	_ =	strace $0x8FFFFFFF  }
0x98: {  	s20 =	sld [smem:$0x3FDB];
	_ =	sdelay $0x1  }
0x99: {  	s4 =	simm.s32 $_scs_section_size  }
0x9a: {  	s5 =	simm.s32 $_size__tile_overlayer_lowered;
	s6 =	simm.s32 $_tile_overlayer_lowered  }
0x9b: {  	s7 =	simm.s32 $0x1BFF;
	s21 =	sshll.u32 s6, $0x1;
	s4 =	sadd.s32 s4, s20  }
0x9c: {  	s22 =	simm.s32 $0x0;
	s5 =	sshll.u32 s5, $0x1;
	s6 =	sadd.s32 s21, s4  }
0x9d: {  	[timem:s22], [sflag:s7] =	dma.local [hbm:s6], s5  }
0x9e: {  	_ =	swait.ge [sflag:s7], s5  }
0x9f: {  	s5 =	ssub.s32 $0x0, s5;
	[sflag:s7] =	ssyncset.done $0x0  }
0xa0: {  	[sflag:s7] =	ssyncadd.s32 s5;
	_ =	sdelay $0x1  }
0xa1: {  	s23 =	simm.s32 $0x1B8B  }
0xa2: {  	_ =	swait.ge [sflag:s23], $0x1  }
0xa3: {  	[sflag:s23] =	ssyncset.done $0x0  }
0xa4: {  	[sflag:s23] =	ssyncadd.s32 $0xFFFFFFFF  }
0xa5: {  	s5 =	sld [smem:$0x0]  }
0xa6: {  	s6 =	sand.u32 $0xFFFFFFFE, s1  }
0xa7: {  	p0 =	sne.s32 s1, s6  }
0xa8: {  	s6 =	sshll.u32 @p0 s6, $0xE  }
0xa9: {  	s6 =	sadd.s32 @p0 $0x11B8D, s6;
	s7 =	sshll.u32 @p0 s5, $0x11  }
0xaa: {  	s6 =	sor.u32 @p0 s7, s6  }
0xab: {  	[sflag:s6] =	ssyncadd.remote.s32 @p0 $0x1;
	_ =	sdelay $0x1  }
0xac: {  	s6 =	simm.s32 @p0 $0x1B8D  }
0xad: {  	_ =	swait.eq @p0 [sflag:s6], $0x1  }
0xae: {  	[sflag:s6] =	ssyncadd.s32 @p0 $0xFFFFFFFF  }
0xaf: {  	s7 =	sshll.u32 @!p0 s1, $0xE  }
0xb0: {  	s7 =	sor.u32 @!p0 $0x4000, s7;
	s6 =	simm.s32 @!p0 $0x1B8D  }
0xb1: {  	s5 =	sshll.u32 @!p0 s5, $0x11;
	s7 =	sadd.s32 @!p0 $0x11B8D, s7;
	_ =	swait.eq @!p0 [sflag:s6], $0x1  }
0xb2: {  	s5 =	sor.u32 @!p0 s5, s7;
	[sflag:s6] =	ssyncadd.s32 @!p0 $0xFFFFFFFF  }
0xb3: {  	s25 =	simm.s32 $0x1B8E;
	s24 =	sld [smem:$0x3FFE];
	[sflag:s5] =	ssyncadd.remote.s32 @!p0 $0x1  }
0xb4: {  	s26 =	simm.s32 $execute0_lowered;
	[smem:$0x3FD2] =	sst s25  }
0xb5: {  	s6 =	sshll.u32 s26, $0x1;
	_ =	strace $0x80000049;
	[dreg:$0x1] =	wrdreg $0xFFFFFFFF  }
0xb6: {  	s28 =	simm.s32 $_size_execute0_lowered;
	s4 =	sadd.s32 s4, s6;
	[dreg:$0x0] =	wrdreg $0x0  }
0xb7: {  	s6 =	sshll.u32 s28, $0x1;
	[dreg:$0x2] =	wrdreg s4  }
0xb8: {  	[dreg:$0x3] =	wrdreg s6  }
0xb9: {  	[dreg:$0x4] =	wrdreg $0xC0  }
0xba: {  	_ =	task [dreg:s22], $0x5FFFF  }
0xbb: {  	[dreg:$0x1] =	wrdreg $0xFFFFFFFF  }
0xbc: {  	[dreg:$0x0] =	wrdreg $0x60  }
0xbd: {  	[dreg:$0x2] =	wrdreg s18  }
0xbe: {  	[dreg:$0x3] =	wrdreg s24  }
0xbf: {  	[dreg:$0x4] =	wrdreg $0x9  }
0xc0: {  	_ =	task.clear_ibuf [dreg:s22], $0x5FFFF;
	_ =	strace $0x90000049  }
0xc1: {  	s29 =	simm.s32 $0x9;
	_ =	strace $0x8000004B  }
0xc2: {  	_ =	swait.ge [sflag:s29], $0x1  }
0xc3: {  	[sflag:s29] =	ssyncadd.s32 $0xFFFFFFFF  }
0xc4: {  	_ =	strace $0x9000004B  }
0xc5: {  	_ =	sfence  }
0xc6: {  	s30 =	sld [smem:$0x0];
	_ =	sdelay $0x2  }
0xc7: {  	s31 =	sshll.u32 s1, $0xD;
	s1 =	sshrl.u32 s1, $0x2  }
0xc8: {  	s4 =	sand.u32 $0x4000, s31;
	s1 =	sadd.s32 s1, s30  }
0xc9: {  	s0 =	sor.u32 s4, s0;
	s1 =	sshll.u32 s1, $0x11  }
0xca: {  	s0 =	sor.u32 s1, s0  }
0xcb: {  	s0 =	sadd.s32 $0x8F2B, s0  }
0xcc: {  	[sflag:s0] =	ssyncadd.remote.s32 $0x1  }
0xcd: {  	_ =	sfence.sel $0xFFFF  }
0xce: {  	[dreg:$0x0] =	wrdreg $0xFFFFFFFF;
	(pc) =	sbr.abs _section_cstart, $3  }
0xcf: {  	[dreg:$0x1] =	wrdreg $0xFFFFFFFF  }
0xd0: {  	_ =	task.clear_ibuf [dreg:s22], $0x2FFFF;
	_ =	strace $0x9FFFFFFF  }
0xd1: {  	(tm) =	ssettm $0x7FFFFFFF  }
tec
execute0_lowered:
.L_overlay_start_1:
0x0: {  	(tag) =	ssettag $0x1  }
0x1: {  	s1 =	srdreg.scid;
	s2 =	rddreg [dreg:$0x0]  }
0x2: {  	s0 =	stileid.u32;
	s4 =	rddreg [dreg:$0x1];
	s3 =	simm.s32 $0x0  }
0x3: {  	s11 =	simm.s32 $0x80;
	s12 =	simm.s32 $0x100;
	s13 =	simm.s32 $0x4100  }
0x4: {  	s14 =	simm.s32 $0x1;
	s15 =	simm.s32 $0x2;
	s16 =	simm.s32 $0x0  }
0x5: {  	s6 =	sand.u32 $0x1, s1;
	s5 =	sshll.u32 s0, $0x8;
	s1 =	rddreg [dreg:$0x2]  }
0x6: {  	[smem:$0x7FF] =	sst s3;
	s26 =	sshll.u32 s0, $0xC;
	s9 =	sshll.u32 s0, $0x1  }
0x7: {  	s7 =	sshll.u32 s6, $0x7;
	_ =	strace $0x8000004A;
	s8 =	ssub.s32 $0x2, s6  }
0x8: {  	s10 =	sadd.s32 s26, s4;
	s29 =	sor.u32 s6, s9;
	s30 =	sshll.u32 s6, $0xB  }
0x9: {  	s5 =	sor.u32 s7, s5;
	s28 =	sshrl.u32 s8, $0x1;
	p0 =	slt.u32 s29, $0x11  }
0xa: {  	s31 =	sadd.s32 s30, s10;
	s10 =	simm.s32 $0x3;
	s5 =	sshrl.u32 s5, $0x3  }
0xb: {  	s8 =	ssub.s32 s8, s28;
	s9 =	sadd.s32 $0x3B6000, s31;
	s25 =	sadd.s32 s5, s4  }
0xc: {  	s4 =	simm.s32 $0x14;
	s5 =	smax.u32 s8, $0x1;
	s8 =	sadd.s32 $0x27D800, s31  }
0xd: {  	s4 =	simm.s32 @!p0 $0x13;
	s6 =	sadd.s32 $0x278800, s25;
	s7 =	sadd.s32 $0x27B000, s25  }
.LBB2_1:
0xe: {  	[tilespmem:s3], [sflag:$0x3] =	stream.linear.gather [hbm4b:s7+s3], $0x80, $0x38;
	[tilespmem:$0x8100] =	vst v63  }
0xf: {  	_ =	swait.ge [sflag:s10], $0x80  }
0x10: {  	[sflag:s10] =	ssyncset.done $0x0  }
0x11: {  	[sflag:s10] =	ssyncadd.s32 $0xFFFFFF80  }
0x12: {  	[tilespmem:s11], [sflag:$0x3] =	stream.linear.gather [hbm4b:s6+s3], $0x80, $0x38;
	[tilespmem:$0x8100] =	vst v63  }
0x13: {  	_ =	swait.ge [sflag:s10], $0x80  }
0x14: {  	[sflag:s10] =	ssyncset.done $0x0  }
0x15: {  	[sflag:s10] =	ssyncadd.s32 $0xFFFFFF80  }
0x16: {  	[tilespmem:s12], [sflag:$0x1] =	stream.indirect.gather [hbm4b:s2+s11], $0x80, s3, s11, $0xb8;
	[tilespmem:$0x8100] =	vst v63  }
0x17: {  	_ = 	snop  }
0x18: {  	[tilespmem:s13], [sflag:$0x2] =	stream.indirect.gather [hbm4b:s2+s11], $0x80, s11, s11, $0xb8;
	[tilespmem:$0x8100] =	vst v63  }
0x19: {  	_ =	swait.ge [sflag:s14], $0x4000  }
0x1a: {  	[sflag:s14] =	ssyncset.done $0x0  }
0x1b: {  	[sflag:s14] =	ssyncadd.s32 $0xFFFFC000  }
0x1c: {  	_ =	swait.ge [sflag:s15], $0x4000  }
0x1d: {  	[sflag:s15] =	ssyncset.done $0x0  }
0x1e: {  	[sflag:s15] =	ssyncadd.s32 $0xFFFFC000  }
0x1f: {  	[hbm4b:s8+s3] =	stream.linear.scatter [tilespmem:s12], [sflag:$0x3], $0x4000, $0x38;
	[tilespmem:$0x8100] =	vst v63  }
0x20: {  	p0 =	sne.s32 s4, $0x1;
	_ =	swait.ge [sflag:s10], $0x4000  }
.Ltmp0:
0x21: {  	[sflag:s10] =	ssyncset.done $0x0;
	(pc) =	sbr.rel @!p0 .LBB2_3-.Ltmp0, $4  }
0x22: {  	s17 =	sadd.s32 $0xFFFFFFFF, s4;
	[sflag:s10] =	ssyncadd.s32 $0xFFFFC000  }
0x23: {  	[hbm4b:s9+s3] =	stream.linear.scatter [tilespmem:s13], [sflag:$0x3], $0x4000, $0x38;
	[tilespmem:$0x8100] =	vst v63  }
0x24: {  	s18 =	sadd.s32 $0x10000, s8;
	s19 =	sadd.s32 $0x10000, s9;
	_ =	swait.ge [sflag:s10], $0x4000  }
0x25: {  	s20 =	smov.u32 s6;
	s21 =	smov.u32 s7;
	[sflag:s10] =	ssyncset.done $0x0  }
.LBB2_2:
0x26: {  	[sflag:s10] =	ssyncadd.s32 $0xFFFFC000;
	s20 =	sadd.s32 $0x200, s20;
	s21 =	sadd.s32 $0x200, s21  }
0x27: {  	[tilespmem:s3], [sflag:$0x3] =	stream.linear.gather [hbm4b:s21+s3], $0x80, $0x38;
	[tilespmem:$0x8100] =	vst v63  }
0x28: {  	p0 =	sne.s32 s17, $0x1;
	s17 =	sadd.s32 $0xFFFFFFFF, s17;
	_ =	swait.ge [sflag:s10], $0x80  }
0x29: {  	[sflag:s10] =	ssyncset.done $0x0  }
0x2a: {  	[sflag:s10] =	ssyncadd.s32 $0xFFFFFF80  }
0x2b: {  	[tilespmem:s11], [sflag:$0x3] =	stream.linear.gather [hbm4b:s20+s3], $0x80, $0x38;
	[tilespmem:$0x8100] =	vst v63  }
0x2c: {  	_ =	swait.ge [sflag:s10], $0x80  }
0x2d: {  	[sflag:s10] =	ssyncset.done $0x0  }
0x2e: {  	[sflag:s10] =	ssyncadd.s32 $0xFFFFFF80  }
0x2f: {  	[tilespmem:s12], [sflag:$0x1] =	stream.indirect.gather [hbm4b:s2+s11], $0x80, s3, s11, $0xb8;
	[tilespmem:$0x8100] =	vst v63  }
0x30: {  	_ = 	snop  }
0x31: {  	[tilespmem:s13], [sflag:$0x2] =	stream.indirect.gather [hbm4b:s2+s11], $0x80, s11, s11, $0xb8;
	[tilespmem:$0x8100] =	vst v63  }
0x32: {  	_ =	swait.ge [sflag:s14], $0x4000  }
0x33: {  	[sflag:s14] =	ssyncset.done $0x0  }
0x34: {  	[sflag:s14] =	ssyncadd.s32 $0xFFFFC000  }
0x35: {  	_ =	swait.ge [sflag:s15], $0x4000  }
0x36: {  	[sflag:s15] =	ssyncset.done $0x0  }
0x37: {  	[sflag:s15] =	ssyncadd.s32 $0xFFFFC000  }
0x38: {  	[hbm4b:s18+s3] =	stream.linear.scatter [tilespmem:s12], [sflag:$0x3], $0x4000, $0x38;
	[tilespmem:$0x8100] =	vst v63  }
0x39: {  	_ =	swait.ge [sflag:s10], $0x4000  }
.Ltmp1:
0x3a: {  	[sflag:s10] =	ssyncset.done $0x0;
	(pc) =	sbr.rel @p0 .LBB2_2-.Ltmp1, $4  }
0x3b: {  	[sflag:s10] =	ssyncadd.s32 $0xFFFFC000  }
0x3c: {  	[hbm4b:s19+s3] =	stream.linear.scatter [tilespmem:s13], [sflag:$0x3], $0x4000, $0x38;
	[tilespmem:$0x8100] =	vst v63  }
0x3d: {  	_ =	swait.ge [sflag:s10], $0x4000  }
0x3e: {  	s18 =	sadd.s32 $0x10000, s18;
	s19 =	sadd.s32 $0x10000, s19;
	[sflag:s10] =	ssyncset.done $0x0  }
.LBB2_3:
0x3f: {  	s16 =	sadd.s32 $0x1, s16  }
0x40: {  	p0 =	sne.s32 s16, s5  }
.Ltmp2:
0x41: {  	_ = 	snop;
	(pc) =	sbr.rel @p0 .LBB2_1-.Ltmp2, $2  }
0x42: {  	_ =	sdelay $0x2  }
0x43: {  	[sflag:s10] =	ssyncadd.s32 $0xFFFFC000  }
0x44: {  	_ =	sfence.sel $0x180000  }
0x45: {  	[bflag:$0x0] =	sbarrier.arrive $0xFFFF  }
0x46: {  	p0 =	sne.s32 s0, $0x0;
	_ =	strace $0x9000004A  }
0x47: {  	s0 =	sadd.s32 @!p0 $0x100000, s1;
	[bflag:$0x2] =	sbarrier.arrive $0xFFFF  }
0x48: {  	[sflag:s0] =	ssyncadd.tile.s32 @!p0 $0x1;
	_ =	shalt  }
.Lfunc_end2:
_tile_overlayer_lowered:
.L_overlay_start_2:
0x49: {  	(tag) =	ssettag $0x2  }
0x4a: {  	s0 =	rddreg [dreg:$0x0];
	s2 =	stileid.u32  }
0x4b: {  	s1 =	rddreg [dreg:$0x1];
	p0 =	sne.s32 s2, $0x0  }
0x4c: {  	s3 =	rddreg [dreg:$0x2];
	[bflag:$0x3] =	sbarrier.arrive $0xFFFF;
	s2 =	simm.s32 @!p0 $0x1C03  }
0x4d: {  	[timem:s3], [sflag:s2] =	dma.local @!p0 [hbm:s0], s1  }
0x4e: {  	s0 =	simm.s32 @!p0 $0x3  }
0x4f: {  	_ =	swait.ge @!p0 [sflag:s0], s1  }
0x50: {  	s1 =	ssub.s32 @!p0 $0x0, s1;
	[sflag:s0] =	ssyncset.done @!p0 $0x0  }
0x51: {  	[sflag:s0] =	ssyncadd.s32 @!p0 s1  }
0x52: {  	[bflag:$0x3] =	sbarrier.arrive $0xFFFF  }
0x53: {  	_ =	shalt  }

</sc_bundles>
